<compile_context>
chip_gen: v7x
topology: tpu7x:2x2x1
jax: 0.10.2.dev20260603
libtpu: 0.0.44.dev20260713+nightly
codegen_flags: <defaults>
</compile_context>

<pallas_src>
import functools

import jax
import jax.numpy as jnp
from jax import lax
from jax.experimental import pallas as pl
from jax.experimental.pallas import tpu as pltpu
from jax.experimental.pallas import tpu_sc as plsc

NBINS = 512
XLO = -9.0
XHI = 9.0
SCALE = NBINS / (XHI - XLO)
NLANES = 16
NSLOTS = 2 * NBINS * NLANES
TSHIFT = (NBINS * NLANES).bit_length() - 1
HR = NSLOTS // 128
NEGR = HR // 2

IMG = 16
ROWS = 512
COLS = 512

ROWS_PER_CHUNK = 32
CHUNK = ROWS_PER_CHUNK * COLS
HALF = ROWS // 2
NCHUNKS = HALF // ROWS_PER_CHUNK


def _tc_prepass_body(x_ref, t_ref, s_ref):
    s16 = SCALE * 16.0
    off16 = -XLO * SCALE * 16.0
    hi16 = float((NBINS - 1) * 16 + 15)
    x = x_ref[...]
    t = t_ref[...]
    u = x * s16 + off16
    u = jnp.minimum(jnp.maximum(u, 0.0), hi16)
    b16 = jnp.bitwise_and(u.astype(jnp.int32), ~15)
    tshift = jnp.left_shift(t.astype(jnp.int32), TSHIFT)
    lane = jnp.bitwise_and(
        lax.broadcasted_iota(jnp.int32, x.shape, x.ndim - 1), 15)
    slots = b16 + tshift + lane
    lo = slots[:, :, : COLS // 2]
    hi = slots[:, :, COLS // 2 :]
    s_ref[...] = jnp.bitwise_or(lo, jnp.left_shift(hi, 16))


PRE_SPLIT = 1
PRE_R = ROWS // PRE_SPLIT


def _tc_prepass(x3, t3):
    return pl.pallas_call(
        _tc_prepass_body,
        grid=(IMG // 4,),
        in_specs=[
            pl.BlockSpec((4, ROWS, COLS), lambda i: (i, 0, 0)),
            pl.BlockSpec((4, ROWS, COLS), lambda i: (i, 0, 0)),
        ],
        out_specs=pl.BlockSpec((4, ROWS, COLS // 2), lambda i: (i, 0, 0)),
        out_shape=jax.ShapeDtypeStruct((IMG, ROWS, COLS // 2), jnp.int32),
    )(x3, t3)


def _sc_histogram(slots3):
    info = plsc.get_sparse_core_info()
    nc, ns = info.num_cores, info.num_subcores
    nw = nc * ns
    mesh = plsc.VectorSubcoreMesh(core_axis_name="c", subcore_axis_name="s")

    @functools.partial(
        pl.kernel,
        mesh=mesh,
        compiler_params=pltpu.CompilerParams(needs_layout_passes=False),
        out_type=jax.ShapeDtypeStruct((nw, NSLOTS), jnp.float32),
        scratch_types=[
            pltpu.VMEM((NSLOTS,), jnp.float32),
            pltpu.VMEM((ROWS_PER_CHUNK, COLS // 2), jnp.int32),
            pltpu.VMEM((ROWS_PER_CHUNK, COLS // 2), jnp.int32),
            pltpu.VMEM((ROWS_PER_CHUNK, COLS // 2), jnp.int32),
            pltpu.VMEM((ROWS_PER_CHUNK, COLS // 2), jnp.int32),
            pltpu.SemaphoreType.DMA,
            pltpu.SemaphoreType.DMA,
            pltpu.SemaphoreType.DMA,
            pltpu.SemaphoreType.DMA,
        ],
    )
    def hist_kernel(s_hbm, out_hbm, hist, sb0, sb1, sb2, sb3,
                    sem0, sem1, sem2, sem3):
        wid = lax.axis_index("s") * nc + lax.axis_index("c")
        img = wid // 2
        half = wid % 2
        ones = jnp.ones((NLANES,), jnp.float32)

        def zero_body(i, carry):
            z = jnp.zeros((NLANES,), jnp.float32)
            for k in range(32):
                hist[pl.ds((i * 32 + k) * NLANES, NLANES)] = z
            return carry

        lax.fori_loop(0, NSLOTS // (32 * NLANES), zero_body, 0)

        sbufs = (sb0, sb1, sb2, sb3)
        sems = (sem0, sem1, sem2, sem3)
        nbuf = len(sbufs)

        def start(c):
            row0 = half * HALF + c * ROWS_PER_CHUNK
            return pltpu.async_copy(
                s_hbm.at[img, pl.ds(row0, ROWS_PER_CHUNK), :],
                sbufs[c % nbuf], sems[c % nbuf])

        pending = [start(c) for c in range(nbuf - 1)]
        for c in range(NCHUNKS):
            pending[c % (nbuf - 1)].wait()
            if c + nbuf - 1 < NCHUNKS:
                pending[c % (nbuf - 1)] = start(c + nbuf - 1)
            sb = sbufs[c % nbuf]

            def body(r, carry):
                for g in range(COLS // 2 // NLANES):
                    p = sb[r, pl.ds(g * NLANES, NLANES)]
                    s0 = jnp.bitwise_and(p, 0xFFFF)
                    s1 = jnp.right_shift(p, 16)
                    plsc.addupdate_scatter(hist, [s0], ones)
                    plsc.addupdate_scatter(hist, [s1], ones)
                return carry

            lax.fori_loop(0, ROWS_PER_CHUNK, body, 0)

        pltpu.sync_copy(hist, out_hbm.at[wid])

    return hist_kernel(slots3)


def _cumsum_cols(x, width):
    rows = x.shape[0]
    k = 1
    while k < width:
        shifted = jnp.concatenate(
            [jnp.zeros((rows, k), x.dtype), x[:, : width - k]], axis=1)
        x = x + shifted
        k *= 2
    return x


def _cumsum_rows(x, height):
    cols = x.shape[1]
    k = 1
    while k < height:
        shifted = jnp.concatenate(
            [jnp.zeros((k, cols), x.dtype), x[: height - k, :]], axis=0)
        x = x + shifted
        k *= 2
    return x


def _tc_finalize_body(h_ref, out_ref):
    h = h_ref[...]
    g = jnp.sum(h, axis=0)

    s = g
    for k in (1, 2, 4, 8):
        s = s + jnp.concatenate(
            [s[:, k:], jnp.zeros((HR, k), jnp.float32)], axis=1)

    row = lax.broadcasted_iota(jnp.int32, (HR, 128), 0)
    col = lax.broadcasted_iota(jnp.int32, (HR, 128), 1)
    is_bin = (col % 16) == 0
    cnt = jnp.where(is_bin, s, 0.0)

    neg_rows = row < NEGR
    mneg = jnp.where(neg_rows, cnt, 0.0)
    mpos = jnp.where(neg_rows, 0.0, cnt)
    n_neg = jnp.sum(mneg)
    p_pos = jnp.sum(mpos)
    n_all = n_neg + p_pos

    colcs = _cumsum_cols(mneg, 128)
    rowtot = colcs[:, 127:128]
    rowpre = _cumsum_rows(rowtot, HR) - rowtot
    cum_inc = colcs + rowpre

    r = n_neg - cum_inc
    rpm = r + mneg

    vbin = (row % NEGR) * 8 + col // 16
    xm = XLO + (vbin.astype(jnp.float32) + 0.5) / SCALE
    vm = 1.0 / (1.0 + jnp.exp(-xm))

    denom = jnp.maximum((p_pos + r) * (p_pos + rpm), 1.0)
    dw = mneg * p_pos / denom
    loss_neg = jnp.sum(dw * (1.0 + vm))

    maxv = jnp.max(jnp.where(mneg > 0.0, vm, -1.0))
    loss_neg = jnp.where(
        p_pos > 0.5, loss_neg,
        jnp.where(n_neg > 0.5, 1.0 + maxv, 0.0))

    loss_pos = jnp.sum(mpos * (1.0 - vm)) / jnp.maximum(n_all, 1.0)
    out_ref[...] = jnp.reshape(loss_neg + loss_pos, (1, 1))


def _tc_finalize(hists):
    out = pl.pallas_call(
        _tc_finalize_body,
        out_shape=jax.ShapeDtypeStruct((1, 1), jnp.float32),
    )(hists)
    return out.reshape(())


def kernel(inputs, targets):
    slots = _tc_prepass(inputs, targets)
    hists = _sc_histogram(slots)
    return _tc_finalize(hists.reshape(-1, HR, 128))

# --- scband reference (transcript-rebuilt; emitter-appended) ---
"""Pipeline reference for scband-lovasz-hinge-loss-86182813761781 (READ-ONLY COPY).

The authoritative reference and input builder live on the scoring server;
editing this copy changes nothing except your own understanding.
"""

import jax, jax.numpy as jnp
import numpy as np


def setup_inputs(seed: int = 0) -> dict:
    key = jax.random.key(seed)
    k1, k2 = jax.random.split(key)
    inputs = jax.random.normal(k1, (16, 512, 512), dtype=jnp.float32)
    targets = jax.random.randint(k2, (16, 512, 512), 0, 2)
    return {"inputs": inputs, "targets": targets}


def _lovasz_grad(gt_sorted):
    gts = jnp.sum(gt_sorted)
    intersection = gts - jnp.cumsum(gt_sorted)
    union = gts + jnp.cumsum(1.0 - gt_sorted)
    jaccard = 1.0 - intersection / union
    jaccard = jnp.concatenate([jaccard[0:1], jaccard[1:] - jaccard[:-1]], axis=0)
    return jaccard


def _lovasz_hinge_flat(scores, labels):
    labelsf = labels.astype(scores.dtype)
    signs = 2.0 * labelsf - 1.0
    errors = 1.0 - scores * jax.lax.stop_gradient(signs)
    errors_sorted, perm = jax.lax.top_k(errors, errors.shape[0])
    gt_sorted = jnp.take(labelsf, perm, axis=0)
    grad = _lovasz_grad(gt_sorted)
    loss = jnp.dot(jax.nn.relu(errors_sorted), grad)
    return loss


def reference(inputs, targets):
    # forward of LovaszHingeLoss: sigmoid then lovasz_hinge(per_image=False, ignore=None)
    probs = jax.nn.sigmoid(inputs)
    scores = probs.reshape(-1)
    labels = targets.reshape(-1)
    loss = _lovasz_hinge_flat(scores, labels)
    return loss

if __name__ == "__main__":
    import jax
    _d = setup_inputs()
    print(jax.jit(kernel)(*tuple(_d.values())))

</pallas_src>

<mosaic_0001>
#map = affine_map<(d0, d1) -> (0, 0, 0)>
#map1 = affine_map<(d0, d1) -> (0, 0)>
module attributes {stable_mosaic.version = 14 : i64} {
  func.func @hist_kernel(%arg0: i32, %arg1: i32, %arg2: memref<16x512x256xi32, #tpu.memory_space<hbm>>, %arg3: memref<32x16384xf32, #tpu.memory_space<hbm>>, %arg4: memref<16384xf32, #tpu.memory_space<vmem>>, %arg5: memref<32x256xi32, #tpu.memory_space<vmem>>, %arg6: memref<32x256xi32, #tpu.memory_space<vmem>>, %arg7: memref<32x256xi32, #tpu.memory_space<vmem>>, %arg8: memref<32x256xi32, #tpu.memory_space<vmem>>, %arg9: memref<!tpu.dma_semaphore, #tpu.memory_space<semaphore_mem>>, %arg10: memref<!tpu.dma_semaphore, #tpu.memory_space<semaphore_mem>>, %arg11: memref<!tpu.dma_semaphore, #tpu.memory_space<semaphore_mem>>, %arg12: memref<!tpu.dma_semaphore, #tpu.memory_space<semaphore_mem>>) attributes {dimension_semantics = [#tpu.dimension_semantics<core_parallel>, #tpu.dimension_semantics<subcore_parallel>], iteration_bounds = array<i64: 2, 16>, scalar_prefetch = 0 : i64, scratch_operands = 9 : i64, tpu.core_type = #tpu.core_type<sc_vector_subcore>, window_params = [{transform_indices = #map}, {transform_indices = #map1}]} {
    %mul3A = arith.constant 2 : i32
    %mul3A_0 = arith.muli %arg1, %mul3A : i32
    %add3A = arith.addi %mul3A_0, %arg0 : i32
    %jit3A = arith.constant 2 : i32
    %div3A = arith.divsi %add3A, %jit3A : i32
    %sign3A = arith.constant 0 : i32
    %sign3A_1 = arith.cmpi sgt, %add3A, %sign3A : i32
    %sign3A_2 = arith.extui %sign3A_1 : i1 to i32
    %sign3A_3 = arith.constant 0 : i32
    %sign3A_4 = arith.cmpi slt, %add3A, %sign3A_3 : i32
    %sign3A_5 = arith.extui %sign3A_4 : i1 to i32
    %sign3A_6 = arith.subi %sign3A_2, %sign3A_5 : i32
    %sign3A_7 = arith.constant 0 : i32
    %sign3A_8 = arith.cmpi sgt, %jit3A, %sign3A_7 : i32
    %sign3A_9 = arith.extui %sign3A_8 : i1 to i32
    %sign3A_10 = arith.constant 0 : i32
    %sign3A_11 = arith.cmpi slt, %jit3A, %sign3A_10 : i32
    %sign3A_12 = arith.extui %sign3A_11 : i1 to i32
    %sign3A_13 = arith.subi %sign3A_9, %sign3A_12 : i32
    %ne3A = arith.cmpi ne, %sign3A_6, %sign3A_13 : i32
    %rem3A = arith.remsi %add3A, %jit3A : i32
    %ne3A_14 = arith.constant 0 : i32
    %ne3A_15 = arith.cmpi ne, %rem3A, %ne3A_14 : i32
    %and3A = arith.andi %ne3A, %ne3A_15 : i1
    %sub3A = arith.constant 1 : i32
    %sub3A_16 = arith.subi %div3A, %sub3A : i32
    %select_n3A = arith.select %and3A, %sub3A_16, %div3A : i32
    %jit3A_17 = arith.constant 2 : i32
    %eq3A = arith.constant 0 : i32
    %eq3A_18 = arith.cmpi eq, %jit3A_17, %eq3A : i32
    %jit3A_19 = arith.constant 1 : i32
    %select_n3A_20 = arith.select %eq3A_18, %jit3A_19, %jit3A_17 : i32
    %rem3A_21 = arith.remsi %add3A, %select_n3A_20 : i32
    %ne3A_22 = arith.constant 0 : i32
    %ne3A_23 = arith.cmpi ne, %rem3A_21, %ne3A_22 : i32
    %lt3A = arith.constant 0 : i32
    %lt3A_24 = arith.cmpi slt, %rem3A_21, %lt3A : i32
    %lt3A_25 = arith.constant 0 : i32
    %lt3A_26 = arith.cmpi slt, %select_n3A_20, %lt3A_25 : i32
    %ne3A_27 = arith.xori %lt3A_24, %lt3A_26 : i1
    %and3A_28 = arith.andi %ne3A_27, %ne3A_23 : i1
    %add3A_29 = arith.addi %rem3A_21, %select_n3A_20 : i32
    %select_n3A_30 = arith.select %and3A_28, %add3A_29, %rem3A_21 : i32
    %broadcast_in_dim3A = arith.constant 1.000000e+00 : f32
    %broadcast_in_dim3A_31 = vector.broadcast %broadcast_in_dim3A : f32 to vector<16xf32>
    %scan3A = arith.constant 0 : i32
    %scan3A_32 = arith.constant 0 : i32
    %scan3A_33 = arith.constant 32 : i32
    %scan3A_34 = arith.addi %scan3A_32, %scan3A_33 : i32
    %scan3A_35 = arith.constant 1 : i32
    scf.for %scan3A_211 = %scan3A_32 to %scan3A_34 step %scan3A_35  : i32 {
      %broadcast_in_dim3A_212 = arith.constant 0.000000e+00 : f32
      %broadcast_in_dim3A_213 = vector.broadcast %broadcast_in_dim3A_212 : f32 to vector<16xf32>
      %mul3A_214 = arith.constant 32 : i32
      %mul3A_215 = arith.muli %scan3A_211, %mul3A_214 : i32
      %add3A_216 = arith.constant 0 : i32
      %add3A_217 = arith.addi %mul3A_215, %add3A_216 : i32
      %mul3A_218 = arith.constant 16 : i32
      %mul3A_219 = arith.muli %add3A_217, %mul3A_218 : i32
      %swap3A = arith.index_cast %mul3A_219 : i32 to index
      %swap3A_220 = tpu.vector_load %arg4[%swap3A] {strides = array<i32>} : memref<16384xf32, #tpu.memory_space<vmem>>, vector<16xf32>,
      tpu.vector_store %arg4[%swap3A], %broadcast_in_dim3A_213 {strides = array<i32>} : memref<16384xf32, #tpu.memory_space<vmem>>, vector<16xf32>,
      %mul3A_221 = arith.constant 32 : i32
      %mul3A_222 = arith.muli %scan3A_211, %mul3A_221 : i32
      %add3A_223 = arith.constant 1 : i32
      %add3A_224 = arith.addi %mul3A_222, %add3A_223 : i32
      %mul3A_225 = arith.constant 16 : i32
      %mul3A_226 = arith.muli %add3A_224, %mul3A_225 : i32
      %swap3A_227 = arith.index_cast %mul3A_226 : i32 to index
      %swap3A_228 = tpu.vector_load %arg4[%swap3A_227] {strides = array<i32>} : memref<16384xf32, #tpu.memory_space<vmem>>, vector<16xf32>,
      tpu.vector_store %arg4[%swap3A_227], %broadcast_in_dim3A_213 {strides = array<i32>} : memref<16384xf32, #tpu.memory_space<vmem>>, vector<16xf32>,
      %mul3A_229 = arith.constant 32 : i32
      %mul3A_230 = arith.muli %scan3A_211, %mul3A_229 : i32
      %add3A_231 = arith.constant 2 : i32
      %add3A_232 = arith.addi %mul3A_230, %add3A_231 : i32
      %mul3A_233 = arith.constant 16 : i32
      %mul3A_234 = arith.muli %add3A_232, %mul3A_233 : i32
      %swap3A_235 = arith.index_cast %mul3A_234 : i32 to index
      %swap3A_236 = tpu.vector_load %arg4[%swap3A_235] {strides = array<i32>} : memref<16384xf32, #tpu.memory_space<vmem>>, vector<16xf32>,
      tpu.vector_store %arg4[%swap3A_235], %broadcast_in_dim3A_213 {strides = array<i32>} : memref<16384xf32, #tpu.memory_space<vmem>>, vector<16xf32>,
      %mul3A_237 = arith.constant 32 : i32
      %mul3A_238 = arith.muli %scan3A_211, %mul3A_237 : i32
      %add3A_239 = arith.constant 3 : i32
      %add3A_240 = arith.addi %mul3A_238, %add3A_239 : i32
      %mul3A_241 = arith.constant 16 : i32
      %mul3A_242 = arith.muli %add3A_240, %mul3A_241 : i32
      %swap3A_243 = arith.index_cast %mul3A_242 : i32 to index
      %swap3A_244 = tpu.vector_load %arg4[%swap3A_243] {strides = array<i32>} : memref<16384xf32, #tpu.memory_space<vmem>>, vector<16xf32>,
      tpu.vector_store %arg4[%swap3A_243], %broadcast_in_dim3A_213 {strides = array<i32>} : memref<16384xf32, #tpu.memory_space<vmem>>, vector<16xf32>,
      %mul3A_245 = arith.constant 32 : i32
      %mul3A_246 = arith.muli %scan3A_211, %mul3A_245 : i32
      %add3A_247 = arith.constant 4 : i32
      %add3A_248 = arith.addi %mul3A_246, %add3A_247 : i32
      %mul3A_249 = arith.constant 16 : i32
      %mul3A_250 = arith.muli %add3A_248, %mul3A_249 : i32
      %swap3A_251 = arith.index_cast %mul3A_250 : i32 to index
      %swap3A_252 = tpu.vector_load %arg4[%swap3A_251] {strides = array<i32>} : memref<16384xf32, #tpu.memory_space<vmem>>, vector<16xf32>,
      tpu.vector_store %arg4[%swap3A_251], %broadcast_in_dim3A_213 {strides = array<i32>} : memref<16384xf32, #tpu.memory_space<vmem>>, vector<16xf32>,
      %mul3A_253 = arith.constant 32 : i32
      %mul3A_254 = arith.muli %scan3A_211, %mul3A_253 : i32
      %add3A_255 = arith.constant 5 : i32
      %add3A_256 = arith.addi %mul3A_254, %add3A_255 : i32
      %mul3A_257 = arith.constant 16 : i32
      %mul3A_258 = arith.muli %add3A_256, %mul3A_257 : i32
      %swap3A_259 = arith.index_cast %mul3A_258 : i32 to index
      %swap3A_260 = tpu.vector_load %arg4[%swap3A_259] {strides = array<i32>} : memref<16384xf32, #tpu.memory_space<vmem>>, vector<16xf32>,
      tpu.vector_store %arg4[%swap3A_259], %broadcast_in_dim3A_213 {strides = array<i32>} : memref<16384xf32, #tpu.memory_space<vmem>>, vector<16xf32>,
      %mul3A_261 = arith.constant 32 : i32
      %mul3A_262 = arith.muli %scan3A_211, %mul3A_261 : i32
      %add3A_263 = arith.constant 6 : i32
      %add3A_264 = arith.addi %mul3A_262, %add3A_263 : i32
      %mul3A_265 = arith.constant 16 : i32
      %mul3A_266 = arith.muli %add3A_264, %mul3A_265 : i32
      %swap3A_267 = arith.index_cast %mul3A_266 : i32 to index
      %swap3A_268 = tpu.vector_load %arg4[%swap3A_267] {strides = array<i32>} : memref<16384xf32, #tpu.memory_space<vmem>>, vector<16xf32>,
      tpu.vector_store %arg4[%swap3A_267], %broadcast_in_dim3A_213 {strides = array<i32>} : memref<16384xf32, #tpu.memory_space<vmem>>, vector<16xf32>,
      %mul3A_269 = arith.constant 32 : i32
      %mul3A_270 = arith.muli %scan3A_211, %mul3A_269 : i32
      %add3A_271 = arith.constant 7 : i32
      %add3A_272 = arith.addi %mul3A_270, %add3A_271 : i32
      %mul3A_273 = arith.constant 16 : i32
      %mul3A_274 = arith.muli %add3A_272, %mul3A_273 : i32
      %swap3A_275 = arith.index_cast %mul3A_274 : i32 to index
      %swap3A_276 = tpu.vector_load %arg4[%swap3A_275] {strides = array<i32>} : memref<16384xf32, #tpu.memory_space<vmem>>, vector<16xf32>,
      tpu.vector_store %arg4[%swap3A_275], %broadcast_in_dim3A_213 {strides = array<i32>} : memref<16384xf32, #tpu.memory_space<vmem>>, vector<16xf32>,
      %mul3A_277 = arith.constant 32 : i32
      %mul3A_278 = arith.muli %scan3A_211, %mul3A_277 : i32
      %add3A_279 = arith.constant 8 : i32
      %add3A_280 = arith.addi %mul3A_278, %add3A_279 : i32
      %mul3A_281 = arith.constant 16 : i32
      %mul3A_282 = arith.muli %add3A_280, %mul3A_281 : i32
      %swap3A_283 = arith.index_cast %mul3A_282 : i32 to index
      %swap3A_284 = tpu.vector_load %arg4[%swap3A_283] {strides = array<i32>} : memref<16384xf32, #tpu.memory_space<vmem>>, vector<16xf32>,
      tpu.vector_store %arg4[%swap3A_283], %broadcast_in_dim3A_213 {strides = array<i32>} : memref<16384xf32, #tpu.memory_space<vmem>>, vector<16xf32>,
      %mul3A_285 = arith.constant 32 : i32
      %mul3A_286 = arith.muli %scan3A_211, %mul3A_285 : i32
      %add3A_287 = arith.constant 9 : i32
      %add3A_288 = arith.addi %mul3A_286, %add3A_287 : i32
      %mul3A_289 = arith.constant 16 : i32
      %mul3A_290 = arith.muli %add3A_288, %mul3A_289 : i32
      %swap3A_291 = arith.index_cast %mul3A_290 : i32 to index
      %swap3A_292 = tpu.vector_load %arg4[%swap3A_291] {strides = array<i32>} : memref<16384xf32, #tpu.memory_space<vmem>>, vector<16xf32>,
      tpu.vector_store %arg4[%swap3A_291], %broadcast_in_dim3A_213 {strides = array<i32>} : memref<16384xf32, #tpu.memory_space<vmem>>, vector<16xf32>,
      %mul3A_293 = arith.constant 32 : i32
      %mul3A_294 = arith.muli %scan3A_211, %mul3A_293 : i32
      %add3A_295 = arith.constant 10 : i32
      %add3A_296 = arith.addi %mul3A_294, %add3A_295 : i32
      %mul3A_297 = arith.constant 16 : i32
      %mul3A_298 = arith.muli %add3A_296, %mul3A_297 : i32
      %swap3A_299 = arith.index_cast %mul3A_298 : i32 to index
      %swap3A_300 = tpu.vector_load %arg4[%swap3A_299] {strides = array<i32>} : memref<16384xf32, #tpu.memory_space<vmem>>, vector<16xf32>,
      tpu.vector_store %arg4[%swap3A_299], %broadcast_in_dim3A_213 {strides = array<i32>} : memref<16384xf32, #tpu.memory_space<vmem>>, vector<16xf32>,
      %mul3A_301 = arith.constant 32 : i32
      %mul3A_302 = arith.muli %scan3A_211, %mul3A_301 : i32
      %add3A_303 = arith.constant 11 : i32
      %add3A_304 = arith.addi %mul3A_302, %add3A_303 : i32
      %mul3A_305 = arith.constant 16 : i32
      %mul3A_306 = arith.muli %add3A_304, %mul3A_305 : i32
      %swap3A_307 = arith.index_cast %mul3A_306 : i32 to index
      %swap3A_308 = tpu.vector_load %arg4[%swap3A_307] {strides = array<i32>} : memref<16384xf32, #tpu.memory_space<vmem>>, vector<16xf32>,
      tpu.vector_store %arg4[%swap3A_307], %broadcast_in_dim3A_213 {strides = array<i32>} : memref<16384xf32, #tpu.memory_space<vmem>>, vector<16xf32>,
      %mul3A_309 = arith.constant 32 : i32
      %mul3A_310 = arith.muli %scan3A_211, %mul3A_309 : i32
      %add3A_311 = arith.constant 12 : i32
      %add3A_312 = arith.addi %mul3A_310, %add3A_311 : i32
      %mul3A_313 = arith.constant 16 : i32
      %mul3A_314 = arith.muli %add3A_312, %mul3A_313 : i32
      %swap3A_315 = arith.index_cast %mul3A_314 : i32 to index
      %swap3A_316 = tpu.vector_load %arg4[%swap3A_315] {strides = array<i32>} : memref<16384xf32, #tpu.memory_space<vmem>>, vector<16xf32>,
      tpu.vector_store %arg4[%swap3A_315], %broadcast_in_dim3A_213 {strides = array<i32>} : memref<16384xf32, #tpu.memory_space<vmem>>, vector<16xf32>,
      %mul3A_317 = arith.constant 32 : i32
      %mul3A_318 = arith.muli %scan3A_211, %mul3A_317 : i32
      %add3A_319 = arith.constant 13 : i32
      %add3A_320 = arith.addi %mul3A_318, %add3A_319 : i32
      %mul3A_321 = arith.constant 16 : i32
      %mul3A_322 = arith.muli %add3A_320, %mul3A_321 : i32
      %swap3A_323 = arith.index_cast %mul3A_322 : i32 to index
      %swap3A_324 = tpu.vector_load %arg4[%swap3A_323] {strides = array<i32>} : memref<16384xf32, #tpu.memory_space<vmem>>, vector<16xf32>,
      tpu.vector_store %arg4[%swap3A_323], %broadcast_in_dim3A_213 {strides = array<i32>} : memref<16384xf32, #tpu.memory_space<vmem>>, vector<16xf32>,
      %mul3A_325 = arith.constant 32 : i32
      %mul3A_326 = arith.muli %scan3A_211, %mul3A_325 : i32
      %add3A_327 = arith.constant 14 : i32
      %add3A_328 = arith.addi %mul3A_326, %add3A_327 : i32
      %mul3A_329 = arith.constant 16 : i32
      %mul3A_330 = arith.muli %add3A_328, %mul3A_329 : i32
      %swap3A_331 = arith.index_cast %mul3A_330 : i32 to index
      %swap3A_332 = tpu.vector_load %arg4[%swap3A_331] {strides = array<i32>} : memref<16384xf32, #tpu.memory_space<vmem>>, vector<16xf32>,
      tpu.vector_store %arg4[%swap3A_331], %broadcast_in_dim3A_213 {strides = array<i32>} : memref<16384xf32, #tpu.memory_space<vmem>>, vector<16xf32>,
      %mul3A_333 = arith.constant 32 : i32
      %mul3A_334 = arith.muli %scan3A_211, %mul3A_333 : i32
      %add3A_335 = arith.constant 15 : i32
      %add3A_336 = arith.addi %mul3A_334, %add3A_335 : i32
      %mul3A_337 = arith.constant 16 : i32
      %mul3A_338 = arith.muli %add3A_336, %mul3A_337 : i32
      %swap3A_339 = arith.index_cast %mul3A_338 : i32 to index
      %swap3A_340 = tpu.vector_load %arg4[%swap3A_339] {strides = array<i32>} : memref<16384xf32, #tpu.memory_space<vmem>>, vector<16xf32>,
      tpu.vector_store %arg4[%swap3A_339], %broadcast_in_dim3A_213 {strides = array<i32>} : memref<16384xf32, #tpu.memory_space<vmem>>, vector<16xf32>,
      %mul3A_341 = arith.constant 32 : i32
      %mul3A_342 = arith.muli %scan3A_211, %mul3A_341 : i32
      %add3A_343 = arith.constant 16 : i32
      %add3A_344 = arith.addi %mul3A_342, %add3A_343 : i32
      %mul3A_345 = arith.constant 16 : i32
      %mul3A_346 = arith.muli %add3A_344, %mul3A_345 : i32
      %swap3A_347 = arith.index_cast %mul3A_346 : i32 to index
      %swap3A_348 = tpu.vector_load %arg4[%swap3A_347] {strides = array<i32>} : memref<16384xf32, #tpu.memory_space<vmem>>, vector<16xf32>,
      tpu.vector_store %arg4[%swap3A_347], %broadcast_in_dim3A_213 {strides = array<i32>} : memref<16384xf32, #tpu.memory_space<vmem>>, vector<16xf32>,
      %mul3A_349 = arith.constant 32 : i32
      %mul3A_350 = arith.muli %scan3A_211, %mul3A_349 : i32
      %add3A_351 = arith.constant 17 : i32
      %add3A_352 = arith.addi %mul3A_350, %add3A_351 : i32
      %mul3A_353 = arith.constant 16 : i32
      %mul3A_354 = arith.muli %add3A_352, %mul3A_353 : i32
      %swap3A_355 = arith.index_cast %mul3A_354 : i32 to index
      %swap3A_356 = tpu.vector_load %arg4[%swap3A_355] {strides = array<i32>} : memref<16384xf32, #tpu.memory_space<vmem>>, vector<16xf32>,
      tpu.vector_store %arg4[%swap3A_355], %broadcast_in_dim3A_213 {strides = array<i32>} : memref<16384xf32, #tpu.memory_space<vmem>>, vector<16xf32>,
      %mul3A_357 = arith.constant 32 : i32
      %mul3A_358 = arith.muli %scan3A_211, %mul3A_357 : i32
      %add3A_359 = arith.constant 18 : i32
      %add3A_360 = arith.addi %mul3A_358, %add3A_359 : i32
      %mul3A_361 = arith.constant 16 : i32
      %mul3A_362 = arith.muli %add3A_360, %mul3A_361 : i32
      %swap3A_363 = arith.index_cast %mul3A_362 : i32 to index
      %swap3A_364 = tpu.vector_load %arg4[%swap3A_363] {strides = array<i32>} : memref<16384xf32, #tpu.memory_space<vmem>>, vector<16xf32>,
      tpu.vector_store %arg4[%swap3A_363], %broadcast_in_dim3A_213 {strides = array<i32>} : memref<16384xf32, #tpu.memory_space<vmem>>, vector<16xf32>,
      %mul3A_365 = arith.constant 32 : i32
      %mul3A_366 = arith.muli %scan3A_211, %mul3A_365 : i32
      %add3A_367 = arith.constant 19 : i32
      %add3A_368 = arith.addi %mul3A_366, %add3A_367 : i32
      %mul3A_369 = arith.constant 16 : i32
      %mul3A_370 = arith.muli %add3A_368, %mul3A_369 : i32
      %swap3A_371 = arith.index_cast %mul3A_370 : i32 to index
      %swap3A_372 = tpu.vector_load %arg4[%swap3A_371] {strides = array<i32>} : memref<16384xf32, #tpu.memory_space<vmem>>, vector<16xf32>,
      tpu.vector_store %arg4[%swap3A_371], %broadcast_in_dim3A_213 {strides = array<i32>} : memref<16384xf32, #tpu.memory_space<vmem>>, vector<16xf32>,
      %mul3A_373 = arith.constant 32 : i32
      %mul3A_374 = arith.muli %scan3A_211, %mul3A_373 : i32
      %add3A_375 = arith.constant 20 : i32
      %add3A_376 = arith.addi %mul3A_374, %add3A_375 : i32
      %mul3A_377 = arith.constant 16 : i32
      %mul3A_378 = arith.muli %add3A_376, %mul3A_377 : i32
      %swap3A_379 = arith.index_cast %mul3A_378 : i32 to index
      %swap3A_380 = tpu.vector_load %arg4[%swap3A_379] {strides = array<i32>} : memref<16384xf32, #tpu.memory_space<vmem>>, vector<16xf32>,
      tpu.vector_store %arg4[%swap3A_379], %broadcast_in_dim3A_213 {strides = array<i32>} : memref<16384xf32, #tpu.memory_space<vmem>>, vector<16xf32>,
      %mul3A_381 = arith.constant 32 : i32
      %mul3A_382 = arith.muli %scan3A_211, %mul3A_381 : i32
      %add3A_383 = arith.constant 21 : i32
      %add3A_384 = arith.addi %mul3A_382, %add3A_383 : i32
      %mul3A_385 = arith.constant 16 : i32
      %mul3A_386 = arith.muli %add3A_384, %mul3A_385 : i32
      %swap3A_387 = arith.index_cast %mul3A_386 : i32 to index
      %swap3A_388 = tpu.vector_load %arg4[%swap3A_387] {strides = array<i32>} : memref<16384xf32, #tpu.memory_space<vmem>>, vector<16xf32>,
      tpu.vector_store %arg4[%swap3A_387], %broadcast_in_dim3A_213 {strides = array<i32>} : memref<16384xf32, #tpu.memory_space<vmem>>, vector<16xf32>,
      %mul3A_389 = arith.constant 32 : i32
      %mul3A_390 = arith.muli %scan3A_211, %mul3A_389 : i32
      %add3A_391 = arith.constant 22 : i32
      %add3A_392 = arith.addi %mul3A_390, %add3A_391 : i32
      %mul3A_393 = arith.constant 16 : i32
      %mul3A_394 = arith.muli %add3A_392, %mul3A_393 : i32
      %swap3A_395 = arith.index_cast %mul3A_394 : i32 to index
      %swap3A_396 = tpu.vector_load %arg4[%swap3A_395] {strides = array<i32>} : memref<16384xf32, #tpu.memory_space<vmem>>, vector<16xf32>,
      tpu.vector_store %arg4[%swap3A_395], %broadcast_in_dim3A_213 {strides = array<i32>} : memref<16384xf32, #tpu.memory_space<vmem>>, vector<16xf32>,
      %mul3A_397 = arith.constant 32 : i32
      %mul3A_398 = arith.muli %scan3A_211, %mul3A_397 : i32
      %add3A_399 = arith.constant 23 : i32
      %add3A_400 = arith.addi %mul3A_398, %add3A_399 : i32
      %mul3A_401 = arith.constant 16 : i32
      %mul3A_402 = arith.muli %add3A_400, %mul3A_401 : i32
      %swap3A_403 = arith.index_cast %mul3A_402 : i32 to index
      %swap3A_404 = tpu.vector_load %arg4[%swap3A_403] {strides = array<i32>} : memref<16384xf32, #tpu.memory_space<vmem>>, vector<16xf32>,
      tpu.vector_store %arg4[%swap3A_403], %broadcast_in_dim3A_213 {strides = array<i32>} : memref<16384xf32, #tpu.memory_space<vmem>>, vector<16xf32>,
      %mul3A_405 = arith.constant 32 : i32
      %mul3A_406 = arith.muli %scan3A_211, %mul3A_405 : i32
      %add3A_407 = arith.constant 24 : i32
      %add3A_408 = arith.addi %mul3A_406, %add3A_407 : i32
      %mul3A_409 = arith.constant 16 : i32
      %mul3A_410 = arith.muli %add3A_408, %mul3A_409 : i32
      %swap3A_411 = arith.index_cast %mul3A_410 : i32 to index
      %swap3A_412 = tpu.vector_load %arg4[%swap3A_411] {strides = array<i32>} : memref<16384xf32, #tpu.memory_space<vmem>>, vector<16xf32>,
      tpu.vector_store %arg4[%swap3A_411], %broadcast_in_dim3A_213 {strides = array<i32>} : memref<16384xf32, #tpu.memory_space<vmem>>, vector<16xf32>,
      %mul3A_413 = arith.constant 32 : i32
      %mul3A_414 = arith.muli %scan3A_211, %mul3A_413 : i32
      %add3A_415 = arith.constant 25 : i32
      %add3A_416 = arith.addi %mul3A_414, %add3A_415 : i32
      %mul3A_417 = arith.constant 16 : i32
      %mul3A_418 = arith.muli %add3A_416, %mul3A_417 : i32
      %swap3A_419 = arith.index_cast %mul3A_418 : i32 to index
      %swap3A_420 = tpu.vector_load %arg4[%swap3A_419] {strides = array<i32>} : memref<16384xf32, #tpu.memory_space<vmem>>, vector<16xf32>,
      tpu.vector_store %arg4[%swap3A_419], %broadcast_in_dim3A_213 {strides = array<i32>} : memref<16384xf32, #tpu.memory_space<vmem>>, vector<16xf32>,
      %mul3A_421 = arith.constant 32 : i32
      %mul3A_422 = arith.muli %scan3A_211, %mul3A_421 : i32
      %add3A_423 = arith.constant 26 : i32
      %add3A_424 = arith.addi %mul3A_422, %add3A_423 : i32
      %mul3A_425 = arith.constant 16 : i32
      %mul3A_426 = arith.muli %add3A_424, %mul3A_425 : i32
      %swap3A_427 = arith.index_cast %mul3A_426 : i32 to index
      %swap3A_428 = tpu.vector_load %arg4[%swap3A_427] {strides = array<i32>} : memref<16384xf32, #tpu.memory_space<vmem>>, vector<16xf32>,
      tpu.vector_store %arg4[%swap3A_427], %broadcast_in_dim3A_213 {strides = array<i32>} : memref<16384xf32, #tpu.memory_space<vmem>>, vector<16xf32>,
      %mul3A_429 = arith.constant 32 : i32
      %mul3A_430 = arith.muli %scan3A_211, %mul3A_429 : i32
      %add3A_431 = arith.constant 27 : i32
      %add3A_432 = arith.addi %mul3A_430, %add3A_431 : i32
      %mul3A_433 = arith.constant 16 : i32
      %mul3A_434 = arith.muli %add3A_432, %mul3A_433 : i32
      %swap3A_435 = arith.index_cast %mul3A_434 : i32 to index
      %swap3A_436 = tpu.vector_load %arg4[%swap3A_435] {strides = array<i32>} : memref<16384xf32, #tpu.memory_space<vmem>>, vector<16xf32>,
      tpu.vector_store %arg4[%swap3A_435], %broadcast_in_dim3A_213 {strides = array<i32>} : memref<16384xf32, #tpu.memory_space<vmem>>, vector<16xf32>,
      %mul3A_437 = arith.constant 32 : i32
      %mul3A_438 = arith.muli %scan3A_211, %mul3A_437 : i32
      %add3A_439 = arith.constant 28 : i32
      %add3A_440 = arith.addi %mul3A_438, %add3A_439 : i32
      %mul3A_441 = arith.constant 16 : i32
      %mul3A_442 = arith.muli %add3A_440, %mul3A_441 : i32
      %swap3A_443 = arith.index_cast %mul3A_442 : i32 to index
      %swap3A_444 = tpu.vector_load %arg4[%swap3A_443] {strides = array<i32>} : memref<16384xf32, #tpu.memory_space<vmem>>, vector<16xf32>,
      tpu.vector_store %arg4[%swap3A_443], %broadcast_in_dim3A_213 {strides = array<i32>} : memref<16384xf32, #tpu.memory_space<vmem>>, vector<16xf32>,
      %mul3A_445 = arith.constant 32 : i32
      %mul3A_446 = arith.muli %scan3A_211, %mul3A_445 : i32
      %add3A_447 = arith.constant 29 : i32
      %add3A_448 = arith.addi %mul3A_446, %add3A_447 : i32
      %mul3A_449 = arith.constant 16 : i32
      %mul3A_450 = arith.muli %add3A_448, %mul3A_449 : i32
      %swap3A_451 = arith.index_cast %mul3A_450 : i32 to index
      %swap3A_452 = tpu.vector_load %arg4[%swap3A_451] {strides = array<i32>} : memref<16384xf32, #tpu.memory_space<vmem>>, vector<16xf32>,
      tpu.vector_store %arg4[%swap3A_451], %broadcast_in_dim3A_213 {strides = array<i32>} : memref<16384xf32, #tpu.memory_space<vmem>>, vector<16xf32>,
      %mul3A_453 = arith.constant 32 : i32
      %mul3A_454 = arith.muli %scan3A_211, %mul3A_453 : i32
      %add3A_455 = arith.constant 30 : i32
      %add3A_456 = arith.addi %mul3A_454, %add3A_455 : i32
      %mul3A_457 = arith.constant 16 : i32
      %mul3A_458 = arith.muli %add3A_456, %mul3A_457 : i32
      %swap3A_459 = arith.index_cast %mul3A_458 : i32 to index
      %swap3A_460 = tpu.vector_load %arg4[%swap3A_459] {strides = array<i32>} : memref<16384xf32, #tpu.memory_space<vmem>>, vector<16xf32>,
      tpu.vector_store %arg4[%swap3A_459], %broadcast_in_dim3A_213 {strides = array<i32>} : memref<16384xf32, #tpu.memory_space<vmem>>, vector<16xf32>,
      %mul3A_461 = arith.constant 32 : i32
      %mul3A_462 = arith.muli %scan3A_211, %mul3A_461 : i32
      %add3A_463 = arith.constant 31 : i32
      %add3A_464 = arith.addi %mul3A_462, %add3A_463 : i32
      %mul3A_465 = arith.constant 16 : i32
      %mul3A_466 = arith.muli %add3A_464, %mul3A_465 : i32
      %swap3A_467 = arith.index_cast %mul3A_466 : i32 to index
      %swap3A_468 = tpu.vector_load %arg4[%swap3A_467] {strides = array<i32>} : memref<16384xf32, #tpu.memory_space<vmem>>, vector<16xf32>,
      tpu.vector_store %arg4[%swap3A_467], %broadcast_in_dim3A_213 {strides = array<i32>} : memref<16384xf32, #tpu.memory_space<vmem>>, vector<16xf32>,
    }
    %scan3A_36 = arith.constant 32 : i32
    %mul3A_37 = arith.constant 256 : i32
    %mul3A_38 = arith.muli %select_n3A_30, %mul3A_37 : i32
    %add3A_39 = arith.constant 0 : i32
    %add3A_40 = arith.addi %mul3A_38, %add3A_39 : i32
    %dma_start3A = arith.constant 0 : i32
    %dma_start3A_41 = tpu.memref_slice %arg2[%select_n3A, %add3A_40, %dma_start3A] : memref<16x512x256xi32, #tpu.memory_space<hbm>> -> memref<1x32x256xi32, #tpu.memory_space<hbm>>
    %dma_start3A_42 = tpu.memref_squeeze %dma_start3A_41 : memref<1x32x256xi32, #tpu.memory_space<hbm>> -> memref<32x256xi32, #tpu.memory_space<hbm>>
    %dma_start3A_43 = arith.constant 0 : i32
    %dma_start3A_44 = tpu.memref_slice %arg2[%select_n3A, %add3A_40, %dma_start3A_43] : memref<16x512x256xi32, #tpu.memory_space<hbm>> -> memref<1x32x256xi32, #tpu.memory_space<hbm>>
    %dma_start3A_45 = tpu.memref_squeeze %dma_start3A_44 : memref<1x32x256xi32, #tpu.memory_space<hbm>> -> memref<32x256xi32, #tpu.memory_space<hbm>>
    tpu.enqueue_dma source(%dma_start3A_45 : memref<32x256xi32, #tpu.memory_space<hbm>>) target(%arg5 : memref<32x256xi32, #tpu.memory_space<vmem>>) target_semaphore(%arg9 : memref<!tpu.dma_semaphore, #tpu.memory_space<semaphore_mem>>)
    %mul3A_46 = arith.constant 256 : i32
    %mul3A_47 = arith.muli %select_n3A_30, %mul3A_46 : i32
    %add3A_48 = arith.constant 32 : i32
    %add3A_49 = arith.addi %mul3A_47, %add3A_48 : i32
    %dma_start3A_50 = arith.constant 0 : i32
    %dma_start3A_51 = tpu.memref_slice %arg2[%select_n3A, %add3A_49, %dma_start3A_50] : memref<16x512x256xi32, #tpu.memory_space<hbm>> -> memref<1x32x256xi32, #tpu.memory_space<hbm>>
    %dma_start3A_52 = tpu.memref_squeeze %dma_start3A_51 : memref<1x32x256xi32, #tpu.memory_space<hbm>> -> memref<32x256xi32, #tpu.memory_space<hbm>>
    %dma_start3A_53 = arith.constant 0 : i32
    %dma_start3A_54 = tpu.memref_slice %arg2[%select_n3A, %add3A_49, %dma_start3A_53] : memref<16x512x256xi32, #tpu.memory_space<hbm>> -> memref<1x32x256xi32, #tpu.memory_space<hbm>>
    %dma_start3A_55 = tpu.memref_squeeze %dma_start3A_54 : memref<1x32x256xi32, #tpu.memory_space<hbm>> -> memref<32x256xi32, #tpu.memory_space<hbm>>
    tpu.enqueue_dma source(%dma_start3A_55 : memref<32x256xi32, #tpu.memory_space<hbm>>) target(%arg6 : memref<32x256xi32, #tpu.memory_space<vmem>>) target_semaphore(%arg10 : memref<!tpu.dma_semaphore, #tpu.memory_space<semaphore_mem>>)
    %mul3A_56 = arith.constant 256 : i32
    %mul3A_57 = arith.muli %select_n3A_30, %mul3A_56 : i32
    %add3A_58 = arith.constant 64 : i32
    %add3A_59 = arith.addi %mul3A_57, %add3A_58 : i32
    %dma_start3A_60 = arith.constant 0 : i32
    %dma_start3A_61 = tpu.memref_slice %arg2[%select_n3A, %add3A_59, %dma_start3A_60] : memref<16x512x256xi32, #tpu.memory_space<hbm>> -> memref<1x32x256xi32, #tpu.memory_space<hbm>>
    %dma_start3A_62 = tpu.memref_squeeze %dma_start3A_61 : memref<1x32x256xi32, #tpu.memory_space<hbm>> -> memref<32x256xi32, #tpu.memory_space<hbm>>
    %dma_start3A_63 = arith.constant 0 : i32
    %dma_start3A_64 = tpu.memref_slice %arg2[%select_n3A, %add3A_59, %dma_start3A_63] : memref<16x512x256xi32, #tpu.memory_space<hbm>> -> memref<1x32x256xi32, #tpu.memory_space<hbm>>
    %dma_start3A_65 = tpu.memref_squeeze %dma_start3A_64 : memref<1x32x256xi32, #tpu.memory_space<hbm>> -> memref<32x256xi32, #tpu.memory_space<hbm>>
    tpu.enqueue_dma source(%dma_start3A_65 : memref<32x256xi32, #tpu.memory_space<hbm>>) target(%arg7 : memref<32x256xi32, #tpu.memory_space<vmem>>) target_semaphore(%arg11 : memref<!tpu.dma_semaphore, #tpu.memory_space<semaphore_mem>>)
    %dma_wait3A = arith.constant 0 : i32
    %dma_wait3A_66 = tpu.memref_slice %arg2[%select_n3A, %add3A_40, %dma_wait3A] : memref<16x512x256xi32, #tpu.memory_space<hbm>> -> memref<1x32x256xi32, #tpu.memory_space<hbm>>
    %dma_wait3A_67 = tpu.memref_squeeze %dma_wait3A_66 : memref<1x32x256xi32, #tpu.memory_space<hbm>> -> memref<32x256xi32, #tpu.memory_space<hbm>>
    %dma_wait3A_68 = arith.constant 0 : i32
    %dma_wait3A_69 = tpu.memref_slice %arg2[%select_n3A, %add3A_40, %dma_wait3A_68] : memref<16x512x256xi32, #tpu.memory_space<hbm>> -> memref<1x32x256xi32, #tpu.memory_space<hbm>>
    %dma_wait3A_70 = tpu.memref_squeeze %dma_wait3A_69 : memref<1x32x256xi32, #tpu.memory_space<hbm>> -> memref<32x256xi32, #tpu.memory_space<hbm>>
    tpu.wait_dma2 semaphore(%arg9 : memref<!tpu.dma_semaphore, #tpu.memory_space<semaphore_mem>>) src(%dma_wait3A_70 : memref<32x256xi32, #tpu.memory_space<hbm>>) dst(%arg5 : memref<32x256xi32, #tpu.memory_space<vmem>>)
    %mul3A_71 = arith.constant 256 : i32
    %mul3A_72 = arith.muli %select_n3A_30, %mul3A_71 : i32
    %add3A_73 = arith.constant 96 : i32
    %add3A_74 = arith.addi %mul3A_72, %add3A_73 : i32
    %dma_start3A_75 = arith.constant 0 : i32
    %dma_start3A_76 = tpu.memref_slice %arg2[%select_n3A, %add3A_74, %dma_start3A_75] : memref<16x512x256xi32, #tpu.memory_space<hbm>> -> memref<1x32x256xi32, #tpu.memory_space<hbm>>
    %dma_start3A_77 = tpu.memref_squeeze %dma_start3A_76 : memref<1x32x256xi32, #tpu.memory_space<hbm>> -> memref<32x256xi32, #tpu.memory_space<hbm>>
    %dma_start3A_78 = arith.constant 0 : i32
    %dma_start3A_79 = tpu.memref_slice %arg2[%select_n3A, %add3A_74, %dma_start3A_78] : memref<16x512x256xi32, #tpu.memory_space<hbm>> -> memref<1x32x256xi32, #tpu.memory_space<hbm>>
    %dma_start3A_80 = tpu.memref_squeeze %dma_start3A_79 : memref<1x32x256xi32, #tpu.memory_space<hbm>> -> memref<32x256xi32, #tpu.memory_space<hbm>>
    tpu.enqueue_dma source(%dma_start3A_80 : memref<32x256xi32, #tpu.memory_space<hbm>>) target(%arg8 : memref<32x256xi32, #tpu.memory_space<vmem>>) target_semaphore(%arg12 : memref<!tpu.dma_semaphore, #tpu.memory_space<semaphore_mem>>)
    %scan3A_81 = arith.constant 0 : i32
    %scan3A_82 = arith.constant 0 : i32
    %scan3A_83 = arith.constant 32 : i32
    %scan3A_84 = arith.addi %scan3A_82, %scan3A_83 : i32
    %scan3A_85 = arith.constant 1 : i32
    scf.for %scan3A_211 = %scan3A_82 to %scan3A_84 step %scan3A_85  : i32 {
      %get3A = arith.index_cast %scan3A_211 : i32 to index
      %get3A_212 = arith.constant 0 : index
      %get3A_213 = tpu.vector_load %arg5[%get3A, %get3A_212] {strides = array<i32>} : memref<32x256xi32, #tpu.memory_space<vmem>>, vector<16xi32>,
      %and3A_214 = arith.constant 65535 : i32
      %and3A_215 = vector.broadcast %and3A_214 : i32 to vector<16xi32>
      %and3A_216 = arith.andi %get3A_213, %and3A_215 : vector<16xi32>
      %shift_right_arithmetic3A = arith.constant 16 : i32
      %shift_right_arithmetic3A_217 = vector.broadcast %shift_right_arithmetic3A : i32 to vector<16xi32>
      %shift_right_arithmetic3A_218 = arith.shrsi %get3A_213, %shift_right_arithmetic3A_217 : vector<16xi32>
      tpu.vector_store_idx %arg4[%and3A_216], %broadcast_in_dim3A_31 {add = true} : memref<16384xf32, #tpu.memory_space<vmem>>[vector<16xi32>], vector<16xf32>,
      tpu.vector_store_idx %arg4[%shift_right_arithmetic3A_218], %broadcast_in_dim3A_31 {add = true} : memref<16384xf32, #tpu.memory_space<vmem>>[vector<16xi32>], vector<16xf32>,
      %get3A_219 = arith.index_cast %scan3A_211 : i32 to index
      %get3A_220 = arith.constant 16 : index
      %get3A_221 = tpu.vector_load %arg5[%get3A_219, %get3A_220] {strides = array<i32>} : memref<32x256xi32, #tpu.memory_space<vmem>>, vector<16xi32>,
      %and3A_222 = arith.constant 65535 : i32
      %and3A_223 = vector.broadcast %and3A_222 : i32 to vector<16xi32>
      %and3A_224 = arith.andi %get3A_221, %and3A_223 : vector<16xi32>
      %shift_right_arithmetic3A_225 = arith.constant 16 : i32
      %shift_right_arithmetic3A_226 = vector.broadcast %shift_right_arithmetic3A_225 : i32 to vector<16xi32>
      %shift_right_arithmetic3A_227 = arith.shrsi %get3A_221, %shift_right_arithmetic3A_226 : vector<16xi32>
      tpu.vector_store_idx %arg4[%and3A_224], %broadcast_in_dim3A_31 {add = true} : memref<16384xf32, #tpu.memory_space<vmem>>[vector<16xi32>], vector<16xf32>,
      tpu.vector_store_idx %arg4[%shift_right_arithmetic3A_227], %broadcast_in_dim3A_31 {add = true} : memref<16384xf32, #tpu.memory_space<vmem>>[vector<16xi32>], vector<16xf32>,
      %get3A_228 = arith.index_cast %scan3A_211 : i32 to index
      %get3A_229 = arith.constant 32 : index
      %get3A_230 = tpu.vector_load %arg5[%get3A_228, %get3A_229] {strides = array<i32>} : memref<32x256xi32, #tpu.memory_space<vmem>>, vector<16xi32>,
      %and3A_231 = arith.constant 65535 : i32
      %and3A_232 = vector.broadcast %and3A_231 : i32 to vector<16xi32>
      %and3A_233 = arith.andi %get3A_230, %and3A_232 : vector<16xi32>
      %shift_right_arithmetic3A_234 = arith.constant 16 : i32
      %shift_right_arithmetic3A_235 = vector.broadcast %shift_right_arithmetic3A_234 : i32 to vector<16xi32>
      %shift_right_arithmetic3A_236 = arith.shrsi %get3A_230, %shift_right_arithmetic3A_235 : vector<16xi32>
      tpu.vector_store_idx %arg4[%and3A_233], %broadcast_in_dim3A_31 {add = true} : memref<16384xf32, #tpu.memory_space<vmem>>[vector<16xi32>], vector<16xf32>,
      tpu.vector_store_idx %arg4[%shift_right_arithmetic3A_236], %broadcast_in_dim3A_31 {add = true} : memref<16384xf32, #tpu.memory_space<vmem>>[vector<16xi32>], vector<16xf32>,
      %get3A_237 = arith.index_cast %scan3A_211 : i32 to index
      %get3A_238 = arith.constant 48 : index
      %get3A_239 = tpu.vector_load %arg5[%get3A_237, %get3A_238] {strides = array<i32>} : memref<32x256xi32, #tpu.memory_space<vmem>>, vector<16xi32>,
      %and3A_240 = arith.constant 65535 : i32
      %and3A_241 = vector.broadcast %and3A_240 : i32 to vector<16xi32>
      %and3A_242 = arith.andi %get3A_239, %and3A_241 : vector<16xi32>
      %shift_right_arithmetic3A_243 = arith.constant 16 : i32
      %shift_right_arithmetic3A_244 = vector.broadcast %shift_right_arithmetic3A_243 : i32 to vector<16xi32>
      %shift_right_arithmetic3A_245 = arith.shrsi %get3A_239, %shift_right_arithmetic3A_244 : vector<16xi32>
      tpu.vector_store_idx %arg4[%and3A_242], %broadcast_in_dim3A_31 {add = true} : memref<16384xf32, #tpu.memory_space<vmem>>[vector<16xi32>], vector<16xf32>,
      tpu.vector_store_idx %arg4[%shift_right_arithmetic3A_245], %broadcast_in_dim3A_31 {add = true} : memref<16384xf32, #tpu.memory_space<vmem>>[vector<16xi32>], vector<16xf32>,
      %get3A_246 = arith.index_cast %scan3A_211 : i32 to index
      %get3A_247 = arith.constant 64 : index
      %get3A_248 = tpu.vector_load %arg5[%get3A_246, %get3A_247] {strides = array<i32>} : memref<32x256xi32, #tpu.memory_space<vmem>>, vector<16xi32>,
      %and3A_249 = arith.constant 65535 : i32
      %and3A_250 = vector.broadcast %and3A_249 : i32 to vector<16xi32>
      %and3A_251 = arith.andi %get3A_248, %and3A_250 : vector<16xi32>
      %shift_right_arithmetic3A_252 = arith.constant 16 : i32
      %shift_right_arithmetic3A_253 = vector.broadcast %shift_right_arithmetic3A_252 : i32 to vector<16xi32>
      %shift_right_arithmetic3A_254 = arith.shrsi %get3A_248, %shift_right_arithmetic3A_253 : vector<16xi32>
      tpu.vector_store_idx %arg4[%and3A_251], %broadcast_in_dim3A_31 {add = true} : memref<16384xf32, #tpu.memory_space<vmem>>[vector<16xi32>], vector<16xf32>,
      tpu.vector_store_idx %arg4[%shift_right_arithmetic3A_254], %broadcast_in_dim3A_31 {add = true} : memref<16384xf32, #tpu.memory_space<vmem>>[vector<16xi32>], vector<16xf32>,
      %get3A_255 = arith.index_cast %scan3A_211 : i32 to index
      %get3A_256 = arith.constant 80 : index
      %get3A_257 = tpu.vector_load %arg5[%get3A_255, %get3A_256] {strides = array<i32>} : memref<32x256xi32, #tpu.memory_space<vmem>>, vector<16xi32>,
      %and3A_258 = arith.constant 65535 : i32
      %and3A_259 = vector.broadcast %and3A_258 : i32 to vector<16xi32>
      %and3A_260 = arith.andi %get3A_257, %and3A_259 : vector<16xi32>
      %shift_right_arithmetic3A_261 = arith.constant 16 : i32
      %shift_right_arithmetic3A_262 = vector.broadcast %shift_right_arithmetic3A_261 : i32 to vector<16xi32>
      %shift_right_arithmetic3A_263 = arith.shrsi %get3A_257, %shift_right_arithmetic3A_262 : vector<16xi32>
      tpu.vector_store_idx %arg4[%and3A_260], %broadcast_in_dim3A_31 {add = true} : memref<16384xf32, #tpu.memory_space<vmem>>[vector<16xi32>], vector<16xf32>,
      tpu.vector_store_idx %arg4[%shift_right_arithmetic3A_263], %broadcast_in_dim3A_31 {add = true} : memref<16384xf32, #tpu.memory_space<vmem>>[vector<16xi32>], vector<16xf32>,
      %get3A_264 = arith.index_cast %scan3A_211 : i32 to index
      %get3A_265 = arith.constant 96 : index
      %get3A_266 = tpu.vector_load %arg5[%get3A_264, %get3A_265] {strides = array<i32>} : memref<32x256xi32, #tpu.memory_space<vmem>>, vector<16xi32>,
      %and3A_267 = arith.constant 65535 : i32
      %and3A_268 = vector.broadcast %and3A_267 : i32 to vector<16xi32>
      %and3A_269 = arith.andi %get3A_266, %and3A_268 : vector<16xi32>
      %shift_right_arithmetic3A_270 = arith.constant 16 : i32
      %shift_right_arithmetic3A_271 = vector.broadcast %shift_right_arithmetic3A_270 : i32 to vector<16xi32>
      %shift_right_arithmetic3A_272 = arith.shrsi %get3A_266, %shift_right_arithmetic3A_271 : vector<16xi32>
      tpu.vector_store_idx %arg4[%and3A_269], %broadcast_in_dim3A_31 {add = true} : memref<16384xf32, #tpu.memory_space<vmem>>[vector<16xi32>], vector<16xf32>,
      tpu.vector_store_idx %arg4[%shift_right_arithmetic3A_272], %broadcast_in_dim3A_31 {add = true} : memref<16384xf32, #tpu.memory_space<vmem>>[vector<16xi32>], vector<16xf32>,
      %get3A_273 = arith.index_cast %scan3A_211 : i32 to index
      %get3A_274 = arith.constant 112 : index
      %get3A_275 = tpu.vector_load %arg5[%get3A_273, %get3A_274] {strides = array<i32>} : memref<32x256xi32, #tpu.memory_space<vmem>>, vector<16xi32>,
      %and3A_276 = arith.constant 65535 : i32
      %and3A_277 = vector.broadcast %and3A_276 : i32 to vector<16xi32>
      %and3A_278 = arith.andi %get3A_275, %and3A_277 : vector<16xi32>
      %shift_right_arithmetic3A_279 = arith.constant 16 : i32
      %shift_right_arithmetic3A_280 = vector.broadcast %shift_right_arithmetic3A_279 : i32 to vector<16xi32>
      %shift_right_arithmetic3A_281 = arith.shrsi %get3A_275, %shift_right_arithmetic3A_280 : vector<16xi32>
      tpu.vector_store_idx %arg4[%and3A_278], %broadcast_in_dim3A_31 {add = true} : memref<16384xf32, #tpu.memory_space<vmem>>[vector<16xi32>], vector<16xf32>,
      tpu.vector_store_idx %arg4[%shift_right_arithmetic3A_281], %broadcast_in_dim3A_31 {add = true} : memref<16384xf32, #tpu.memory_space<vmem>>[vector<16xi32>], vector<16xf32>,
      %get3A_282 = arith.index_cast %scan3A_211 : i32 to index
      %get3A_283 = arith.constant 128 : index
      %get3A_284 = tpu.vector_load %arg5[%get3A_282, %get3A_283] {strides = array<i32>} : memref<32x256xi32, #tpu.memory_space<vmem>>, vector<16xi32>,
      %and3A_285 = arith.constant 65535 : i32
      %and3A_286 = vector.broadcast %and3A_285 : i32 to vector<16xi32>
      %and3A_287 = arith.andi %get3A_284, %and3A_286 : vector<16xi32>
      %shift_right_arithmetic3A_288 = arith.constant 16 : i32
      %shift_right_arithmetic3A_289 = vector.broadcast %shift_right_arithmetic3A_288 : i32 to vector<16xi32>
      %shift_right_arithmetic3A_290 = arith.shrsi %get3A_284, %shift_right_arithmetic3A_289 : vector<16xi32>
      tpu.vector_store_idx %arg4[%and3A_287], %broadcast_in_dim3A_31 {add = true} : memref<16384xf32, #tpu.memory_space<vmem>>[vector<16xi32>], vector<16xf32>,
      tpu.vector_store_idx %arg4[%shift_right_arithmetic3A_290], %broadcast_in_dim3A_31 {add = true} : memref<16384xf32, #tpu.memory_space<vmem>>[vector<16xi32>], vector<16xf32>,
      %get3A_291 = arith.index_cast %scan3A_211 : i32 to index
      %get3A_292 = arith.constant 144 : index
      %get3A_293 = tpu.vector_load %arg5[%get3A_291, %get3A_292] {strides = array<i32>} : memref<32x256xi32, #tpu.memory_space<vmem>>, vector<16xi32>,
      %and3A_294 = arith.constant 65535 : i32
      %and3A_295 = vector.broadcast %and3A_294 : i32 to vector<16xi32>
      %and3A_296 = arith.andi %get3A_293, %and3A_295 : vector<16xi32>
      %shift_right_arithmetic3A_297 = arith.constant 16 : i32
      %shift_right_arithmetic3A_298 = vector.broadcast %shift_right_arithmetic3A_297 : i32 to vector<16xi32>
      %shift_right_arithmetic3A_299 = arith.shrsi %get3A_293, %shift_right_arithmetic3A_298 : vector<16xi32>
      tpu.vector_store_idx %arg4[%and3A_296], %broadcast_in_dim3A_31 {add = true} : memref<16384xf32, #tpu.memory_space<vmem>>[vector<16xi32>], vector<16xf32>,
      tpu.vector_store_idx %arg4[%shift_right_arithmetic3A_299], %broadcast_in_dim3A_31 {add = true} : memref<16384xf32, #tpu.memory_space<vmem>>[vector<16xi32>], vector<16xf32>,
      %get3A_300 = arith.index_cast %scan3A_211 : i32 to index
      %get3A_301 = arith.constant 160 : index
      %get3A_302 = tpu.vector_load %arg5[%get3A_300, %get3A_301] {strides = array<i32>} : memref<32x256xi32, #tpu.memory_space<vmem>>, vector<16xi32>,
      %and3A_303 = arith.constant 65535 : i32
      %and3A_304 = vector.broadcast %and3A_303 : i32 to vector<16xi32>
      %and3A_305 = arith.andi %get3A_302, %and3A_304 : vector<16xi32>
      %shift_right_arithmetic3A_306 = arith.constant 16 : i32
      %shift_right_arithmetic3A_307 = vector.broadcast %shift_right_arithmetic3A_306 : i32 to vector<16xi32>
      %shift_right_arithmetic3A_308 = arith.shrsi %get3A_302, %shift_right_arithmetic3A_307 : vector<16xi32>
      tpu.vector_store_idx %arg4[%and3A_305], %broadcast_in_dim3A_31 {add = true} : memref<16384xf32, #tpu.memory_space<vmem>>[vector<16xi32>], vector<16xf32>,
      tpu.vector_store_idx %arg4[%shift_right_arithmetic3A_308], %broadcast_in_dim3A_31 {add = true} : memref<16384xf32, #tpu.memory_space<vmem>>[vector<16xi32>], vector<16xf32>,
      %get3A_309 = arith.index_cast %scan3A_211 : i32 to index
      %get3A_310 = arith.constant 176 : index
      %get3A_311 = tpu.vector_load %arg5[%get3A_309, %get3A_310] {strides = array<i32>} : memref<32x256xi32, #tpu.memory_space<vmem>>, vector<16xi32>,
      %and3A_312 = arith.constant 65535 : i32
      %and3A_313 = vector.broadcast %and3A_312 : i32 to vector<16xi32>
      %and3A_314 = arith.andi %get3A_311, %and3A_313 : vector<16xi32>
      %shift_right_arithmetic3A_315 = arith.constant 16 : i32
      %shift_right_arithmetic3A_316 = vector.broadcast %shift_right_arithmetic3A_315 : i32 to vector<16xi32>
      %shift_right_arithmetic3A_317 = arith.shrsi %get3A_311, %shift_right_arithmetic3A_316 : vector<16xi32>
      tpu.vector_store_idx %arg4[%and3A_314], %broadcast_in_dim3A_31 {add = true} : memref<16384xf32, #tpu.memory_space<vmem>>[vector<16xi32>], vector<16xf32>,
      tpu.vector_store_idx %arg4[%shift_right_arithmetic3A_317], %broadcast_in_dim3A_31 {add = true} : memref<16384xf32, #tpu.memory_space<vmem>>[vector<16xi32>], vector<16xf32>,
      %get3A_318 = arith.index_cast %scan3A_211 : i32 to index
      %get3A_319 = arith.constant 192 : index
      %get3A_320 = tpu.vector_load %arg5[%get3A_318, %get3A_319] {strides = array<i32>} : memref<32x256xi32, #tpu.memory_space<vmem>>, vector<16xi32>,
      %and3A_321 = arith.constant 65535 : i32
      %and3A_322 = vector.broadcast %and3A_321 : i32 to vector<16xi32>
      %and3A_323 = arith.andi %get3A_320, %and3A_322 : vector<16xi32>
      %shift_right_arithmetic3A_324 = arith.constant 16 : i32
      %shift_right_arithmetic3A_325 = vector.broadcast %shift_right_arithmetic3A_324 : i32 to vector<16xi32>
      %shift_right_arithmetic3A_326 = arith.shrsi %get3A_320, %shift_right_arithmetic3A_325 : vector<16xi32>
      tpu.vector_store_idx %arg4[%and3A_323], %broadcast_in_dim3A_31 {add = true} : memref<16384xf32, #tpu.memory_space<vmem>>[vector<16xi32>], vector<16xf32>,
      tpu.vector_store_idx %arg4[%shift_right_arithmetic3A_326], %broadcast_in_dim3A_31 {add = true} : memref<16384xf32, #tpu.memory_space<vmem>>[vector<16xi32>], vector<16xf32>,
      %get3A_327 = arith.index_cast %scan3A_211 : i32 to index
      %get3A_328 = arith.constant 208 : index
      %get3A_329 = tpu.vector_load %arg5[%get3A_327, %get3A_328] {strides = array<i32>} : memref<32x256xi32, #tpu.memory_space<vmem>>, vector<16xi32>,
      %and3A_330 = arith.constant 65535 : i32
      %and3A_331 = vector.broadcast %and3A_330 : i32 to vector<16xi32>
      %and3A_332 = arith.andi %get3A_329, %and3A_331 : vector<16xi32>
      %shift_right_arithmetic3A_333 = arith.constant 16 : i32
      %shift_right_arithmetic3A_334 = vector.broadcast %shift_right_arithmetic3A_333 : i32 to vector<16xi32>
      %shift_right_arithmetic3A_335 = arith.shrsi %get3A_329, %shift_right_arithmetic3A_334 : vector<16xi32>
      tpu.vector_store_idx %arg4[%and3A_332], %broadcast_in_dim3A_31 {add = true} : memref<16384xf32, #tpu.memory_space<vmem>>[vector<16xi32>], vector<16xf32>,
      tpu.vector_store_idx %arg4[%shift_right_arithmetic3A_335], %broadcast_in_dim3A_31 {add = true} : memref<16384xf32, #tpu.memory_space<vmem>>[vector<16xi32>], vector<16xf32>,
      %get3A_336 = arith.index_cast %scan3A_211 : i32 to index
      %get3A_337 = arith.constant 224 : index
      %get3A_338 = tpu.vector_load %arg5[%get3A_336, %get3A_337] {strides = array<i32>} : memref<32x256xi32, #tpu.memory_space<vmem>>, vector<16xi32>,
      %and3A_339 = arith.constant 65535 : i32
      %and3A_340 = vector.broadcast %and3A_339 : i32 to vector<16xi32>
      %and3A_341 = arith.andi %get3A_338, %and3A_340 : vector<16xi32>
      %shift_right_arithmetic3A_342 = arith.constant 16 : i32
      %shift_right_arithmetic3A_343 = vector.broadcast %shift_right_arithmetic3A_342 : i32 to vector<16xi32>
      %shift_right_arithmetic3A_344 = arith.shrsi %get3A_338, %shift_right_arithmetic3A_343 : vector<16xi32>
      tpu.vector_store_idx %arg4[%and3A_341], %broadcast_in_dim3A_31 {add = true} : memref<16384xf32, #tpu.memory_space<vmem>>[vector<16xi32>], vector<16xf32>,
      tpu.vector_store_idx %arg4[%shift_right_arithmetic3A_344], %broadcast_in_dim3A_31 {add = true} : memref<16384xf32, #tpu.memory_space<vmem>>[vector<16xi32>], vector<16xf32>,
      %get3A_345 = arith.index_cast %scan3A_211 : i32 to index
      %get3A_346 = arith.constant 240 : index
      %get3A_347 = tpu.vector_load %arg5[%get3A_345, %get3A_346] {strides = array<i32>} : memref<32x256xi32, #tpu.memory_space<vmem>>, vector<16xi32>,
      %and3A_348 = arith.constant 65535 : i32
      %and3A_349 = vector.broadcast %and3A_348 : i32 to vector<16xi32>
      %and3A_350 = arith.andi %get3A_347, %and3A_349 : vector<16xi32>
      %shift_right_arithmetic3A_351 = arith.constant 16 : i32
      %shift_right_arithmetic3A_352 = vector.broadcast %shift_right_arithmetic3A_351 : i32 to vector<16xi32>
      %shift_right_arithmetic3A_353 = arith.shrsi %get3A_347, %shift_right_arithmetic3A_352 : vector<16xi32>
      tpu.vector_store_idx %arg4[%and3A_350], %broadcast_in_dim3A_31 {add = true} : memref<16384xf32, #tpu.memory_space<vmem>>[vector<16xi32>], vector<16xf32>,
      tpu.vector_store_idx %arg4[%shift_right_arithmetic3A_353], %broadcast_in_dim3A_31 {add = true} : memref<16384xf32, #tpu.memory_space<vmem>>[vector<16xi32>], vector<16xf32>,
    }
    %scan3A_86 = arith.constant 32 : i32
    %dma_wait3A_87 = arith.constant 0 : i32
    %dma_wait3A_88 = tpu.memref_slice %arg2[%select_n3A, %add3A_49, %dma_wait3A_87] : memref<16x512x256xi32, #tpu.memory_space<hbm>> -> memref<1x32x256xi32, #tpu.memory_space<hbm>>
    %dma_wait3A_89 = tpu.memref_squeeze %dma_wait3A_88 : memref<1x32x256xi32, #tpu.memory_space<hbm>> -> memref<32x256xi32, #tpu.memory_space<hbm>>
    %dma_wait3A_90 = arith.constant 0 : i32
    %dma_wait3A_91 = tpu.memref_slice %arg2[%select_n3A, %add3A_49, %dma_wait3A_90] : memref<16x512x256xi32, #tpu.memory_space<hbm>> -> memref<1x32x256xi32, #tpu.memory_space<hbm>>
    %dma_wait3A_92 = tpu.memref_squeeze %dma_wait3A_91 : memref<1x32x256xi32, #tpu.memory_space<hbm>> -> memref<32x256xi32, #tpu.memory_space<hbm>>
    tpu.wait_dma2 semaphore(%arg10 : memref<!tpu.dma_semaphore, #tpu.memory_space<semaphore_mem>>) src(%dma_wait3A_92 : memref<32x256xi32, #tpu.memory_space<hbm>>) dst(%arg6 : memref<32x256xi32, #tpu.memory_space<vmem>>)
    %mul3A_93 = arith.constant 256 : i32
    %mul3A_94 = arith.muli %select_n3A_30, %mul3A_93 : i32
    %add3A_95 = arith.constant 128 : i32
    %add3A_96 = arith.addi %mul3A_94, %add3A_95 : i32
    %dma_start3A_97 = arith.constant 0 : i32
    %dma_start3A_98 = tpu.memref_slice %arg2[%select_n3A, %add3A_96, %dma_start3A_97] : memref<16x512x256xi32, #tpu.memory_space<hbm>> -> memref<1x32x256xi32, #tpu.memory_space<hbm>>
    %dma_start3A_99 = tpu.memref_squeeze %dma_start3A_98 : memref<1x32x256xi32, #tpu.memory_space<hbm>> -> memref<32x256xi32, #tpu.memory_space<hbm>>
    %dma_start3A_100 = arith.constant 0 : i32
    %dma_start3A_101 = tpu.memref_slice %arg2[%select_n3A, %add3A_96, %dma_start3A_100] : memref<16x512x256xi32, #tpu.memory_space<hbm>> -> memref<1x32x256xi32, #tpu.memory_space<hbm>>
    %dma_start3A_102 = tpu.memref_squeeze %dma_start3A_101 : memref<1x32x256xi32, #tpu.memory_space<hbm>> -> memref<32x256xi32, #tpu.memory_space<hbm>>
    tpu.enqueue_dma source(%dma_start3A_102 : memref<32x256xi32, #tpu.memory_space<hbm>>) target(%arg5 : memref<32x256xi32, #tpu.memory_space<vmem>>) target_semaphore(%arg9 : memref<!tpu.dma_semaphore, #tpu.memory_space<semaphore_mem>>)
    %scan3A_103 = arith.constant 0 : i32
    %scan3A_104 = arith.constant 0 : i32
    %scan3A_105 = arith.constant 32 : i32
    %scan3A_106 = arith.addi %scan3A_104, %scan3A_105 : i32
    %scan3A_107 = arith.constant 1 : i32
    scf.for %scan3A_211 = %scan3A_104 to %scan3A_106 step %scan3A_107  : i32 {
      %get3A = arith.index_cast %scan3A_211 : i32 to index
      %get3A_212 = arith.constant 0 : index
      %get3A_213 = tpu.vector_load %arg6[%get3A, %get3A_212] {strides = array<i32>} : memref<32x256xi32, #tpu.memory_space<vmem>>, vector<16xi32>,
      %and3A_214 = arith.constant 65535 : i32
      %and3A_215 = vector.broadcast %and3A_214 : i32 to vector<16xi32>
      %and3A_216 = arith.andi %get3A_213, %and3A_215 : vector<16xi32>
      %shift_right_arithmetic3A = arith.constant 16 : i32
      %shift_right_arithmetic3A_217 = vector.broadcast %shift_right_arithmetic3A : i32 to vector<16xi32>
      %shift_right_arithmetic3A_218 = arith.shrsi %get3A_213, %shift_right_arithmetic3A_217 : vector<16xi32>
      tpu.vector_store_idx %arg4[%and3A_216], %broadcast_in_dim3A_31 {add = true} : memref<16384xf32, #tpu.memory_space<vmem>>[vector<16xi32>], vector<16xf32>,
      tpu.vector_store_idx %arg4[%shift_right_arithmetic3A_218], %broadcast_in_dim3A_31 {add = true} : memref<16384xf32, #tpu.memory_space<vmem>>[vector<16xi32>], vector<16xf32>,
      %get3A_219 = arith.index_cast %scan3A_211 : i32 to index
      %get3A_220 = arith.constant 16 : index
      %get3A_221 = tpu.vector_load %arg6[%get3A_219, %get3A_220] {strides = array<i32>} : memref<32x256xi32, #tpu.memory_space<vmem>>, vector<16xi32>,
      %and3A_222 = arith.constant 65535 : i32
      %and3A_223 = vector.broadcast %and3A_222 : i32 to vector<16xi32>
      %and3A_224 = arith.andi %get3A_221, %and3A_223 : vector<16xi32>
      %shift_right_arithmetic3A_225 = arith.constant 16 : i32
      %shift_right_arithmetic3A_226 = vector.broadcast %shift_right_arithmetic3A_225 : i32 to vector<16xi32>
      %shift_right_arithmetic3A_227 = arith.shrsi %get3A_221, %shift_right_arithmetic3A_226 : vector<16xi32>
      tpu.vector_store_idx %arg4[%and3A_224], %broadcast_in_dim3A_31 {add = true} : memref<16384xf32, #tpu.memory_space<vmem>>[vector<16xi32>], vector<16xf32>,
      tpu.vector_store_idx %arg4[%shift_right_arithmetic3A_227], %broadcast_in_dim3A_31 {add = true} : memref<16384xf32, #tpu.memory_space<vmem>>[vector<16xi32>], vector<16xf32>,
      %get3A_228 = arith.index_cast %scan3A_211 : i32 to index
      %get3A_229 = arith.constant 32 : index
      %get3A_230 = tpu.vector_load %arg6[%get3A_228, %get3A_229] {strides = array<i32>} : memref<32x256xi32, #tpu.memory_space<vmem>>, vector<16xi32>,
      %and3A_231 = arith.constant 65535 : i32
      %and3A_232 = vector.broadcast %and3A_231 : i32 to vector<16xi32>
      %and3A_233 = arith.andi %get3A_230, %and3A_232 : vector<16xi32>
      %shift_right_arithmetic3A_234 = arith.constant 16 : i32
      %shift_right_arithmetic3A_235 = vector.broadcast %shift_right_arithmetic3A_234 : i32 to vector<16xi32>
      %shift_right_arithmetic3A_236 = arith.shrsi %get3A_230, %shift_right_arithmetic3A_235 : vector<16xi32>
      tpu.vector_store_idx %arg4[%and3A_233], %broadcast_in_dim3A_31 {add = true} : memref<16384xf32, #tpu.memory_space<vmem>>[vector<16xi32>], vector<16xf32>,
      tpu.vector_store_idx %arg4[%shift_right_arithmetic3A_236], %broadcast_in_dim3A_31 {add = true} : memref<16384xf32, #tpu.memory_space<vmem>>[vector<16xi32>], vector<16xf32>,
      %get3A_237 = arith.index_cast %scan3A_211 : i32 to index
      %get3A_238 = arith.constant 48 : index
      %get3A_239 = tpu.vector_load %arg6[%get3A_237, %get3A_238] {strides = array<i32>} : memref<32x256xi32, #tpu.memory_space<vmem>>, vector<16xi32>,
      %and3A_240 = arith.constant 65535 : i32
      %and3A_241 = vector.broadcast %and3A_240 : i32 to vector<16xi32>
      %and3A_242 = arith.andi %get3A_239, %and3A_241 : vector<16xi32>
      %shift_right_arithmetic3A_243 = arith.constant 16 : i32
      %shift_right_arithmetic3A_244 = vector.broadcast %shift_right_arithmetic3A_243 : i32 to vector<16xi32>
      %shift_right_arithmetic3A_245 = arith.shrsi %get3A_239, %shift_right_arithmetic3A_244 : vector<16xi32>
      tpu.vector_store_idx %arg4[%and3A_242], %broadcast_in_dim3A_31 {add = true} : memref<16384xf32, #tpu.memory_space<vmem>>[vector<16xi32>], vector<16xf32>,
      tpu.vector_store_idx %arg4[%shift_right_arithmetic3A_245], %broadcast_in_dim3A_31 {add = true} : memref<16384xf32, #tpu.memory_space<vmem>>[vector<16xi32>], vector<16xf32>,
      %get3A_246 = arith.index_cast %scan3A_211 : i32 to index
      %get3A_247 = arith.constant 64 : index
      %get3A_248 = tpu.vector_load %arg6[%get3A_246, %get3A_247] {strides = array<i32>} : memref<32x256xi32, #tpu.memory_space<vmem>>, vector<16xi32>,
      %and3A_249 = arith.constant 65535 : i32
      %and3A_250 = vector.broadcast %and3A_249 : i32 to vector<16xi32>
      %and3A_251 = arith.andi %get3A_248, %and3A_250 : vector<16xi32>
      %shift_right_arithmetic3A_252 = arith.constant 16 : i32
      %shift_right_arithmetic3A_253 = vector.broadcast %shift_right_arithmetic3A_252 : i32 to vector<16xi32>
      %shift_right_arithmetic3A_254 = arith.shrsi %get3A_248, %shift_right_arithmetic3A_253 : vector<16xi32>
      tpu.vector_store_idx %arg4[%and3A_251], %broadcast_in_dim3A_31 {add = true} : memref<16384xf32, #tpu.memory_space<vmem>>[vector<16xi32>], vector<16xf32>,
      tpu.vector_store_idx %arg4[%shift_right_arithmetic3A_254], %broadcast_in_dim3A_31 {add = true} : memref<16384xf32, #tpu.memory_space<vmem>>[vector<16xi32>], vector<16xf32>,
      %get3A_255 = arith.index_cast %scan3A_211 : i32 to index
      %get3A_256 = arith.constant 80 : index
      %get3A_257 = tpu.vector_load %arg6[%get3A_255, %get3A_256] {strides = array<i32>} : memref<32x256xi32, #tpu.memory_space<vmem>>, vector<16xi32>,
      %and3A_258 = arith.constant 65535 : i32
      %and3A_259 = vector.broadcast %and3A_258 : i32 to vector<16xi32>
      %and3A_260 = arith.andi %get3A_257, %and3A_259 : vector<16xi32>
      %shift_right_arithmetic3A_261 = arith.constant 16 : i32
      %shift_right_arithmetic3A_262 = vector.broadcast %shift_right_arithmetic3A_261 : i32 to vector<16xi32>
      %shift_right_arithmetic3A_263 = arith.shrsi %get3A_257, %shift_right_arithmetic3A_262 : vector<16xi32>
      tpu.vector_store_idx %arg4[%and3A_260], %broadcast_in_dim3A_31 {add = true} : memref<16384xf32, #tpu.memory_space<vmem>>[vector<16xi32>], vector<16xf32>,
      tpu.vector_store_idx %arg4[%shift_right_arithmetic3A_263], %broadcast_in_dim3A_31 {add = true} : memref<16384xf32, #tpu.memory_space<vmem>>[vector<16xi32>], vector<16xf32>,
      %get3A_264 = arith.index_cast %scan3A_211 : i32 to index
      %get3A_265 = arith.constant 96 : index
      %get3A_266 = tpu.vector_load %arg6[%get3A_264, %get3A_265] {strides = array<i32>} : memref<32x256xi32, #tpu.memory_space<vmem>>, vector<16xi32>,
      %and3A_267 = arith.constant 65535 : i32
      %and3A_268 = vector.broadcast %and3A_267 : i32 to vector<16xi32>
      %and3A_269 = arith.andi %get3A_266, %and3A_268 : vector<16xi32>
      %shift_right_arithmetic3A_270 = arith.constant 16 : i32
      %shift_right_arithmetic3A_271 = vector.broadcast %shift_right_arithmetic3A_270 : i32 to vector<16xi32>
      %shift_right_arithmetic3A_272 = arith.shrsi %get3A_266, %shift_right_arithmetic3A_271 : vector<16xi32>
      tpu.vector_store_idx %arg4[%and3A_269], %broadcast_in_dim3A_31 {add = true} : memref<16384xf32, #tpu.memory_space<vmem>>[vector<16xi32>], vector<16xf32>,
      tpu.vector_store_idx %arg4[%shift_right_arithmetic3A_272], %broadcast_in_dim3A_31 {add = true} : memref<16384xf32, #tpu.memory_space<vmem>>[vector<16xi32>], vector<16xf32>,
      %get3A_273 = arith.index_cast %scan3A_211 : i32 to index
      %get3A_274 = arith.constant 112 : index
      %get3A_275 = tpu.vector_load %arg6[%get3A_273, %get3A_274] {strides = array<i32>} : memref<32x256xi32, #tpu.memory_space<vmem>>, vector<16xi32>,
      %and3A_276 = arith.constant 65535 : i32
      %and3A_277 = vector.broadcast %and3A_276 : i32 to vector<16xi32>
      %and3A_278 = arith.andi %get3A_275, %and3A_277 : vector<16xi32>
      %shift_right_arithmetic3A_279 = arith.constant 16 : i32
      %shift_right_arithmetic3A_280 = vector.broadcast %shift_right_arithmetic3A_279 : i32 to vector<16xi32>
      %shift_right_arithmetic3A_281 = arith.shrsi %get3A_275, %shift_right_arithmetic3A_280 : vector<16xi32>
      tpu.vector_store_idx %arg4[%and3A_278], %broadcast_in_dim3A_31 {add = true} : memref<16384xf32, #tpu.memory_space<vmem>>[vector<16xi32>], vector<16xf32>,
      tpu.vector_store_idx %arg4[%shift_right_arithmetic3A_281], %broadcast_in_dim3A_31 {add = true} : memref<16384xf32, #tpu.memory_space<vmem>>[vector<16xi32>], vector<16xf32>,
      %get3A_282 = arith.index_cast %scan3A_211 : i32 to index
      %get3A_283 = arith.constant 128 : index
      %get3A_284 = tpu.vector_load %arg6[%get3A_282, %get3A_283] {strides = array<i32>} : memref<32x256xi32, #tpu.memory_space<vmem>>, vector<16xi32>,
      %and3A_285 = arith.constant 65535 : i32
      %and3A_286 = vector.broadcast %and3A_285 : i32 to vector<16xi32>
      %and3A_287 = arith.andi %get3A_284, %and3A_286 : vector<16xi32>
      %shift_right_arithmetic3A_288 = arith.constant 16 : i32
      %shift_right_arithmetic3A_289 = vector.broadcast %shift_right_arithmetic3A_288 : i32 to vector<16xi32>
      %shift_right_arithmetic3A_290 = arith.shrsi %get3A_284, %shift_right_arithmetic3A_289 : vector<16xi32>
      tpu.vector_store_idx %arg4[%and3A_287], %broadcast_in_dim3A_31 {add = true} : memref<16384xf32, #tpu.memory_space<vmem>>[vector<16xi32>], vector<16xf32>,
      tpu.vector_store_idx %arg4[%shift_right_arithmetic3A_290], %broadcast_in_dim3A_31 {add = true} : memref<16384xf32, #tpu.memory_space<vmem>>[vector<16xi32>], vector<16xf32>,
      %get3A_291 = arith.index_cast %scan3A_211 : i32 to index
      %get3A_292 = arith.constant 144 : index
      %get3A_293 = tpu.vector_load %arg6[%get3A_291, %get3A_292] {strides = array<i32>} : memref<32x256xi32, #tpu.memory_space<vmem>>, vector<16xi32>,
      %and3A_294 = arith.constant 65535 : i32
      %and3A_295 = vector.broadcast %and3A_294 : i32 to vector<16xi32>
      %and3A_296 = arith.andi %get3A_293, %and3A_295 : vector<16xi32>
      %shift_right_arithmetic3A_297 = arith.constant 16 : i32
      %shift_right_arithmetic3A_298 = vector.broadcast %shift_right_arithmetic3A_297 : i32 to vector<16xi32>
      %shift_right_arithmetic3A_299 = arith.shrsi %get3A_293, %shift_right_arithmetic3A_298 : vector<16xi32>
      tpu.vector_store_idx %arg4[%and3A_296], %broadcast_in_dim3A_31 {add = true} : memref<16384xf32, #tpu.memory_space<vmem>>[vector<16xi32>], vector<16xf32>,
      tpu.vector_store_idx %arg4[%shift_right_arithmetic3A_299], %broadcast_in_dim3A_31 {add = true} : memref<16384xf32, #tpu.memory_space<vmem>>[vector<16xi32>], vector<16xf32>,
      %get3A_300 = arith.index_cast %scan3A_211 : i32 to index
      %get3A_301 = arith.constant 160 : index
      %get3A_302 = tpu.vector_load %arg6[%get3A_300, %get3A_301] {strides = array<i32>} : memref<32x256xi32, #tpu.memory_space<vmem>>, vector<16xi32>,
      %and3A_303 = arith.constant 65535 : i32
      %and3A_304 = vector.broadcast %and3A_303 : i32 to vector<16xi32>
      %and3A_305 = arith.andi %get3A_302, %and3A_304 : vector<16xi32>
      %shift_right_arithmetic3A_306 = arith.constant 16 : i32
      %shift_right_arithmetic3A_307 = vector.broadcast %shift_right_arithmetic3A_306 : i32 to vector<16xi32>
      %shift_right_arithmetic3A_308 = arith.shrsi %get3A_302, %shift_right_arithmetic3A_307 : vector<16xi32>
      tpu.vector_store_idx %arg4[%and3A_305], %broadcast_in_dim3A_31 {add = true} : memref<16384xf32, #tpu.memory_space<vmem>>[vector<16xi32>], vector<16xf32>,
      tpu.vector_store_idx %arg4[%shift_right_arithmetic3A_308], %broadcast_in_dim3A_31 {add = true} : memref<16384xf32, #tpu.memory_space<vmem>>[vector<16xi32>], vector<16xf32>,
      %get3A_309 = arith.index_cast %scan3A_211 : i32 to index
      %get3A_310 = arith.constant 176 : index
      %get3A_311 = tpu.vector_load %arg6[%get3A_309, %get3A_310] {strides = array<i32>} : memref<32x256xi32, #tpu.memory_space<vmem>>, vector<16xi32>,
      %and3A_312 = arith.constant 65535 : i32
      %and3A_313 = vector.broadcast %and3A_312 : i32 to vector<16xi32>
      %and3A_314 = arith.andi %get3A_311, %and3A_313 : vector<16xi32>
      %shift_right_arithmetic3A_315 = arith.constant 16 : i32
      %shift_right_arithmetic3A_316 = vector.broadcast %shift_right_arithmetic3A_315 : i32 to vector<16xi32>
      %shift_right_arithmetic3A_317 = arith.shrsi %get3A_311, %shift_right_arithmetic3A_316 : vector<16xi32>
      tpu.vector_store_idx %arg4[%and3A_314], %broadcast_in_dim3A_31 {add = true} : memref<16384xf32, #tpu.memory_space<vmem>>[vector<16xi32>], vector<16xf32>,
      tpu.vector_store_idx %arg4[%shift_right_arithmetic3A_317], %broadcast_in_dim3A_31 {add = true} : memref<16384xf32, #tpu.memory_space<vmem>>[vector<16xi32>], vector<16xf32>,
      %get3A_318 = arith.index_cast %scan3A_211 : i32 to index
      %get3A_319 = arith.constant 192 : index
      %get3A_320 = tpu.vector_load %arg6[%get3A_318, %get3A_319] {strides = array<i32>} : memref<32x256xi32, #tpu.memory_space<vmem>>, vector<16xi32>,
      %and3A_321 = arith.constant 65535 : i32
      %and3A_322 = vector.broadcast %and3A_321 : i32 to vector<16xi32>
      %and3A_323 = arith.andi %get3A_320, %and3A_322 : vector<16xi32>
      %shift_right_arithmetic3A_324 = arith.constant 16 : i32
      %shift_right_arithmetic3A_325 = vector.broadcast %shift_right_arithmetic3A_324 : i32 to vector<16xi32>
      %shift_right_arithmetic3A_326 = arith.shrsi %get3A_320, %shift_right_arithmetic3A_325 : vector<16xi32>
      tpu.vector_store_idx %arg4[%and3A_323], %broadcast_in_dim3A_31 {add = true} : memref<16384xf32, #tpu.memory_space<vmem>>[vector<16xi32>], vector<16xf32>,
      tpu.vector_store_idx %arg4[%shift_right_arithmetic3A_326], %broadcast_in_dim3A_31 {add = true} : memref<16384xf32, #tpu.memory_space<vmem>>[vector<16xi32>], vector<16xf32>,
      %get3A_327 = arith.index_cast %scan3A_211 : i32 to index
      %get3A_328 = arith.constant 208 : index
      %get3A_329 = tpu.vector_load %arg6[%get3A_327, %get3A_328] {strides = array<i32>} : memref<32x256xi32, #tpu.memory_space<vmem>>, vector<16xi32>,
      %and3A_330 = arith.constant 65535 : i32
      %and3A_331 = vector.broadcast %and3A_330 : i32 to vector<16xi32>
      %and3A_332 = arith.andi %get3A_329, %and3A_331 : vector<16xi32>
      %shift_right_arithmetic3A_333 = arith.constant 16 : i32
      %shift_right_arithmetic3A_334 = vector.broadcast %shift_right_arithmetic3A_333 : i32 to vector<16xi32>
      %shift_right_arithmetic3A_335 = arith.shrsi %get3A_329, %shift_right_arithmetic3A_334 : vector<16xi32>
      tpu.vector_store_idx %arg4[%and3A_332], %broadcast_in_dim3A_31 {add = true} : memref<16384xf32, #tpu.memory_space<vmem>>[vector<16xi32>], vector<16xf32>,
      tpu.vector_store_idx %arg4[%shift_right_arithmetic3A_335], %broadcast_in_dim3A_31 {add = true} : memref<16384xf32, #tpu.memory_space<vmem>>[vector<16xi32>], vector<16xf32>,
      %get3A_336 = arith.index_cast %scan3A_211 : i32 to index
      %get3A_337 = arith.constant 224 : index
      %get3A_338 = tpu.vector_load %arg6[%get3A_336, %get3A_337] {strides = array<i32>} : memref<32x256xi32, #tpu.memory_space<vmem>>, vector<16xi32>,
      %and3A_339 = arith.constant 65535 : i32
      %and3A_340 = vector.broadcast %and3A_339 : i32 to vector<16xi32>
      %and3A_341 = arith.andi %get3A_338, %and3A_340 : vector<16xi32>
      %shift_right_arithmetic3A_342 = arith.constant 16 : i32
      %shift_right_arithmetic3A_343 = vector.broadcast %shift_right_arithmetic3A_342 : i32 to vector<16xi32>
      %shift_right_arithmetic3A_344 = arith.shrsi %get3A_338, %shift_right_arithmetic3A_343 : vector<16xi32>
      tpu.vector_store_idx %arg4[%and3A_341], %broadcast_in_dim3A_31 {add = true} : memref<16384xf32, #tpu.memory_space<vmem>>[vector<16xi32>], vector<16xf32>,
      tpu.vector_store_idx %arg4[%shift_right_arithmetic3A_344], %broadcast_in_dim3A_31 {add = true} : memref<16384xf32, #tpu.memory_space<vmem>>[vector<16xi32>], vector<16xf32>,
      %get3A_345 = arith.index_cast %scan3A_211 : i32 to index
      %get3A_346 = arith.constant 240 : index
      %get3A_347 = tpu.vector_load %arg6[%get3A_345, %get3A_346] {strides = array<i32>} : memref<32x256xi32, #tpu.memory_space<vmem>>, vector<16xi32>,
      %and3A_348 = arith.constant 65535 : i32
      %and3A_349 = vector.broadcast %and3A_348 : i32 to vector<16xi32>
      %and3A_350 = arith.andi %get3A_347, %and3A_349 : vector<16xi32>
      %shift_right_arithmetic3A_351 = arith.constant 16 : i32
      %shift_right_arithmetic3A_352 = vector.broadcast %shift_right_arithmetic3A_351 : i32 to vector<16xi32>
      %shift_right_arithmetic3A_353 = arith.shrsi %get3A_347, %shift_right_arithmetic3A_352 : vector<16xi32>
      tpu.vector_store_idx %arg4[%and3A_350], %broadcast_in_dim3A_31 {add = true} : memref<16384xf32, #tpu.memory_space<vmem>>[vector<16xi32>], vector<16xf32>,
      tpu.vector_store_idx %arg4[%shift_right_arithmetic3A_353], %broadcast_in_dim3A_31 {add = true} : memref<16384xf32, #tpu.memory_space<vmem>>[vector<16xi32>], vector<16xf32>,
    }
    %scan3A_108 = arith.constant 32 : i32
    %dma_wait3A_109 = arith.constant 0 : i32
    %dma_wait3A_110 = tpu.memref_slice %arg2[%select_n3A, %add3A_59, %dma_wait3A_109] : memref<16x512x256xi32, #tpu.memory_space<hbm>> -> memref<1x32x256xi32, #tpu.memory_space<hbm>>
    %dma_wait3A_111 = tpu.memref_squeeze %dma_wait3A_110 : memref<1x32x256xi32, #tpu.memory_space<hbm>> -> memref<32x256xi32, #tpu.memory_space<hbm>>
    %dma_wait3A_112 = arith.constant 0 : i32
    %dma_wait3A_113 = tpu.memref_slice %arg2[%select_n3A, %add3A_59, %dma_wait3A_112] : memref<16x512x256xi32, #tpu.memory_space<hbm>> -> memref<1x32x256xi32, #tpu.memory_space<hbm>>
    %dma_wait3A_114 = tpu.memref_squeeze %dma_wait3A_113 : memref<1x32x256xi32, #tpu.memory_space<hbm>> -> memref<32x256xi32, #tpu.memory_space<hbm>>
    tpu.wait_dma2 semaphore(%arg11 : memref<!tpu.dma_semaphore, #tpu.memory_space<semaphore_mem>>) src(%dma_wait3A_114 : memref<32x256xi32, #tpu.memory_space<hbm>>) dst(%arg7 : memref<32x256xi32, #tpu.memory_space<vmem>>)
    %mul3A_115 = arith.constant 256 : i32
    %mul3A_116 = arith.muli %select_n3A_30, %mul3A_115 : i32
    %add3A_117 = arith.constant 160 : i32
    %add3A_118 = arith.addi %mul3A_116, %add3A_117 : i32
    %dma_start3A_119 = arith.constant 0 : i32
    %dma_start3A_120 = tpu.memref_slice %arg2[%select_n3A, %add3A_118, %dma_start3A_119] : memref<16x512x256xi32, #tpu.memory_space<hbm>> -> memref<1x32x256xi32, #tpu.memory_space<hbm>>
    %dma_start3A_121 = tpu.memref_squeeze %dma_start3A_120 : memref<1x32x256xi32, #tpu.memory_space<hbm>> -> memref<32x256xi32, #tpu.memory_space<hbm>>
    %dma_start3A_122 = arith.constant 0 : i32
    %dma_start3A_123 = tpu.memref_slice %arg2[%select_n3A, %add3A_118, %dma_start3A_122] : memref<16x512x256xi32, #tpu.memory_space<hbm>> -> memref<1x32x256xi32, #tpu.memory_space<hbm>>
    %dma_start3A_124 = tpu.memref_squeeze %dma_start3A_123 : memref<1x32x256xi32, #tpu.memory_space<hbm>> -> memref<32x256xi32, #tpu.memory_space<hbm>>
    tpu.enqueue_dma source(%dma_start3A_124 : memref<32x256xi32, #tpu.memory_space<hbm>>) target(%arg6 : memref<32x256xi32, #tpu.memory_space<vmem>>) target_semaphore(%arg10 : memref<!tpu.dma_semaphore, #tpu.memory_space<semaphore_mem>>)
    %scan3A_125 = arith.constant 0 : i32
    %scan3A_126 = arith.constant 0 : i32
    %scan3A_127 = arith.constant 32 : i32
    %scan3A_128 = arith.addi %scan3A_126, %scan3A_127 : i32
    %scan3A_129 = arith.constant 1 : i32
    scf.for %scan3A_211 = %scan3A_126 to %scan3A_128 step %scan3A_129  : i32 {
      %get3A = arith.index_cast %scan3A_211 : i32 to index
      %get3A_212 = arith.constant 0 : index
      %get3A_213 = tpu.vector_load %arg7[%get3A, %get3A_212] {strides = array<i32>} : memref<32x256xi32, #tpu.memory_space<vmem>>, vector<16xi32>,
      %and3A_214 = arith.constant 65535 : i32
      %and3A_215 = vector.broadcast %and3A_214 : i32 to vector<16xi32>
      %and3A_216 = arith.andi %get3A_213, %and3A_215 : vector<16xi32>
      %shift_right_arithmetic3A = arith.constant 16 : i32
      %shift_right_arithmetic3A_217 = vector.broadcast %shift_right_arithmetic3A : i32 to vector<16xi32>
      %shift_right_arithmetic3A_218 = arith.shrsi %get3A_213, %shift_right_arithmetic3A_217 : vector<16xi32>
      tpu.vector_store_idx %arg4[%and3A_216], %broadcast_in_dim3A_31 {add = true} : memref<16384xf32, #tpu.memory_space<vmem>>[vector<16xi32>], vector<16xf32>,
      tpu.vector_store_idx %arg4[%shift_right_arithmetic3A_218], %broadcast_in_dim3A_31 {add = true} : memref<16384xf32, #tpu.memory_space<vmem>>[vector<16xi32>], vector<16xf32>,
      %get3A_219 = arith.index_cast %scan3A_211 : i32 to index
      %get3A_220 = arith.constant 16 : index
      %get3A_221 = tpu.vector_load %arg7[%get3A_219, %get3A_220] {strides = array<i32>} : memref<32x256xi32, #tpu.memory_space<vmem>>, vector<16xi32>,
      %and3A_222 = arith.constant 65535 : i32
      %and3A_223 = vector.broadcast %and3A_222 : i32 to vector<16xi32>
      %and3A_224 = arith.andi %get3A_221, %and3A_223 : vector<16xi32>
      %shift_right_arithmetic3A_225 = arith.constant 16 : i32
      %shift_right_arithmetic3A_226 = vector.broadcast %shift_right_arithmetic3A_225 : i32 to vector<16xi32>
      %shift_right_arithmetic3A_227 = arith.shrsi %get3A_221, %shift_right_arithmetic3A_226 : vector<16xi32>
      tpu.vector_store_idx %arg4[%and3A_224], %broadcast_in_dim3A_31 {add = true} : memref<16384xf32, #tpu.memory_space<vmem>>[vector<16xi32>], vector<16xf32>,
      tpu.vector_store_idx %arg4[%shift_right_arithmetic3A_227], %broadcast_in_dim3A_31 {add = true} : memref<16384xf32, #tpu.memory_space<vmem>>[vector<16xi32>], vector<16xf32>,
      %get3A_228 = arith.index_cast %scan3A_211 : i32 to index
      %get3A_229 = arith.constant 32 : index
      %get3A_230 = tpu.vector_load %arg7[%get3A_228, %get3A_229] {strides = array<i32>} : memref<32x256xi32, #tpu.memory_space<vmem>>, vector<16xi32>,
      %and3A_231 = arith.constant 65535 : i32
      %and3A_232 = vector.broadcast %and3A_231 : i32 to vector<16xi32>
      %and3A_233 = arith.andi %get3A_230, %and3A_232 : vector<16xi32>
      %shift_right_arithmetic3A_234 = arith.constant 16 : i32
      %shift_right_arithmetic3A_235 = vector.broadcast %shift_right_arithmetic3A_234 : i32 to vector<16xi32>
      %shift_right_arithmetic3A_236 = arith.shrsi %get3A_230, %shift_right_arithmetic3A_235 : vector<16xi32>
      tpu.vector_store_idx %arg4[%and3A_233], %broadcast_in_dim3A_31 {add = true} : memref<16384xf32, #tpu.memory_space<vmem>>[vector<16xi32>], vector<16xf32>,
      tpu.vector_store_idx %arg4[%shift_right_arithmetic3A_236], %broadcast_in_dim3A_31 {add = true} : memref<16384xf32, #tpu.memory_space<vmem>>[vector<16xi32>], vector<16xf32>,
      %get3A_237 = arith.index_cast %scan3A_211 : i32 to index
      %get3A_238 = arith.constant 48 : index
      %get3A_239 = tpu.vector_load %arg7[%get3A_237, %get3A_238] {strides = array<i32>} : memref<32x256xi32, #tpu.memory_space<vmem>>, vector<16xi32>,
      %and3A_240 = arith.constant 65535 : i32
      %and3A_241 = vector.broadcast %and3A_240 : i32 to vector<16xi32>
      %and3A_242 = arith.andi %get3A_239, %and3A_241 : vector<16xi32>
      %shift_right_arithmetic3A_243 = arith.constant 16 : i32
      %shift_right_arithmetic3A_244 = vector.broadcast %shift_right_arithmetic3A_243 : i32 to vector<16xi32>
      %shift_right_arithmetic3A_245 = arith.shrsi %get3A_239, %shift_right_arithmetic3A_244 : vector<16xi32>
      tpu.vector_store_idx %arg4[%and3A_242], %broadcast_in_dim3A_31 {add = true} : memref<16384xf32, #tpu.memory_space<vmem>>[vector<16xi32>], vector<16xf32>,
      tpu.vector_store_idx %arg4[%shift_right_arithmetic3A_245], %broadcast_in_dim3A_31 {add = true} : memref<16384xf32, #tpu.memory_space<vmem>>[vector<16xi32>], vector<16xf32>,
      %get3A_246 = arith.index_cast %scan3A_211 : i32 to index
      %get3A_247 = arith.constant 64 : index
      %get3A_248 = tpu.vector_load %arg7[%get3A_246, %get3A_247] {strides = array<i32>} : memref<32x256xi32, #tpu.memory_space<vmem>>, vector<16xi32>,
      %and3A_249 = arith.constant 65535 : i32
      %and3A_250 = vector.broadcast %and3A_249 : i32 to vector<16xi32>
      %and3A_251 = arith.andi %get3A_248, %and3A_250 : vector<16xi32>
      %shift_right_arithmetic3A_252 = arith.constant 16 : i32
      %shift_right_arithmetic3A_253 = vector.broadcast %shift_right_arithmetic3A_252 : i32 to vector<16xi32>
      %shift_right_arithmetic3A_254 = arith.shrsi %get3A_248, %shift_right_arithmetic3A_253 : vector<16xi32>
      tpu.vector_store_idx %arg4[%and3A_251], %broadcast_in_dim3A_31 {add = true} : memref<16384xf32, #tpu.memory_space<vmem>>[vector<16xi32>], vector<16xf32>,
      tpu.vector_store_idx %arg4[%shift_right_arithmetic3A_254], %broadcast_in_dim3A_31 {add = true} : memref<16384xf32, #tpu.memory_space<vmem>>[vector<16xi32>], vector<16xf32>,
      %get3A_255 = arith.index_cast %scan3A_211 : i32 to index
      %get3A_256 = arith.constant 80 : index
      %get3A_257 = tpu.vector_load %arg7[%get3A_255, %get3A_256] {strides = array<i32>} : memref<32x256xi32, #tpu.memory_space<vmem>>, vector<16xi32>,
      %and3A_258 = arith.constant 65535 : i32
      %and3A_259 = vector.broadcast %and3A_258 : i32 to vector<16xi32>
      %and3A_260 = arith.andi %get3A_257, %and3A_259 : vector<16xi32>
      %shift_right_arithmetic3A_261 = arith.constant 16 : i32
      %shift_right_arithmetic3A_262 = vector.broadcast %shift_right_arithmetic3A_261 : i32 to vector<16xi32>
      %shift_right_arithmetic3A_263 = arith.shrsi %get3A_257, %shift_right_arithmetic3A_262 : vector<16xi32>
      tpu.vector_store_idx %arg4[%and3A_260], %broadcast_in_dim3A_31 {add = true} : memref<16384xf32, #tpu.memory_space<vmem>>[vector<16xi32>], vector<16xf32>,
      tpu.vector_store_idx %arg4[%shift_right_arithmetic3A_263], %broadcast_in_dim3A_31 {add = true} : memref<16384xf32, #tpu.memory_space<vmem>>[vector<16xi32>], vector<16xf32>,
      %get3A_264 = arith.index_cast %scan3A_211 : i32 to index
      %get3A_265 = arith.constant 96 : index
      %get3A_266 = tpu.vector_load %arg7[%get3A_264, %get3A_265] {strides = array<i32>} : memref<32x256xi32, #tpu.memory_space<vmem>>, vector<16xi32>,
      %and3A_267 = arith.constant 65535 : i32
      %and3A_268 = vector.broadcast %and3A_267 : i32 to vector<16xi32>
      %and3A_269 = arith.andi %get3A_266, %and3A_268 : vector<16xi32>
      %shift_right_arithmetic3A_270 = arith.constant 16 : i32
      %shift_right_arithmetic3A_271 = vector.broadcast %shift_right_arithmetic3A_270 : i32 to vector<16xi32>
      %shift_right_arithmetic3A_272 = arith.shrsi %get3A_266, %shift_right_arithmetic3A_271 : vector<16xi32>
      tpu.vector_store_idx %arg4[%and3A_269], %broadcast_in_dim3A_31 {add = true} : memref<16384xf32, #tpu.memory_space<vmem>>[vector<16xi32>], vector<16xf32>,
      tpu.vector_store_idx %arg4[%shift_right_arithmetic3A_272], %broadcast_in_dim3A_31 {add = true} : memref<16384xf32, #tpu.memory_space<vmem>>[vector<16xi32>], vector<16xf32>,
      %get3A_273 = arith.index_cast %scan3A_211 : i32 to index
      %get3A_274 = arith.constant 112 : index
      %get3A_275 = tpu.vector_load %arg7[%get3A_273, %get3A_274] {strides = array<i32>} : memref<32x256xi32, #tpu.memory_space<vmem>>, vector<16xi32>,
      %and3A_276 = arith.constant 65535 : i32
      %and3A_277 = vector.broadcast %and3A_276 : i32 to vector<16xi32>
      %and3A_278 = arith.andi %get3A_275, %and3A_277 : vector<16xi32>
      %shift_right_arithmetic3A_279 = arith.constant 16 : i32
      %shift_right_arithmetic3A_280 = vector.broadcast %shift_right_arithmetic3A_279 : i32 to vector<16xi32>
      %shift_right_arithmetic3A_281 = arith.shrsi %get3A_275, %shift_right_arithmetic3A_280 : vector<16xi32>
      tpu.vector_store_idx %arg4[%and3A_278], %broadcast_in_dim3A_31 {add = true} : memref<16384xf32, #tpu.memory_space<vmem>>[vector<16xi32>], vector<16xf32>,
      tpu.vector_store_idx %arg4[%shift_right_arithmetic3A_281], %broadcast_in_dim3A_31 {add = true} : memref<16384xf32, #tpu.memory_space<vmem>>[vector<16xi32>], vector<16xf32>,
      %get3A_282 = arith.index_cast %scan3A_211 : i32 to index
      %get3A_283 = arith.constant 128 : index
      %get3A_284 = tpu.vector_load %arg7[%get3A_282, %get3A_283] {strides = array<i32>} : memref<32x256xi32, #tpu.memory_space<vmem>>, vector<16xi32>,
      %and3A_285 = arith.constant 65535 : i32
      %and3A_286 = vector.broadcast %and3A_285 : i32 to vector<16xi32>
      %and3A_287 = arith.andi %get3A_284, %and3A_286 : vector<16xi32>
      %shift_right_arithmetic3A_288 = arith.constant 16 : i32
      %shift_right_arithmetic3A_289 = vector.broadcast %shift_right_arithmetic3A_288 : i32 to vector<16xi32>
      %shift_right_arithmetic3A_290 = arith.shrsi %get3A_284, %shift_right_arithmetic3A_289 : vector<16xi32>
      tpu.vector_store_idx %arg4[%and3A_287], %broadcast_in_dim3A_31 {add = true} : memref<16384xf32, #tpu.memory_space<vmem>>[vector<16xi32>], vector<16xf32>,
      tpu.vector_store_idx %arg4[%shift_right_arithmetic3A_290], %broadcast_in_dim3A_31 {add = true} : memref<16384xf32, #tpu.memory_space<vmem>>[vector<16xi32>], vector<16xf32>,
      %get3A_291 = arith.index_cast %scan3A_211 : i32 to index
      %get3A_292 = arith.constant 144 : index
      %get3A_293 = tpu.vector_load %arg7[%get3A_291, %get3A_292] {strides = array<i32>} : memref<32x256xi32, #tpu.memory_space<vmem>>, vector<16xi32>,
      %and3A_294 = arith.constant 65535 : i32
      %and3A_295 = vector.broadcast %and3A_294 : i32 to vector<16xi32>
      %and3A_296 = arith.andi %get3A_293, %and3A_295 : vector<16xi32>
      %shift_right_arithmetic3A_297 = arith.constant 16 : i32
      %shift_right_arithmetic3A_298 = vector.broadcast %shift_right_arithmetic3A_297 : i32 to vector<16xi32>
      %shift_right_arithmetic3A_299 = arith.shrsi %get3A_293, %shift_right_arithmetic3A_298 : vector<16xi32>
      tpu.vector_store_idx %arg4[%and3A_296], %broadcast_in_dim3A_31 {add = true} : memref<16384xf32, #tpu.memory_space<vmem>>[vector<16xi32>], vector<16xf32>,
      tpu.vector_store_idx %arg4[%shift_right_arithmetic3A_299], %broadcast_in_dim3A_31 {add = true} : memref<16384xf32, #tpu.memory_space<vmem>>[vector<16xi32>], vector<16xf32>,
      %get3A_300 = arith.index_cast %scan3A_211 : i32 to index
      %get3A_301 = arith.constant 160 : index
      %get3A_302 = tpu.vector_load %arg7[%get3A_300, %get3A_301] {strides = array<i32>} : memref<32x256xi32, #tpu.memory_space<vmem>>, vector<16xi32>,
      %and3A_303 = arith.constant 65535 : i32
      %and3A_304 = vector.broadcast %and3A_303 : i32 to vector<16xi32>
      %and3A_305 = arith.andi %get3A_302, %and3A_304 : vector<16xi32>
      %shift_right_arithmetic3A_306 = arith.constant 16 : i32
      %shift_right_arithmetic3A_307 = vector.broadcast %shift_right_arithmetic3A_306 : i32 to vector<16xi32>
      %shift_right_arithmetic3A_308 = arith.shrsi %get3A_302, %shift_right_arithmetic3A_307 : vector<16xi32>
      tpu.vector_store_idx %arg4[%and3A_305], %broadcast_in_dim3A_31 {add = true} : memref<16384xf32, #tpu.memory_space<vmem>>[vector<16xi32>], vector<16xf32>,
      tpu.vector_store_idx %arg4[%shift_right_arithmetic3A_308], %broadcast_in_dim3A_31 {add = true} : memref<16384xf32, #tpu.memory_space<vmem>>[vector<16xi32>], vector<16xf32>,
      %get3A_309 = arith.index_cast %scan3A_211 : i32 to index
      %get3A_310 = arith.constant 176 : index
      %get3A_311 = tpu.vector_load %arg7[%get3A_309, %get3A_310] {strides = array<i32>} : memref<32x256xi32, #tpu.memory_space<vmem>>, vector<16xi32>,
      %and3A_312 = arith.constant 65535 : i32
      %and3A_313 = vector.broadcast %and3A_312 : i32 to vector<16xi32>
      %and3A_314 = arith.andi %get3A_311, %and3A_313 : vector<16xi32>
      %shift_right_arithmetic3A_315 = arith.constant 16 : i32
      %shift_right_arithmetic3A_316 = vector.broadcast %shift_right_arithmetic3A_315 : i32 to vector<16xi32>
      %shift_right_arithmetic3A_317 = arith.shrsi %get3A_311, %shift_right_arithmetic3A_316 : vector<16xi32>
      tpu.vector_store_idx %arg4[%and3A_314], %broadcast_in_dim3A_31 {add = true} : memref<16384xf32, #tpu.memory_space<vmem>>[vector<16xi32>], vector<16xf32>,
      tpu.vector_store_idx %arg4[%shift_right_arithmetic3A_317], %broadcast_in_dim3A_31 {add = true} : memref<16384xf32, #tpu.memory_space<vmem>>[vector<16xi32>], vector<16xf32>,
      %get3A_318 = arith.index_cast %scan3A_211 : i32 to index
      %get3A_319 = arith.constant 192 : index
      %get3A_320 = tpu.vector_load %arg7[%get3A_318, %get3A_319] {strides = array<i32>} : memref<32x256xi32, #tpu.memory_space<vmem>>, vector<16xi32>,
      %and3A_321 = arith.constant 65535 : i32
      %and3A_322 = vector.broadcast %and3A_321 : i32 to vector<16xi32>
      %and3A_323 = arith.andi %get3A_320, %and3A_322 : vector<16xi32>
      %shift_right_arithmetic3A_324 = arith.constant 16 : i32
      %shift_right_arithmetic3A_325 = vector.broadcast %shift_right_arithmetic3A_324 : i32 to vector<16xi32>
      %shift_right_arithmetic3A_326 = arith.shrsi %get3A_320, %shift_right_arithmetic3A_325 : vector<16xi32>
      tpu.vector_store_idx %arg4[%and3A_323], %broadcast_in_dim3A_31 {add = true} : memref<16384xf32, #tpu.memory_space<vmem>>[vector<16xi32>], vector<16xf32>,
      tpu.vector_store_idx %arg4[%shift_right_arithmetic3A_326], %broadcast_in_dim3A_31 {add = true} : memref<16384xf32, #tpu.memory_space<vmem>>[vector<16xi32>], vector<16xf32>,
      %get3A_327 = arith.index_cast %scan3A_211 : i32 to index
      %get3A_328 = arith.constant 208 : index
      %get3A_329 = tpu.vector_load %arg7[%get3A_327, %get3A_328] {strides = array<i32>} : memref<32x256xi32, #tpu.memory_space<vmem>>, vector<16xi32>,
      %and3A_330 = arith.constant 65535 : i32
      %and3A_331 = vector.broadcast %and3A_330 : i32 to vector<16xi32>
      %and3A_332 = arith.andi %get3A_329, %and3A_331 : vector<16xi32>
      %shift_right_arithmetic3A_333 = arith.constant 16 : i32
      %shift_right_arithmetic3A_334 = vector.broadcast %shift_right_arithmetic3A_333 : i32 to vector<16xi32>
      %shift_right_arithmetic3A_335 = arith.shrsi %get3A_329, %shift_right_arithmetic3A_334 : vector<16xi32>
      tpu.vector_store_idx %arg4[%and3A_332], %broadcast_in_dim3A_31 {add = true} : memref<16384xf32, #tpu.memory_space<vmem>>[vector<16xi32>], vector<16xf32>,
      tpu.vector_store_idx %arg4[%shift_right_arithmetic3A_335], %broadcast_in_dim3A_31 {add = true} : memref<16384xf32, #tpu.memory_space<vmem>>[vector<16xi32>], vector<16xf32>,
      %get3A_336 = arith.index_cast %scan3A_211 : i32 to index
      %get3A_337 = arith.constant 224 : index
      %get3A_338 = tpu.vector_load %arg7[%get3A_336, %get3A_337] {strides = array<i32>} : memref<32x256xi32, #tpu.memory_space<vmem>>, vector<16xi32>,
      %and3A_339 = arith.constant 65535 : i32
      %and3A_340 = vector.broadcast %and3A_339 : i32 to vector<16xi32>
      %and3A_341 = arith.andi %get3A_338, %and3A_340 : vector<16xi32>
      %shift_right_arithmetic3A_342 = arith.constant 16 : i32
      %shift_right_arithmetic3A_343 = vector.broadcast %shift_right_arithmetic3A_342 : i32 to vector<16xi32>
      %shift_right_arithmetic3A_344 = arith.shrsi %get3A_338, %shift_right_arithmetic3A_343 : vector<16xi32>
      tpu.vector_store_idx %arg4[%and3A_341], %broadcast_in_dim3A_31 {add = true} : memref<16384xf32, #tpu.memory_space<vmem>>[vector<16xi32>], vector<16xf32>,
      tpu.vector_store_idx %arg4[%shift_right_arithmetic3A_344], %broadcast_in_dim3A_31 {add = true} : memref<16384xf32, #tpu.memory_space<vmem>>[vector<16xi32>], vector<16xf32>,
      %get3A_345 = arith.index_cast %scan3A_211 : i32 to index
      %get3A_346 = arith.constant 240 : index
      %get3A_347 = tpu.vector_load %arg7[%get3A_345, %get3A_346] {strides = array<i32>} : memref<32x256xi32, #tpu.memory_space<vmem>>, vector<16xi32>,
      %and3A_348 = arith.constant 65535 : i32
      %and3A_349 = vector.broadcast %and3A_348 : i32 to vector<16xi32>
      %and3A_350 = arith.andi %get3A_347, %and3A_349 : vector<16xi32>
      %shift_right_arithmetic3A_351 = arith.constant 16 : i32
      %shift_right_arithmetic3A_352 = vector.broadcast %shift_right_arithmetic3A_351 : i32 to vector<16xi32>
      %shift_right_arithmetic3A_353 = arith.shrsi %get3A_347, %shift_right_arithmetic3A_352 : vector<16xi32>
      tpu.vector_store_idx %arg4[%and3A_350], %broadcast_in_dim3A_31 {add = true} : memref<16384xf32, #tpu.memory_space<vmem>>[vector<16xi32>], vector<16xf32>,
      tpu.vector_store_idx %arg4[%shift_right_arithmetic3A_353], %broadcast_in_dim3A_31 {add = true} : memref<16384xf32, #tpu.memory_space<vmem>>[vector<16xi32>], vector<16xf32>,
    }
    %scan3A_130 = arith.constant 32 : i32
    %dma_wait3A_131 = arith.constant 0 : i32
    %dma_wait3A_132 = tpu.memref_slice %arg2[%select_n3A, %add3A_74, %dma_wait3A_131] : memref<16x512x256xi32, #tpu.memory_space<hbm>> -> memref<1x32x256xi32, #tpu.memory_space<hbm>>
    %dma_wait3A_133 = tpu.memref_squeeze %dma_wait3A_132 : memref<1x32x256xi32, #tpu.memory_space<hbm>> -> memref<32x256xi32, #tpu.memory_space<hbm>>
    %dma_wait3A_134 = arith.constant 0 : i32
    %dma_wait3A_135 = tpu.memref_slice %arg2[%select_n3A, %add3A_74, %dma_wait3A_134] : memref<16x512x256xi32, #tpu.memory_space<hbm>> -> memref<1x32x256xi32, #tpu.memory_space<hbm>>
    %dma_wait3A_136 = tpu.memref_squeeze %dma_wait3A_135 : memref<1x32x256xi32, #tpu.memory_space<hbm>> -> memref<32x256xi32, #tpu.memory_space<hbm>>
    tpu.wait_dma2 semaphore(%arg12 : memref<!tpu.dma_semaphore, #tpu.memory_space<semaphore_mem>>) src(%dma_wait3A_136 : memref<32x256xi32, #tpu.memory_space<hbm>>) dst(%arg8 : memref<32x256xi32, #tpu.memory_space<vmem>>)
    %mul3A_137 = arith.constant 256 : i32
    %mul3A_138 = arith.muli %select_n3A_30, %mul3A_137 : i32
    %add3A_139 = arith.constant 192 : i32
    %add3A_140 = arith.addi %mul3A_138, %add3A_139 : i32
    %dma_start3A_141 = arith.constant 0 : i32
    %dma_start3A_142 = tpu.memref_slice %arg2[%select_n3A, %add3A_140, %dma_start3A_141] : memref<16x512x256xi32, #tpu.memory_space<hbm>> -> memref<1x32x256xi32, #tpu.memory_space<hbm>>
    %dma_start3A_143 = tpu.memref_squeeze %dma_start3A_142 : memref<1x32x256xi32, #tpu.memory_space<hbm>> -> memref<32x256xi32, #tpu.memory_space<hbm>>
    %dma_start3A_144 = arith.constant 0 : i32
    %dma_start3A_145 = tpu.memref_slice %arg2[%select_n3A, %add3A_140, %dma_start3A_144] : memref<16x512x256xi32, #tpu.memory_space<hbm>> -> memref<1x32x256xi32, #tpu.memory_space<hbm>>
    %dma_start3A_146 = tpu.memref_squeeze %dma_start3A_145 : memref<1x32x256xi32, #tpu.memory_space<hbm>> -> memref<32x256xi32, #tpu.memory_space<hbm>>
    tpu.enqueue_dma source(%dma_start3A_146 : memref<32x256xi32, #tpu.memory_space<hbm>>) target(%arg7 : memref<32x256xi32, #tpu.memory_space<vmem>>) target_semaphore(%arg11 : memref<!tpu.dma_semaphore, #tpu.memory_space<semaphore_mem>>)
    %scan3A_147 = arith.constant 0 : i32
    %scan3A_148 = arith.constant 0 : i32
    %scan3A_149 = arith.constant 32 : i32
    %scan3A_150 = arith.addi %scan3A_148, %scan3A_149 : i32
    %scan3A_151 = arith.constant 1 : i32
    scf.for %scan3A_211 = %scan3A_148 to %scan3A_150 step %scan3A_151  : i32 {
      %get3A = arith.index_cast %scan3A_211 : i32 to index
      %get3A_212 = arith.constant 0 : index
      %get3A_213 = tpu.vector_load %arg8[%get3A, %get3A_212] {strides = array<i32>} : memref<32x256xi32, #tpu.memory_space<vmem>>, vector<16xi32>,
      %and3A_214 = arith.constant 65535 : i32
      %and3A_215 = vector.broadcast %and3A_214 : i32 to vector<16xi32>
      %and3A_216 = arith.andi %get3A_213, %and3A_215 : vector<16xi32>
      %shift_right_arithmetic3A = arith.constant 16 : i32
      %shift_right_arithmetic3A_217 = vector.broadcast %shift_right_arithmetic3A : i32 to vector<16xi32>
      %shift_right_arithmetic3A_218 = arith.shrsi %get3A_213, %shift_right_arithmetic3A_217 : vector<16xi32>
      tpu.vector_store_idx %arg4[%and3A_216], %broadcast_in_dim3A_31 {add = true} : memref<16384xf32, #tpu.memory_space<vmem>>[vector<16xi32>], vector<16xf32>,
      tpu.vector_store_idx %arg4[%shift_right_arithmetic3A_218], %broadcast_in_dim3A_31 {add = true} : memref<16384xf32, #tpu.memory_space<vmem>>[vector<16xi32>], vector<16xf32>,
      %get3A_219 = arith.index_cast %scan3A_211 : i32 to index
      %get3A_220 = arith.constant 16 : index
      %get3A_221 = tpu.vector_load %arg8[%get3A_219, %get3A_220] {strides = array<i32>} : memref<32x256xi32, #tpu.memory_space<vmem>>, vector<16xi32>,
      %and3A_222 = arith.constant 65535 : i32
      %and3A_223 = vector.broadcast %and3A_222 : i32 to vector<16xi32>
      %and3A_224 = arith.andi %get3A_221, %and3A_223 : vector<16xi32>
      %shift_right_arithmetic3A_225 = arith.constant 16 : i32
      %shift_right_arithmetic3A_226 = vector.broadcast %shift_right_arithmetic3A_225 : i32 to vector<16xi32>
      %shift_right_arithmetic3A_227 = arith.shrsi %get3A_221, %shift_right_arithmetic3A_226 : vector<16xi32>
      tpu.vector_store_idx %arg4[%and3A_224], %broadcast_in_dim3A_31 {add = true} : memref<16384xf32, #tpu.memory_space<vmem>>[vector<16xi32>], vector<16xf32>,
      tpu.vector_store_idx %arg4[%shift_right_arithmetic3A_227], %broadcast_in_dim3A_31 {add = true} : memref<16384xf32, #tpu.memory_space<vmem>>[vector<16xi32>], vector<16xf32>,
      %get3A_228 = arith.index_cast %scan3A_211 : i32 to index
      %get3A_229 = arith.constant 32 : index
      %get3A_230 = tpu.vector_load %arg8[%get3A_228, %get3A_229] {strides = array<i32>} : memref<32x256xi32, #tpu.memory_space<vmem>>, vector<16xi32>,
      %and3A_231 = arith.constant 65535 : i32
      %and3A_232 = vector.broadcast %and3A_231 : i32 to vector<16xi32>
      %and3A_233 = arith.andi %get3A_230, %and3A_232 : vector<16xi32>
      %shift_right_arithmetic3A_234 = arith.constant 16 : i32
      %shift_right_arithmetic3A_235 = vector.broadcast %shift_right_arithmetic3A_234 : i32 to vector<16xi32>
      %shift_right_arithmetic3A_236 = arith.shrsi %get3A_230, %shift_right_arithmetic3A_235 : vector<16xi32>
      tpu.vector_store_idx %arg4[%and3A_233], %broadcast_in_dim3A_31 {add = true} : memref<16384xf32, #tpu.memory_space<vmem>>[vector<16xi32>], vector<16xf32>,
      tpu.vector_store_idx %arg4[%shift_right_arithmetic3A_236], %broadcast_in_dim3A_31 {add = true} : memref<16384xf32, #tpu.memory_space<vmem>>[vector<16xi32>], vector<16xf32>,
      %get3A_237 = arith.index_cast %scan3A_211 : i32 to index
      %get3A_238 = arith.constant 48 : index
      %get3A_239 = tpu.vector_load %arg8[%get3A_237, %get3A_238] {strides = array<i32>} : memref<32x256xi32, #tpu.memory_space<vmem>>, vector<16xi32>,
      %and3A_240 = arith.constant 65535 : i32
      %and3A_241 = vector.broadcast %and3A_240 : i32 to vector<16xi32>
      %and3A_242 = arith.andi %get3A_239, %and3A_241 : vector<16xi32>
      %shift_right_arithmetic3A_243 = arith.constant 16 : i32
      %shift_right_arithmetic3A_244 = vector.broadcast %shift_right_arithmetic3A_243 : i32 to vector<16xi32>
      %shift_right_arithmetic3A_245 = arith.shrsi %get3A_239, %shift_right_arithmetic3A_244 : vector<16xi32>
      tpu.vector_store_idx %arg4[%and3A_242], %broadcast_in_dim3A_31 {add = true} : memref<16384xf32, #tpu.memory_space<vmem>>[vector<16xi32>], vector<16xf32>,
      tpu.vector_store_idx %arg4[%shift_right_arithmetic3A_245], %broadcast_in_dim3A_31 {add = true} : memref<16384xf32, #tpu.memory_space<vmem>>[vector<16xi32>], vector<16xf32>,
      %get3A_246 = arith.index_cast %scan3A_211 : i32 to index
      %get3A_247 = arith.constant 64 : index
      %get3A_248 = tpu.vector_load %arg8[%get3A_246, %get3A_247] {strides = array<i32>} : memref<32x256xi32, #tpu.memory_space<vmem>>, vector<16xi32>,
      %and3A_249 = arith.constant 65535 : i32
      %and3A_250 = vector.broadcast %and3A_249 : i32 to vector<16xi32>
      %and3A_251 = arith.andi %get3A_248, %and3A_250 : vector<16xi32>
      %shift_right_arithmetic3A_252 = arith.constant 16 : i32
      %shift_right_arithmetic3A_253 = vector.broadcast %shift_right_arithmetic3A_252 : i32 to vector<16xi32>
      %shift_right_arithmetic3A_254 = arith.shrsi %get3A_248, %shift_right_arithmetic3A_253 : vector<16xi32>
      tpu.vector_store_idx %arg4[%and3A_251], %broadcast_in_dim3A_31 {add = true} : memref<16384xf32, #tpu.memory_space<vmem>>[vector<16xi32>], vector<16xf32>,
      tpu.vector_store_idx %arg4[%shift_right_arithmetic3A_254], %broadcast_in_dim3A_31 {add = true} : memref<16384xf32, #tpu.memory_space<vmem>>[vector<16xi32>], vector<16xf32>,
      %get3A_255 = arith.index_cast %scan3A_211 : i32 to index
      %get3A_256 = arith.constant 80 : index
      %get3A_257 = tpu.vector_load %arg8[%get3A_255, %get3A_256] {strides = array<i32>} : memref<32x256xi32, #tpu.memory_space<vmem>>, vector<16xi32>,
      %and3A_258 = arith.constant 65535 : i32
      %and3A_259 = vector.broadcast %and3A_258 : i32 to vector<16xi32>
      %and3A_260 = arith.andi %get3A_257, %and3A_259 : vector<16xi32>
      %shift_right_arithmetic3A_261 = arith.constant 16 : i32
      %shift_right_arithmetic3A_262 = vector.broadcast %shift_right_arithmetic3A_261 : i32 to vector<16xi32>
      %shift_right_arithmetic3A_263 = arith.shrsi %get3A_257, %shift_right_arithmetic3A_262 : vector<16xi32>
      tpu.vector_store_idx %arg4[%and3A_260], %broadcast_in_dim3A_31 {add = true} : memref<16384xf32, #tpu.memory_space<vmem>>[vector<16xi32>], vector<16xf32>,
      tpu.vector_store_idx %arg4[%shift_right_arithmetic3A_263], %broadcast_in_dim3A_31 {add = true} : memref<16384xf32, #tpu.memory_space<vmem>>[vector<16xi32>], vector<16xf32>,
      %get3A_264 = arith.index_cast %scan3A_211 : i32 to index
      %get3A_265 = arith.constant 96 : index
      %get3A_266 = tpu.vector_load %arg8[%get3A_264, %get3A_265] {strides = array<i32>} : memref<32x256xi32, #tpu.memory_space<vmem>>, vector<16xi32>,
      %and3A_267 = arith.constant 65535 : i32
      %and3A_268 = vector.broadcast %and3A_267 : i32 to vector<16xi32>
      %and3A_269 = arith.andi %get3A_266, %and3A_268 : vector<16xi32>
      %shift_right_arithmetic3A_270 = arith.constant 16 : i32
      %shift_right_arithmetic3A_271 = vector.broadcast %shift_right_arithmetic3A_270 : i32 to vector<16xi32>
      %shift_right_arithmetic3A_272 = arith.shrsi %get3A_266, %shift_right_arithmetic3A_271 : vector<16xi32>
      tpu.vector_store_idx %arg4[%and3A_269], %broadcast_in_dim3A_31 {add = true} : memref<16384xf32, #tpu.memory_space<vmem>>[vector<16xi32>], vector<16xf32>,
      tpu.vector_store_idx %arg4[%shift_right_arithmetic3A_272], %broadcast_in_dim3A_31 {add = true} : memref<16384xf32, #tpu.memory_space<vmem>>[vector<16xi32>], vector<16xf32>,
      %get3A_273 = arith.index_cast %scan3A_211 : i32 to index
      %get3A_274 = arith.constant 112 : index
      %get3A_275 = tpu.vector_load %arg8[%get3A_273, %get3A_274] {strides = array<i32>} : memref<32x256xi32, #tpu.memory_space<vmem>>, vector<16xi32>,
      %and3A_276 = arith.constant 65535 : i32
      %and3A_277 = vector.broadcast %and3A_276 : i32 to vector<16xi32>
      %and3A_278 = arith.andi %get3A_275, %and3A_277 : vector<16xi32>
      %shift_right_arithmetic3A_279 = arith.constant 16 : i32
      %shift_right_arithmetic3A_280 = vector.broadcast %shift_right_arithmetic3A_279 : i32 to vector<16xi32>
      %shift_right_arithmetic3A_281 = arith.shrsi %get3A_275, %shift_right_arithmetic3A_280 : vector<16xi32>
      tpu.vector_store_idx %arg4[%and3A_278], %broadcast_in_dim3A_31 {add = true} : memref<16384xf32, #tpu.memory_space<vmem>>[vector<16xi32>], vector<16xf32>,
      tpu.vector_store_idx %arg4[%shift_right_arithmetic3A_281], %broadcast_in_dim3A_31 {add = true} : memref<16384xf32, #tpu.memory_space<vmem>>[vector<16xi32>], vector<16xf32>,
      %get3A_282 = arith.index_cast %scan3A_211 : i32 to index
      %get3A_283 = arith.constant 128 : index
      %get3A_284 = tpu.vector_load %arg8[%get3A_282, %get3A_283] {strides = array<i32>} : memref<32x256xi32, #tpu.memory_space<vmem>>, vector<16xi32>,
      %and3A_285 = arith.constant 65535 : i32
      %and3A_286 = vector.broadcast %and3A_285 : i32 to vector<16xi32>
      %and3A_287 = arith.andi %get3A_284, %and3A_286 : vector<16xi32>
      %shift_right_arithmetic3A_288 = arith.constant 16 : i32
      %shift_right_arithmetic3A_289 = vector.broadcast %shift_right_arithmetic3A_288 : i32 to vector<16xi32>
      %shift_right_arithmetic3A_290 = arith.shrsi %get3A_284, %shift_right_arithmetic3A_289 : vector<16xi32>
      tpu.vector_store_idx %arg4[%and3A_287], %broadcast_in_dim3A_31 {add = true} : memref<16384xf32, #tpu.memory_space<vmem>>[vector<16xi32>], vector<16xf32>,
      tpu.vector_store_idx %arg4[%shift_right_arithmetic3A_290], %broadcast_in_dim3A_31 {add = true} : memref<16384xf32, #tpu.memory_space<vmem>>[vector<16xi32>], vector<16xf32>,
      %get3A_291 = arith.index_cast %scan3A_211 : i32 to index
      %get3A_292 = arith.constant 144 : index
      %get3A_293 = tpu.vector_load %arg8[%get3A_291, %get3A_292] {strides = array<i32>} : memref<32x256xi32, #tpu.memory_space<vmem>>, vector<16xi32>,
      %and3A_294 = arith.constant 65535 : i32
      %and3A_295 = vector.broadcast %and3A_294 : i32 to vector<16xi32>
      %and3A_296 = arith.andi %get3A_293, %and3A_295 : vector<16xi32>
      %shift_right_arithmetic3A_297 = arith.constant 16 : i32
      %shift_right_arithmetic3A_298 = vector.broadcast %shift_right_arithmetic3A_297 : i32 to vector<16xi32>
      %shift_right_arithmetic3A_299 = arith.shrsi %get3A_293, %shift_right_arithmetic3A_298 : vector<16xi32>
      tpu.vector_store_idx %arg4[%and3A_296], %broadcast_in_dim3A_31 {add = true} : memref<16384xf32, #tpu.memory_space<vmem>>[vector<16xi32>], vector<16xf32>,
      tpu.vector_store_idx %arg4[%shift_right_arithmetic3A_299], %broadcast_in_dim3A_31 {add = true} : memref<16384xf32, #tpu.memory_space<vmem>>[vector<16xi32>], vector<16xf32>,
      %get3A_300 = arith.index_cast %scan3A_211 : i32 to index
      %get3A_301 = arith.constant 160 : index
      %get3A_302 = tpu.vector_load %arg8[%get3A_300, %get3A_301] {strides = array<i32>} : memref<32x256xi32, #tpu.memory_space<vmem>>, vector<16xi32>,
      %and3A_303 = arith.constant 65535 : i32
      %and3A_304 = vector.broadcast %and3A_303 : i32 to vector<16xi32>
      %and3A_305 = arith.andi %get3A_302, %and3A_304 : vector<16xi32>
      %shift_right_arithmetic3A_306 = arith.constant 16 : i32
      %shift_right_arithmetic3A_307 = vector.broadcast %shift_right_arithmetic3A_306 : i32 to vector<16xi32>
      %shift_right_arithmetic3A_308 = arith.shrsi %get3A_302, %shift_right_arithmetic3A_307 : vector<16xi32>
      tpu.vector_store_idx %arg4[%and3A_305], %broadcast_in_dim3A_31 {add = true} : memref<16384xf32, #tpu.memory_space<vmem>>[vector<16xi32>], vector<16xf32>,
      tpu.vector_store_idx %arg4[%shift_right_arithmetic3A_308], %broadcast_in_dim3A_31 {add = true} : memref<16384xf32, #tpu.memory_space<vmem>>[vector<16xi32>], vector<16xf32>,
      %get3A_309 = arith.index_cast %scan3A_211 : i32 to index
      %get3A_310 = arith.constant 176 : index
      %get3A_311 = tpu.vector_load %arg8[%get3A_309, %get3A_310] {strides = array<i32>} : memref<32x256xi32, #tpu.memory_space<vmem>>, vector<16xi32>,
      %and3A_312 = arith.constant 65535 : i32
      %and3A_313 = vector.broadcast %and3A_312 : i32 to vector<16xi32>
      %and3A_314 = arith.andi %get3A_311, %and3A_313 : vector<16xi32>
      %shift_right_arithmetic3A_315 = arith.constant 16 : i32
      %shift_right_arithmetic3A_316 = vector.broadcast %shift_right_arithmetic3A_315 : i32 to vector<16xi32>
      %shift_right_arithmetic3A_317 = arith.shrsi %get3A_311, %shift_right_arithmetic3A_316 : vector<16xi32>
      tpu.vector_store_idx %arg4[%and3A_314], %broadcast_in_dim3A_31 {add = true} : memref<16384xf32, #tpu.memory_space<vmem>>[vector<16xi32>], vector<16xf32>,
      tpu.vector_store_idx %arg4[%shift_right_arithmetic3A_317], %broadcast_in_dim3A_31 {add = true} : memref<16384xf32, #tpu.memory_space<vmem>>[vector<16xi32>], vector<16xf32>,
      %get3A_318 = arith.index_cast %scan3A_211 : i32 to index
      %get3A_319 = arith.constant 192 : index
      %get3A_320 = tpu.vector_load %arg8[%get3A_318, %get3A_319] {strides = array<i32>} : memref<32x256xi32, #tpu.memory_space<vmem>>, vector<16xi32>,
      %and3A_321 = arith.constant 65535 : i32
      %and3A_322 = vector.broadcast %and3A_321 : i32 to vector<16xi32>
      %and3A_323 = arith.andi %get3A_320, %and3A_322 : vector<16xi32>
      %shift_right_arithmetic3A_324 = arith.constant 16 : i32
      %shift_right_arithmetic3A_325 = vector.broadcast %shift_right_arithmetic3A_324 : i32 to vector<16xi32>
      %shift_right_arithmetic3A_326 = arith.shrsi %get3A_320, %shift_right_arithmetic3A_325 : vector<16xi32>
      tpu.vector_store_idx %arg4[%and3A_323], %broadcast_in_dim3A_31 {add = true} : memref<16384xf32, #tpu.memory_space<vmem>>[vector<16xi32>], vector<16xf32>,
      tpu.vector_store_idx %arg4[%shift_right_arithmetic3A_326], %broadcast_in_dim3A_31 {add = true} : memref<16384xf32, #tpu.memory_space<vmem>>[vector<16xi32>], vector<16xf32>,
      %get3A_327 = arith.index_cast %scan3A_211 : i32 to index
      %get3A_328 = arith.constant 208 : index
      %get3A_329 = tpu.vector_load %arg8[%get3A_327, %get3A_328] {strides = array<i32>} : memref<32x256xi32, #tpu.memory_space<vmem>>, vector<16xi32>,
      %and3A_330 = arith.constant 65535 : i32
      %and3A_331 = vector.broadcast %and3A_330 : i32 to vector<16xi32>
      %and3A_332 = arith.andi %get3A_329, %and3A_331 : vector<16xi32>
      %shift_right_arithmetic3A_333 = arith.constant 16 : i32
      %shift_right_arithmetic3A_334 = vector.broadcast %shift_right_arithmetic3A_333 : i32 to vector<16xi32>
      %shift_right_arithmetic3A_335 = arith.shrsi %get3A_329, %shift_right_arithmetic3A_334 : vector<16xi32>
      tpu.vector_store_idx %arg4[%and3A_332], %broadcast_in_dim3A_31 {add = true} : memref<16384xf32, #tpu.memory_space<vmem>>[vector<16xi32>], vector<16xf32>,
      tpu.vector_store_idx %arg4[%shift_right_arithmetic3A_335], %broadcast_in_dim3A_31 {add = true} : memref<16384xf32, #tpu.memory_space<vmem>>[vector<16xi32>], vector<16xf32>,
      %get3A_336 = arith.index_cast %scan3A_211 : i32 to index
      %get3A_337 = arith.constant 224 : index
      %get3A_338 = tpu.vector_load %arg8[%get3A_336, %get3A_337] {strides = array<i32>} : memref<32x256xi32, #tpu.memory_space<vmem>>, vector<16xi32>,
      %and3A_339 = arith.constant 65535 : i32
      %and3A_340 = vector.broadcast %and3A_339 : i32 to vector<16xi32>
      %and3A_341 = arith.andi %get3A_338, %and3A_340 : vector<16xi32>
      %shift_right_arithmetic3A_342 = arith.constant 16 : i32
      %shift_right_arithmetic3A_343 = vector.broadcast %shift_right_arithmetic3A_342 : i32 to vector<16xi32>
      %shift_right_arithmetic3A_344 = arith.shrsi %get3A_338, %shift_right_arithmetic3A_343 : vector<16xi32>
      tpu.vector_store_idx %arg4[%and3A_341], %broadcast_in_dim3A_31 {add = true} : memref<16384xf32, #tpu.memory_space<vmem>>[vector<16xi32>], vector<16xf32>,
      tpu.vector_store_idx %arg4[%shift_right_arithmetic3A_344], %broadcast_in_dim3A_31 {add = true} : memref<16384xf32, #tpu.memory_space<vmem>>[vector<16xi32>], vector<16xf32>,
      %get3A_345 = arith.index_cast %scan3A_211 : i32 to index
      %get3A_346 = arith.constant 240 : index
      %get3A_347 = tpu.vector_load %arg8[%get3A_345, %get3A_346] {strides = array<i32>} : memref<32x256xi32, #tpu.memory_space<vmem>>, vector<16xi32>,
      %and3A_348 = arith.constant 65535 : i32
      %and3A_349 = vector.broadcast %and3A_348 : i32 to vector<16xi32>
      %and3A_350 = arith.andi %get3A_347, %and3A_349 : vector<16xi32>
      %shift_right_arithmetic3A_351 = arith.constant 16 : i32
      %shift_right_arithmetic3A_352 = vector.broadcast %shift_right_arithmetic3A_351 : i32 to vector<16xi32>
      %shift_right_arithmetic3A_353 = arith.shrsi %get3A_347, %shift_right_arithmetic3A_352 : vector<16xi32>
      tpu.vector_store_idx %arg4[%and3A_350], %broadcast_in_dim3A_31 {add = true} : memref<16384xf32, #tpu.memory_space<vmem>>[vector<16xi32>], vector<16xf32>,
      tpu.vector_store_idx %arg4[%shift_right_arithmetic3A_353], %broadcast_in_dim3A_31 {add = true} : memref<16384xf32, #tpu.memory_space<vmem>>[vector<16xi32>], vector<16xf32>,
    }
    %scan3A_152 = arith.constant 32 : i32
    %dma_wait3A_153 = arith.constant 0 : i32
    %dma_wait3A_154 = tpu.memref_slice %arg2[%select_n3A, %add3A_96, %dma_wait3A_153] : memref<16x512x256xi32, #tpu.memory_space<hbm>> -> memref<1x32x256xi32, #tpu.memory_space<hbm>>
    %dma_wait3A_155 = tpu.memref_squeeze %dma_wait3A_154 : memref<1x32x256xi32, #tpu.memory_space<hbm>> -> memref<32x256xi32, #tpu.memory_space<hbm>>
    %dma_wait3A_156 = arith.constant 0 : i32
    %dma_wait3A_157 = tpu.memref_slice %arg2[%select_n3A, %add3A_96, %dma_wait3A_156] : memref<16x512x256xi32, #tpu.memory_space<hbm>> -> memref<1x32x256xi32, #tpu.memory_space<hbm>>
    %dma_wait3A_158 = tpu.memref_squeeze %dma_wait3A_157 : memref<1x32x256xi32, #tpu.memory_space<hbm>> -> memref<32x256xi32, #tpu.memory_space<hbm>>
    tpu.wait_dma2 semaphore(%arg9 : memref<!tpu.dma_semaphore, #tpu.memory_space<semaphore_mem>>) src(%dma_wait3A_158 : memref<32x256xi32, #tpu.memory_space<hbm>>) dst(%arg5 : memref<32x256xi32, #tpu.memory_space<vmem>>)
    %mul3A_159 = arith.constant 256 : i32
    %mul3A_160 = arith.muli %select_n3A_30, %mul3A_159 : i32
    %add3A_161 = arith.constant 224 : i32
    %add3A_162 = arith.addi %mul3A_160, %add3A_161 : i32
    %dma_start3A_163 = arith.constant 0 : i32
    %dma_start3A_164 = tpu.memref_slice %arg2[%select_n3A, %add3A_162, %dma_start3A_163] : memref<16x512x256xi32, #tpu.memory_space<hbm>> -> memref<1x32x256xi32, #tpu.memory_space<hbm>>
    %dma_start3A_165 = tpu.memref_squeeze %dma_start3A_164 : memref<1x32x256xi32, #tpu.memory_space<hbm>> -> memref<32x256xi32, #tpu.memory_space<hbm>>
    %dma_start3A_166 = arith.constant 0 : i32
    %dma_start3A_167 = tpu.memref_slice %arg2[%select_n3A, %add3A_162, %dma_start3A_166] : memref<16x512x256xi32, #tpu.memory_space<hbm>> -> memref<1x32x256xi32, #tpu.memory_space<hbm>>
    %dma_start3A_168 = tpu.memref_squeeze %dma_start3A_167 : memref<1x32x256xi32, #tpu.memory_space<hbm>> -> memref<32x256xi32, #tpu.memory_space<hbm>>
    tpu.enqueue_dma source(%dma_start3A_168 : memref<32x256xi32, #tpu.memory_space<hbm>>) target(%arg8 : memref<32x256xi32, #tpu.memory_space<vmem>>) target_semaphore(%arg12 : memref<!tpu.dma_semaphore, #tpu.memory_space<semaphore_mem>>)
    %scan3A_169 = arith.constant 0 : i32
    %scan3A_170 = arith.constant 0 : i32
    %scan3A_171 = arith.constant 32 : i32
    %scan3A_172 = arith.addi %scan3A_170, %scan3A_171 : i32
    %scan3A_173 = arith.constant 1 : i32
    scf.for %scan3A_211 = %scan3A_170 to %scan3A_172 step %scan3A_173  : i32 {
      %get3A = arith.index_cast %scan3A_211 : i32 to index
      %get3A_212 = arith.constant 0 : index
      %get3A_213 = tpu.vector_load %arg5[%get3A, %get3A_212] {strides = array<i32>} : memref<32x256xi32, #tpu.memory_space<vmem>>, vector<16xi32>,
      %and3A_214 = arith.constant 65535 : i32
      %and3A_215 = vector.broadcast %and3A_214 : i32 to vector<16xi32>
      %and3A_216 = arith.andi %get3A_213, %and3A_215 : vector<16xi32>
      %shift_right_arithmetic3A = arith.constant 16 : i32
      %shift_right_arithmetic3A_217 = vector.broadcast %shift_right_arithmetic3A : i32 to vector<16xi32>
      %shift_right_arithmetic3A_218 = arith.shrsi %get3A_213, %shift_right_arithmetic3A_217 : vector<16xi32>
      tpu.vector_store_idx %arg4[%and3A_216], %broadcast_in_dim3A_31 {add = true} : memref<16384xf32, #tpu.memory_space<vmem>>[vector<16xi32>], vector<16xf32>,
      tpu.vector_store_idx %arg4[%shift_right_arithmetic3A_218], %broadcast_in_dim3A_31 {add = true} : memref<16384xf32, #tpu.memory_space<vmem>>[vector<16xi32>], vector<16xf32>,
      %get3A_219 = arith.index_cast %scan3A_211 : i32 to index
      %get3A_220 = arith.constant 16 : index
      %get3A_221 = tpu.vector_load %arg5[%get3A_219, %get3A_220] {strides = array<i32>} : memref<32x256xi32, #tpu.memory_space<vmem>>, vector<16xi32>,
      %and3A_222 = arith.constant 65535 : i32
      %and3A_223 = vector.broadcast %and3A_222 : i32 to vector<16xi32>
      %and3A_224 = arith.andi %get3A_221, %and3A_223 : vector<16xi32>
      %shift_right_arithmetic3A_225 = arith.constant 16 : i32
      %shift_right_arithmetic3A_226 = vector.broadcast %shift_right_arithmetic3A_225 : i32 to vector<16xi32>
      %shift_right_arithmetic3A_227 = arith.shrsi %get3A_221, %shift_right_arithmetic3A_226 : vector<16xi32>
      tpu.vector_store_idx %arg4[%and3A_224], %broadcast_in_dim3A_31 {add = true} : memref<16384xf32, #tpu.memory_space<vmem>>[vector<16xi32>], vector<16xf32>,
      tpu.vector_store_idx %arg4[%shift_right_arithmetic3A_227], %broadcast_in_dim3A_31 {add = true} : memref<16384xf32, #tpu.memory_space<vmem>>[vector<16xi32>], vector<16xf32>,
      %get3A_228 = arith.index_cast %scan3A_211 : i32 to index
      %get3A_229 = arith.constant 32 : index
      %get3A_230 = tpu.vector_load %arg5[%get3A_228, %get3A_229] {strides = array<i32>} : memref<32x256xi32, #tpu.memory_space<vmem>>, vector<16xi32>,
      %and3A_231 = arith.constant 65535 : i32
      %and3A_232 = vector.broadcast %and3A_231 : i32 to vector<16xi32>
      %and3A_233 = arith.andi %get3A_230, %and3A_232 : vector<16xi32>
      %shift_right_arithmetic3A_234 = arith.constant 16 : i32
      %shift_right_arithmetic3A_235 = vector.broadcast %shift_right_arithmetic3A_234 : i32 to vector<16xi32>
      %shift_right_arithmetic3A_236 = arith.shrsi %get3A_230, %shift_right_arithmetic3A_235 : vector<16xi32>
      tpu.vector_store_idx %arg4[%and3A_233], %broadcast_in_dim3A_31 {add = true} : memref<16384xf32, #tpu.memory_space<vmem>>[vector<16xi32>], vector<16xf32>,
      tpu.vector_store_idx %arg4[%shift_right_arithmetic3A_236], %broadcast_in_dim3A_31 {add = true} : memref<16384xf32, #tpu.memory_space<vmem>>[vector<16xi32>], vector<16xf32>,
      %get3A_237 = arith.index_cast %scan3A_211 : i32 to index
      %get3A_238 = arith.constant 48 : index
      %get3A_239 = tpu.vector_load %arg5[%get3A_237, %get3A_238] {strides = array<i32>} : memref<32x256xi32, #tpu.memory_space<vmem>>, vector<16xi32>,
      %and3A_240 = arith.constant 65535 : i32
      %and3A_241 = vector.broadcast %and3A_240 : i32 to vector<16xi32>
      %and3A_242 = arith.andi %get3A_239, %and3A_241 : vector<16xi32>
      %shift_right_arithmetic3A_243 = arith.constant 16 : i32
      %shift_right_arithmetic3A_244 = vector.broadcast %shift_right_arithmetic3A_243 : i32 to vector<16xi32>
      %shift_right_arithmetic3A_245 = arith.shrsi %get3A_239, %shift_right_arithmetic3A_244 : vector<16xi32>
      tpu.vector_store_idx %arg4[%and3A_242], %broadcast_in_dim3A_31 {add = true} : memref<16384xf32, #tpu.memory_space<vmem>>[vector<16xi32>], vector<16xf32>,
      tpu.vector_store_idx %arg4[%shift_right_arithmetic3A_245], %broadcast_in_dim3A_31 {add = true} : memref<16384xf32, #tpu.memory_space<vmem>>[vector<16xi32>], vector<16xf32>,
      %get3A_246 = arith.index_cast %scan3A_211 : i32 to index
      %get3A_247 = arith.constant 64 : index
      %get3A_248 = tpu.vector_load %arg5[%get3A_246, %get3A_247] {strides = array<i32>} : memref<32x256xi32, #tpu.memory_space<vmem>>, vector<16xi32>,
      %and3A_249 = arith.constant 65535 : i32
      %and3A_250 = vector.broadcast %and3A_249 : i32 to vector<16xi32>
      %and3A_251 = arith.andi %get3A_248, %and3A_250 : vector<16xi32>
      %shift_right_arithmetic3A_252 = arith.constant 16 : i32
      %shift_right_arithmetic3A_253 = vector.broadcast %shift_right_arithmetic3A_252 : i32 to vector<16xi32>
      %shift_right_arithmetic3A_254 = arith.shrsi %get3A_248, %shift_right_arithmetic3A_253 : vector<16xi32>
      tpu.vector_store_idx %arg4[%and3A_251], %broadcast_in_dim3A_31 {add = true} : memref<16384xf32, #tpu.memory_space<vmem>>[vector<16xi32>], vector<16xf32>,
      tpu.vector_store_idx %arg4[%shift_right_arithmetic3A_254], %broadcast_in_dim3A_31 {add = true} : memref<16384xf32, #tpu.memory_space<vmem>>[vector<16xi32>], vector<16xf32>,
      %get3A_255 = arith.index_cast %scan3A_211 : i32 to index
      %get3A_256 = arith.constant 80 : index
      %get3A_257 = tpu.vector_load %arg5[%get3A_255, %get3A_256] {strides = array<i32>} : memref<32x256xi32, #tpu.memory_space<vmem>>, vector<16xi32>,
      %and3A_258 = arith.constant 65535 : i32
      %and3A_259 = vector.broadcast %and3A_258 : i32 to vector<16xi32>
      %and3A_260 = arith.andi %get3A_257, %and3A_259 : vector<16xi32>
      %shift_right_arithmetic3A_261 = arith.constant 16 : i32
      %shift_right_arithmetic3A_262 = vector.broadcast %shift_right_arithmetic3A_261 : i32 to vector<16xi32>
      %shift_right_arithmetic3A_263 = arith.shrsi %get3A_257, %shift_right_arithmetic3A_262 : vector<16xi32>
      tpu.vector_store_idx %arg4[%and3A_260], %broadcast_in_dim3A_31 {add = true} : memref<16384xf32, #tpu.memory_space<vmem>>[vector<16xi32>], vector<16xf32>,
      tpu.vector_store_idx %arg4[%shift_right_arithmetic3A_263], %broadcast_in_dim3A_31 {add = true} : memref<16384xf32, #tpu.memory_space<vmem>>[vector<16xi32>], vector<16xf32>,
      %get3A_264 = arith.index_cast %scan3A_211 : i32 to index
      %get3A_265 = arith.constant 96 : index
      %get3A_266 = tpu.vector_load %arg5[%get3A_264, %get3A_265] {strides = array<i32>} : memref<32x256xi32, #tpu.memory_space<vmem>>, vector<16xi32>,
      %and3A_267 = arith.constant 65535 : i32
      %and3A_268 = vector.broadcast %and3A_267 : i32 to vector<16xi32>
      %and3A_269 = arith.andi %get3A_266, %and3A_268 : vector<16xi32>
      %shift_right_arithmetic3A_270 = arith.constant 16 : i32
      %shift_right_arithmetic3A_271 = vector.broadcast %shift_right_arithmetic3A_270 : i32 to vector<16xi32>
      %shift_right_arithmetic3A_272 = arith.shrsi %get3A_266, %shift_right_arithmetic3A_271 : vector<16xi32>
      tpu.vector_store_idx %arg4[%and3A_269], %broadcast_in_dim3A_31 {add = true} : memref<16384xf32, #tpu.memory_space<vmem>>[vector<16xi32>], vector<16xf32>,
      tpu.vector_store_idx %arg4[%shift_right_arithmetic3A_272], %broadcast_in_dim3A_31 {add = true} : memref<16384xf32, #tpu.memory_space<vmem>>[vector<16xi32>], vector<16xf32>,
      %get3A_273 = arith.index_cast %scan3A_211 : i32 to index
      %get3A_274 = arith.constant 112 : index
      %get3A_275 = tpu.vector_load %arg5[%get3A_273, %get3A_274] {strides = array<i32>} : memref<32x256xi32, #tpu.memory_space<vmem>>, vector<16xi32>,
      %and3A_276 = arith.constant 65535 : i32
      %and3A_277 = vector.broadcast %and3A_276 : i32 to vector<16xi32>
      %and3A_278 = arith.andi %get3A_275, %and3A_277 : vector<16xi32>
      %shift_right_arithmetic3A_279 = arith.constant 16 : i32
      %shift_right_arithmetic3A_280 = vector.broadcast %shift_right_arithmetic3A_279 : i32 to vector<16xi32>
      %shift_right_arithmetic3A_281 = arith.shrsi %get3A_275, %shift_right_arithmetic3A_280 : vector<16xi32>
      tpu.vector_store_idx %arg4[%and3A_278], %broadcast_in_dim3A_31 {add = true} : memref<16384xf32, #tpu.memory_space<vmem>>[vector<16xi32>], vector<16xf32>,
      tpu.vector_store_idx %arg4[%shift_right_arithmetic3A_281], %broadcast_in_dim3A_31 {add = true} : memref<16384xf32, #tpu.memory_space<vmem>>[vector<16xi32>], vector<16xf32>,
      %get3A_282 = arith.index_cast %scan3A_211 : i32 to index
      %get3A_283 = arith.constant 128 : index
      %get3A_284 = tpu.vector_load %arg5[%get3A_282, %get3A_283] {strides = array<i32>} : memref<32x256xi32, #tpu.memory_space<vmem>>, vector<16xi32>,
      %and3A_285 = arith.constant 65535 : i32
      %and3A_286 = vector.broadcast %and3A_285 : i32 to vector<16xi32>
      %and3A_287 = arith.andi %get3A_284, %and3A_286 : vector<16xi32>
      %shift_right_arithmetic3A_288 = arith.constant 16 : i32
      %shift_right_arithmetic3A_289 = vector.broadcast %shift_right_arithmetic3A_288 : i32 to vector<16xi32>
      %shift_right_arithmetic3A_290 = arith.shrsi %get3A_284, %shift_right_arithmetic3A_289 : vector<16xi32>
      tpu.vector_store_idx %arg4[%and3A_287], %broadcast_in_dim3A_31 {add = true} : memref<16384xf32, #tpu.memory_space<vmem>>[vector<16xi32>], vector<16xf32>,
      tpu.vector_store_idx %arg4[%shift_right_arithmetic3A_290], %broadcast_in_dim3A_31 {add = true} : memref<16384xf32, #tpu.memory_space<vmem>>[vector<16xi32>], vector<16xf32>,
      %get3A_291 = arith.index_cast %scan3A_211 : i32 to index
      %get3A_292 = arith.constant 144 : index
      %get3A_293 = tpu.vector_load %arg5[%get3A_291, %get3A_292] {strides = array<i32>} : memref<32x256xi32, #tpu.memory_space<vmem>>, vector<16xi32>,
      %and3A_294 = arith.constant 65535 : i32
      %and3A_295 = vector.broadcast %and3A_294 : i32 to vector<16xi32>
      %and3A_296 = arith.andi %get3A_293, %and3A_295 : vector<16xi32>
      %shift_right_arithmetic3A_297 = arith.constant 16 : i32
      %shift_right_arithmetic3A_298 = vector.broadcast %shift_right_arithmetic3A_297 : i32 to vector<16xi32>
      %shift_right_arithmetic3A_299 = arith.shrsi %get3A_293, %shift_right_arithmetic3A_298 : vector<16xi32>
      tpu.vector_store_idx %arg4[%and3A_296], %broadcast_in_dim3A_31 {add = true} : memref<16384xf32, #tpu.memory_space<vmem>>[vector<16xi32>], vector<16xf32>,
      tpu.vector_store_idx %arg4[%shift_right_arithmetic3A_299], %broadcast_in_dim3A_31 {add = true} : memref<16384xf32, #tpu.memory_space<vmem>>[vector<16xi32>], vector<16xf32>,
      %get3A_300 = arith.index_cast %scan3A_211 : i32 to index
      %get3A_301 = arith.constant 160 : index
      %get3A_302 = tpu.vector_load %arg5[%get3A_300, %get3A_301] {strides = array<i32>} : memref<32x256xi32, #tpu.memory_space<vmem>>, vector<16xi32>,
      %and3A_303 = arith.constant 65535 : i32
      %and3A_304 = vector.broadcast %and3A_303 : i32 to vector<16xi32>
      %and3A_305 = arith.andi %get3A_302, %and3A_304 : vector<16xi32>
      %shift_right_arithmetic3A_306 = arith.constant 16 : i32
      %shift_right_arithmetic3A_307 = vector.broadcast %shift_right_arithmetic3A_306 : i32 to vector<16xi32>
      %shift_right_arithmetic3A_308 = arith.shrsi %get3A_302, %shift_right_arithmetic3A_307 : vector<16xi32>
      tpu.vector_store_idx %arg4[%and3A_305], %broadcast_in_dim3A_31 {add = true} : memref<16384xf32, #tpu.memory_space<vmem>>[vector<16xi32>], vector<16xf32>,
      tpu.vector_store_idx %arg4[%shift_right_arithmetic3A_308], %broadcast_in_dim3A_31 {add = true} : memref<16384xf32, #tpu.memory_space<vmem>>[vector<16xi32>], vector<16xf32>,
      %get3A_309 = arith.index_cast %scan3A_211 : i32 to index
      %get3A_310 = arith.constant 176 : index
      %get3A_311 = tpu.vector_load %arg5[%get3A_309, %get3A_310] {strides = array<i32>} : memref<32x256xi32, #tpu.memory_space<vmem>>, vector<16xi32>,
      %and3A_312 = arith.constant 65535 : i32
      %and3A_313 = vector.broadcast %and3A_312 : i32 to vector<16xi32>
      %and3A_314 = arith.andi %get3A_311, %and3A_313 : vector<16xi32>
      %shift_right_arithmetic3A_315 = arith.constant 16 : i32
      %shift_right_arithmetic3A_316 = vector.broadcast %shift_right_arithmetic3A_315 : i32 to vector<16xi32>
      %shift_right_arithmetic3A_317 = arith.shrsi %get3A_311, %shift_right_arithmetic3A_316 : vector<16xi32>
      tpu.vector_store_idx %arg4[%and3A_314], %broadcast_in_dim3A_31 {add = true} : memref<16384xf32, #tpu.memory_space<vmem>>[vector<16xi32>], vector<16xf32>,
      tpu.vector_store_idx %arg4[%shift_right_arithmetic3A_317], %broadcast_in_dim3A_31 {add = true} : memref<16384xf32, #tpu.memory_space<vmem>>[vector<16xi32>], vector<16xf32>,
      %get3A_318 = arith.index_cast %scan3A_211 : i32 to index
      %get3A_319 = arith.constant 192 : index
      %get3A_320 = tpu.vector_load %arg5[%get3A_318, %get3A_319] {strides = array<i32>} : memref<32x256xi32, #tpu.memory_space<vmem>>, vector<16xi32>,
      %and3A_321 = arith.constant 65535 : i32
      %and3A_322 = vector.broadcast %and3A_321 : i32 to vector<16xi32>
      %and3A_323 = arith.andi %get3A_320, %and3A_322 : vector<16xi32>
      %shift_right_arithmetic3A_324 = arith.constant 16 : i32
      %shift_right_arithmetic3A_325 = vector.broadcast %shift_right_arithmetic3A_324 : i32 to vector<16xi32>
      %shift_right_arithmetic3A_326 = arith.shrsi %get3A_320, %shift_right_arithmetic3A_325 : vector<16xi32>
      tpu.vector_store_idx %arg4[%and3A_323], %broadcast_in_dim3A_31 {add = true} : memref<16384xf32, #tpu.memory_space<vmem>>[vector<16xi32>], vector<16xf32>,
      tpu.vector_store_idx %arg4[%shift_right_arithmetic3A_326], %broadcast_in_dim3A_31 {add = true} : memref<16384xf32, #tpu.memory_space<vmem>>[vector<16xi32>], vector<16xf32>,
      %get3A_327 = arith.index_cast %scan3A_211 : i32 to index
      %get3A_328 = arith.constant 208 : index
      %get3A_329 = tpu.vector_load %arg5[%get3A_327, %get3A_328] {strides = array<i32>} : memref<32x256xi32, #tpu.memory_space<vmem>>, vector<16xi32>,
      %and3A_330 = arith.constant 65535 : i32
      %and3A_331 = vector.broadcast %and3A_330 : i32 to vector<16xi32>
      %and3A_332 = arith.andi %get3A_329, %and3A_331 : vector<16xi32>
      %shift_right_arithmetic3A_333 = arith.constant 16 : i32
      %shift_right_arithmetic3A_334 = vector.broadcast %shift_right_arithmetic3A_333 : i32 to vector<16xi32>
      %shift_right_arithmetic3A_335 = arith.shrsi %get3A_329, %shift_right_arithmetic3A_334 : vector<16xi32>
      tpu.vector_store_idx %arg4[%and3A_332], %broadcast_in_dim3A_31 {add = true} : memref<16384xf32, #tpu.memory_space<vmem>>[vector<16xi32>], vector<16xf32>,
      tpu.vector_store_idx %arg4[%shift_right_arithmetic3A_335], %broadcast_in_dim3A_31 {add = true} : memref<16384xf32, #tpu.memory_space<vmem>>[vector<16xi32>], vector<16xf32>,
      %get3A_336 = arith.index_cast %scan3A_211 : i32 to index
      %get3A_337 = arith.constant 224 : index
      %get3A_338 = tpu.vector_load %arg5[%get3A_336, %get3A_337] {strides = array<i32>} : memref<32x256xi32, #tpu.memory_space<vmem>>, vector<16xi32>,
      %and3A_339 = arith.constant 65535 : i32
      %and3A_340 = vector.broadcast %and3A_339 : i32 to vector<16xi32>
      %and3A_341 = arith.andi %get3A_338, %and3A_340 : vector<16xi32>
      %shift_right_arithmetic3A_342 = arith.constant 16 : i32
      %shift_right_arithmetic3A_343 = vector.broadcast %shift_right_arithmetic3A_342 : i32 to vector<16xi32>
      %shift_right_arithmetic3A_344 = arith.shrsi %get3A_338, %shift_right_arithmetic3A_343 : vector<16xi32>
      tpu.vector_store_idx %arg4[%and3A_341], %broadcast_in_dim3A_31 {add = true} : memref<16384xf32, #tpu.memory_space<vmem>>[vector<16xi32>], vector<16xf32>,
      tpu.vector_store_idx %arg4[%shift_right_arithmetic3A_344], %broadcast_in_dim3A_31 {add = true} : memref<16384xf32, #tpu.memory_space<vmem>>[vector<16xi32>], vector<16xf32>,
      %get3A_345 = arith.index_cast %scan3A_211 : i32 to index
      %get3A_346 = arith.constant 240 : index
      %get3A_347 = tpu.vector_load %arg5[%get3A_345, %get3A_346] {strides = array<i32>} : memref<32x256xi32, #tpu.memory_space<vmem>>, vector<16xi32>,
      %and3A_348 = arith.constant 65535 : i32
      %and3A_349 = vector.broadcast %and3A_348 : i32 to vector<16xi32>
      %and3A_350 = arith.andi %get3A_347, %and3A_349 : vector<16xi32>
      %shift_right_arithmetic3A_351 = arith.constant 16 : i32
      %shift_right_arithmetic3A_352 = vector.broadcast %shift_right_arithmetic3A_351 : i32 to vector<16xi32>
      %shift_right_arithmetic3A_353 = arith.shrsi %get3A_347, %shift_right_arithmetic3A_352 : vector<16xi32>
      tpu.vector_store_idx %arg4[%and3A_350], %broadcast_in_dim3A_31 {add = true} : memref<16384xf32, #tpu.memory_space<vmem>>[vector<16xi32>], vector<16xf32>,
      tpu.vector_store_idx %arg4[%shift_right_arithmetic3A_353], %broadcast_in_dim3A_31 {add = true} : memref<16384xf32, #tpu.memory_space<vmem>>[vector<16xi32>], vector<16xf32>,
    }
    %scan3A_174 = arith.constant 32 : i32
    %dma_wait3A_175 = arith.constant 0 : i32
    %dma_wait3A_176 = tpu.memref_slice %arg2[%select_n3A, %add3A_118, %dma_wait3A_175] : memref<16x512x256xi32, #tpu.memory_space<hbm>> -> memref<1x32x256xi32, #tpu.memory_space<hbm>>
    %dma_wait3A_177 = tpu.memref_squeeze %dma_wait3A_176 : memref<1x32x256xi32, #tpu.memory_space<hbm>> -> memref<32x256xi32, #tpu.memory_space<hbm>>
    %dma_wait3A_178 = arith.constant 0 : i32
    %dma_wait3A_179 = tpu.memref_slice %arg2[%select_n3A, %add3A_118, %dma_wait3A_178] : memref<16x512x256xi32, #tpu.memory_space<hbm>> -> memref<1x32x256xi32, #tpu.memory_space<hbm>>
    %dma_wait3A_180 = tpu.memref_squeeze %dma_wait3A_179 : memref<1x32x256xi32, #tpu.memory_space<hbm>> -> memref<32x256xi32, #tpu.memory_space<hbm>>
    tpu.wait_dma2 semaphore(%arg10 : memref<!tpu.dma_semaphore, #tpu.memory_space<semaphore_mem>>) src(%dma_wait3A_180 : memref<32x256xi32, #tpu.memory_space<hbm>>) dst(%arg6 : memref<32x256xi32, #tpu.memory_space<vmem>>)
    %scan3A_181 = arith.constant 0 : i32
    %scan3A_182 = arith.constant 0 : i32
    %scan3A_183 = arith.constant 32 : i32
    %scan3A_184 = arith.addi %scan3A_182, %scan3A_183 : i32
    %scan3A_185 = arith.constant 1 : i32
    scf.for %scan3A_211 = %scan3A_182 to %scan3A_184 step %scan3A_185  : i32 {
      %get3A = arith.index_cast %scan3A_211 : i32 to index
      %get3A_212 = arith.constant 0 : index
      %get3A_213 = tpu.vector_load %arg6[%get3A, %get3A_212] {strides = array<i32>} : memref<32x256xi32, #tpu.memory_space<vmem>>, vector<16xi32>,
      %and3A_214 = arith.constant 65535 : i32
      %and3A_215 = vector.broadcast %and3A_214 : i32 to vector<16xi32>
      %and3A_216 = arith.andi %get3A_213, %and3A_215 : vector<16xi32>
      %shift_right_arithmetic3A = arith.constant 16 : i32
      %shift_right_arithmetic3A_217 = vector.broadcast %shift_right_arithmetic3A : i32 to vector<16xi32>
      %shift_right_arithmetic3A_218 = arith.shrsi %get3A_213, %shift_right_arithmetic3A_217 : vector<16xi32>
      tpu.vector_store_idx %arg4[%and3A_216], %broadcast_in_dim3A_31 {add = true} : memref<16384xf32, #tpu.memory_space<vmem>>[vector<16xi32>], vector<16xf32>,
      tpu.vector_store_idx %arg4[%shift_right_arithmetic3A_218], %broadcast_in_dim3A_31 {add = true} : memref<16384xf32, #tpu.memory_space<vmem>>[vector<16xi32>], vector<16xf32>,
      %get3A_219 = arith.index_cast %scan3A_211 : i32 to index
      %get3A_220 = arith.constant 16 : index
      %get3A_221 = tpu.vector_load %arg6[%get3A_219, %get3A_220] {strides = array<i32>} : memref<32x256xi32, #tpu.memory_space<vmem>>, vector<16xi32>,
      %and3A_222 = arith.constant 65535 : i32
      %and3A_223 = vector.broadcast %and3A_222 : i32 to vector<16xi32>
      %and3A_224 = arith.andi %get3A_221, %and3A_223 : vector<16xi32>
      %shift_right_arithmetic3A_225 = arith.constant 16 : i32
      %shift_right_arithmetic3A_226 = vector.broadcast %shift_right_arithmetic3A_225 : i32 to vector<16xi32>
      %shift_right_arithmetic3A_227 = arith.shrsi %get3A_221, %shift_right_arithmetic3A_226 : vector<16xi32>
      tpu.vector_store_idx %arg4[%and3A_224], %broadcast_in_dim3A_31 {add = true} : memref<16384xf32, #tpu.memory_space<vmem>>[vector<16xi32>], vector<16xf32>,
      tpu.vector_store_idx %arg4[%shift_right_arithmetic3A_227], %broadcast_in_dim3A_31 {add = true} : memref<16384xf32, #tpu.memory_space<vmem>>[vector<16xi32>], vector<16xf32>,
      %get3A_228 = arith.index_cast %scan3A_211 : i32 to index
      %get3A_229 = arith.constant 32 : index
      %get3A_230 = tpu.vector_load %arg6[%get3A_228, %get3A_229] {strides = array<i32>} : memref<32x256xi32, #tpu.memory_space<vmem>>, vector<16xi32>,
      %and3A_231 = arith.constant 65535 : i32
      %and3A_232 = vector.broadcast %and3A_231 : i32 to vector<16xi32>
      %and3A_233 = arith.andi %get3A_230, %and3A_232 : vector<16xi32>
      %shift_right_arithmetic3A_234 = arith.constant 16 : i32
      %shift_right_arithmetic3A_235 = vector.broadcast %shift_right_arithmetic3A_234 : i32 to vector<16xi32>
      %shift_right_arithmetic3A_236 = arith.shrsi %get3A_230, %shift_right_arithmetic3A_235 : vector<16xi32>
      tpu.vector_store_idx %arg4[%and3A_233], %broadcast_in_dim3A_31 {add = true} : memref<16384xf32, #tpu.memory_space<vmem>>[vector<16xi32>], vector<16xf32>,
      tpu.vector_store_idx %arg4[%shift_right_arithmetic3A_236], %broadcast_in_dim3A_31 {add = true} : memref<16384xf32, #tpu.memory_space<vmem>>[vector<16xi32>], vector<16xf32>,
      %get3A_237 = arith.index_cast %scan3A_211 : i32 to index
      %get3A_238 = arith.constant 48 : index
      %get3A_239 = tpu.vector_load %arg6[%get3A_237, %get3A_238] {strides = array<i32>} : memref<32x256xi32, #tpu.memory_space<vmem>>, vector<16xi32>,
      %and3A_240 = arith.constant 65535 : i32
      %and3A_241 = vector.broadcast %and3A_240 : i32 to vector<16xi32>
      %and3A_242 = arith.andi %get3A_239, %and3A_241 : vector<16xi32>
      %shift_right_arithmetic3A_243 = arith.constant 16 : i32
      %shift_right_arithmetic3A_244 = vector.broadcast %shift_right_arithmetic3A_243 : i32 to vector<16xi32>
      %shift_right_arithmetic3A_245 = arith.shrsi %get3A_239, %shift_right_arithmetic3A_244 : vector<16xi32>
      tpu.vector_store_idx %arg4[%and3A_242], %broadcast_in_dim3A_31 {add = true} : memref<16384xf32, #tpu.memory_space<vmem>>[vector<16xi32>], vector<16xf32>,
      tpu.vector_store_idx %arg4[%shift_right_arithmetic3A_245], %broadcast_in_dim3A_31 {add = true} : memref<16384xf32, #tpu.memory_space<vmem>>[vector<16xi32>], vector<16xf32>,
      %get3A_246 = arith.index_cast %scan3A_211 : i32 to index
      %get3A_247 = arith.constant 64 : index
      %get3A_248 = tpu.vector_load %arg6[%get3A_246, %get3A_247] {strides = array<i32>} : memref<32x256xi32, #tpu.memory_space<vmem>>, vector<16xi32>,
      %and3A_249 = arith.constant 65535 : i32
      %and3A_250 = vector.broadcast %and3A_249 : i32 to vector<16xi32>
      %and3A_251 = arith.andi %get3A_248, %and3A_250 : vector<16xi32>
      %shift_right_arithmetic3A_252 = arith.constant 16 : i32
      %shift_right_arithmetic3A_253 = vector.broadcast %shift_right_arithmetic3A_252 : i32 to vector<16xi32>
      %shift_right_arithmetic3A_254 = arith.shrsi %get3A_248, %shift_right_arithmetic3A_253 : vector<16xi32>
      tpu.vector_store_idx %arg4[%and3A_251], %broadcast_in_dim3A_31 {add = true} : memref<16384xf32, #tpu.memory_space<vmem>>[vector<16xi32>], vector<16xf32>,
      tpu.vector_store_idx %arg4[%shift_right_arithmetic3A_254], %broadcast_in_dim3A_31 {add = true} : memref<16384xf32, #tpu.memory_space<vmem>>[vector<16xi32>], vector<16xf32>,
      %get3A_255 = arith.index_cast %scan3A_211 : i32 to index
      %get3A_256 = arith.constant 80 : index
      %get3A_257 = tpu.vector_load %arg6[%get3A_255, %get3A_256] {strides = array<i32>} : memref<32x256xi32, #tpu.memory_space<vmem>>, vector<16xi32>,
      %and3A_258 = arith.constant 65535 : i32
      %and3A_259 = vector.broadcast %and3A_258 : i32 to vector<16xi32>
      %and3A_260 = arith.andi %get3A_257, %and3A_259 : vector<16xi32>
      %shift_right_arithmetic3A_261 = arith.constant 16 : i32
      %shift_right_arithmetic3A_262 = vector.broadcast %shift_right_arithmetic3A_261 : i32 to vector<16xi32>
      %shift_right_arithmetic3A_263 = arith.shrsi %get3A_257, %shift_right_arithmetic3A_262 : vector<16xi32>
      tpu.vector_store_idx %arg4[%and3A_260], %broadcast_in_dim3A_31 {add = true} : memref<16384xf32, #tpu.memory_space<vmem>>[vector<16xi32>], vector<16xf32>,
      tpu.vector_store_idx %arg4[%shift_right_arithmetic3A_263], %broadcast_in_dim3A_31 {add = true} : memref<16384xf32, #tpu.memory_space<vmem>>[vector<16xi32>], vector<16xf32>,
      %get3A_264 = arith.index_cast %scan3A_211 : i32 to index
      %get3A_265 = arith.constant 96 : index
      %get3A_266 = tpu.vector_load %arg6[%get3A_264, %get3A_265] {strides = array<i32>} : memref<32x256xi32, #tpu.memory_space<vmem>>, vector<16xi32>,
      %and3A_267 = arith.constant 65535 : i32
      %and3A_268 = vector.broadcast %and3A_267 : i32 to vector<16xi32>
      %and3A_269 = arith.andi %get3A_266, %and3A_268 : vector<16xi32>
      %shift_right_arithmetic3A_270 = arith.constant 16 : i32
      %shift_right_arithmetic3A_271 = vector.broadcast %shift_right_arithmetic3A_270 : i32 to vector<16xi32>
      %shift_right_arithmetic3A_272 = arith.shrsi %get3A_266, %shift_right_arithmetic3A_271 : vector<16xi32>
      tpu.vector_store_idx %arg4[%and3A_269], %broadcast_in_dim3A_31 {add = true} : memref<16384xf32, #tpu.memory_space<vmem>>[vector<16xi32>], vector<16xf32>,
      tpu.vector_store_idx %arg4[%shift_right_arithmetic3A_272], %broadcast_in_dim3A_31 {add = true} : memref<16384xf32, #tpu.memory_space<vmem>>[vector<16xi32>], vector<16xf32>,
      %get3A_273 = arith.index_cast %scan3A_211 : i32 to index
      %get3A_274 = arith.constant 112 : index
      %get3A_275 = tpu.vector_load %arg6[%get3A_273, %get3A_274] {strides = array<i32>} : memref<32x256xi32, #tpu.memory_space<vmem>>, vector<16xi32>,
      %and3A_276 = arith.constant 65535 : i32
      %and3A_277 = vector.broadcast %and3A_276 : i32 to vector<16xi32>
      %and3A_278 = arith.andi %get3A_275, %and3A_277 : vector<16xi32>
      %shift_right_arithmetic3A_279 = arith.constant 16 : i32
      %shift_right_arithmetic3A_280 = vector.broadcast %shift_right_arithmetic3A_279 : i32 to vector<16xi32>
      %shift_right_arithmetic3A_281 = arith.shrsi %get3A_275, %shift_right_arithmetic3A_280 : vector<16xi32>
      tpu.vector_store_idx %arg4[%and3A_278], %broadcast_in_dim3A_31 {add = true} : memref<16384xf32, #tpu.memory_space<vmem>>[vector<16xi32>], vector<16xf32>,
      tpu.vector_store_idx %arg4[%shift_right_arithmetic3A_281], %broadcast_in_dim3A_31 {add = true} : memref<16384xf32, #tpu.memory_space<vmem>>[vector<16xi32>], vector<16xf32>,
      %get3A_282 = arith.index_cast %scan3A_211 : i32 to index
      %get3A_283 = arith.constant 128 : index
      %get3A_284 = tpu.vector_load %arg6[%get3A_282, %get3A_283] {strides = array<i32>} : memref<32x256xi32, #tpu.memory_space<vmem>>, vector<16xi32>,
      %and3A_285 = arith.constant 65535 : i32
      %and3A_286 = vector.broadcast %and3A_285 : i32 to vector<16xi32>
      %and3A_287 = arith.andi %get3A_284, %and3A_286 : vector<16xi32>
      %shift_right_arithmetic3A_288 = arith.constant 16 : i32
      %shift_right_arithmetic3A_289 = vector.broadcast %shift_right_arithmetic3A_288 : i32 to vector<16xi32>
      %shift_right_arithmetic3A_290 = arith.shrsi %get3A_284, %shift_right_arithmetic3A_289 : vector<16xi32>
      tpu.vector_store_idx %arg4[%and3A_287], %broadcast_in_dim3A_31 {add = true} : memref<16384xf32, #tpu.memory_space<vmem>>[vector<16xi32>], vector<16xf32>,
      tpu.vector_store_idx %arg4[%shift_right_arithmetic3A_290], %broadcast_in_dim3A_31 {add = true} : memref<16384xf32, #tpu.memory_space<vmem>>[vector<16xi32>], vector<16xf32>,
      %get3A_291 = arith.index_cast %scan3A_211 : i32 to index
      %get3A_292 = arith.constant 144 : index
      %get3A_293 = tpu.vector_load %arg6[%get3A_291, %get3A_292] {strides = array<i32>} : memref<32x256xi32, #tpu.memory_space<vmem>>, vector<16xi32>,
      %and3A_294 = arith.constant 65535 : i32
      %and3A_295 = vector.broadcast %and3A_294 : i32 to vector<16xi32>
      %and3A_296 = arith.andi %get3A_293, %and3A_295 : vector<16xi32>
      %shift_right_arithmetic3A_297 = arith.constant 16 : i32
      %shift_right_arithmetic3A_298 = vector.broadcast %shift_right_arithmetic3A_297 : i32 to vector<16xi32>
      %shift_right_arithmetic3A_299 = arith.shrsi %get3A_293, %shift_right_arithmetic3A_298 : vector<16xi32>
      tpu.vector_store_idx %arg4[%and3A_296], %broadcast_in_dim3A_31 {add = true} : memref<16384xf32, #tpu.memory_space<vmem>>[vector<16xi32>], vector<16xf32>,
      tpu.vector_store_idx %arg4[%shift_right_arithmetic3A_299], %broadcast_in_dim3A_31 {add = true} : memref<16384xf32, #tpu.memory_space<vmem>>[vector<16xi32>], vector<16xf32>,
      %get3A_300 = arith.index_cast %scan3A_211 : i32 to index
      %get3A_301 = arith.constant 160 : index
      %get3A_302 = tpu.vector_load %arg6[%get3A_300, %get3A_301] {strides = array<i32>} : memref<32x256xi32, #tpu.memory_space<vmem>>, vector<16xi32>,
      %and3A_303 = arith.constant 65535 : i32
      %and3A_304 = vector.broadcast %and3A_303 : i32 to vector<16xi32>
      %and3A_305 = arith.andi %get3A_302, %and3A_304 : vector<16xi32>
      %shift_right_arithmetic3A_306 = arith.constant 16 : i32
      %shift_right_arithmetic3A_307 = vector.broadcast %shift_right_arithmetic3A_306 : i32 to vector<16xi32>
      %shift_right_arithmetic3A_308 = arith.shrsi %get3A_302, %shift_right_arithmetic3A_307 : vector<16xi32>
      tpu.vector_store_idx %arg4[%and3A_305], %broadcast_in_dim3A_31 {add = true} : memref<16384xf32, #tpu.memory_space<vmem>>[vector<16xi32>], vector<16xf32>,
      tpu.vector_store_idx %arg4[%shift_right_arithmetic3A_308], %broadcast_in_dim3A_31 {add = true} : memref<16384xf32, #tpu.memory_space<vmem>>[vector<16xi32>], vector<16xf32>,
      %get3A_309 = arith.index_cast %scan3A_211 : i32 to index
      %get3A_310 = arith.constant 176 : index
      %get3A_311 = tpu.vector_load %arg6[%get3A_309, %get3A_310] {strides = array<i32>} : memref<32x256xi32, #tpu.memory_space<vmem>>, vector<16xi32>,
      %and3A_312 = arith.constant 65535 : i32
      %and3A_313 = vector.broadcast %and3A_312 : i32 to vector<16xi32>
      %and3A_314 = arith.andi %get3A_311, %and3A_313 : vector<16xi32>
      %shift_right_arithmetic3A_315 = arith.constant 16 : i32
      %shift_right_arithmetic3A_316 = vector.broadcast %shift_right_arithmetic3A_315 : i32 to vector<16xi32>
      %shift_right_arithmetic3A_317 = arith.shrsi %get3A_311, %shift_right_arithmetic3A_316 : vector<16xi32>
      tpu.vector_store_idx %arg4[%and3A_314], %broadcast_in_dim3A_31 {add = true} : memref<16384xf32, #tpu.memory_space<vmem>>[vector<16xi32>], vector<16xf32>,
      tpu.vector_store_idx %arg4[%shift_right_arithmetic3A_317], %broadcast_in_dim3A_31 {add = true} : memref<16384xf32, #tpu.memory_space<vmem>>[vector<16xi32>], vector<16xf32>,
      %get3A_318 = arith.index_cast %scan3A_211 : i32 to index
      %get3A_319 = arith.constant 192 : index
      %get3A_320 = tpu.vector_load %arg6[%get3A_318, %get3A_319] {strides = array<i32>} : memref<32x256xi32, #tpu.memory_space<vmem>>, vector<16xi32>,
      %and3A_321 = arith.constant 65535 : i32
      %and3A_322 = vector.broadcast %and3A_321 : i32 to vector<16xi32>
      %and3A_323 = arith.andi %get3A_320, %and3A_322 : vector<16xi32>
      %shift_right_arithmetic3A_324 = arith.constant 16 : i32
      %shift_right_arithmetic3A_325 = vector.broadcast %shift_right_arithmetic3A_324 : i32 to vector<16xi32>
      %shift_right_arithmetic3A_326 = arith.shrsi %get3A_320, %shift_right_arithmetic3A_325 : vector<16xi32>
      tpu.vector_store_idx %arg4[%and3A_323], %broadcast_in_dim3A_31 {add = true} : memref<16384xf32, #tpu.memory_space<vmem>>[vector<16xi32>], vector<16xf32>,
      tpu.vector_store_idx %arg4[%shift_right_arithmetic3A_326], %broadcast_in_dim3A_31 {add = true} : memref<16384xf32, #tpu.memory_space<vmem>>[vector<16xi32>], vector<16xf32>,
      %get3A_327 = arith.index_cast %scan3A_211 : i32 to index
      %get3A_328 = arith.constant 208 : index
      %get3A_329 = tpu.vector_load %arg6[%get3A_327, %get3A_328] {strides = array<i32>} : memref<32x256xi32, #tpu.memory_space<vmem>>, vector<16xi32>,
      %and3A_330 = arith.constant 65535 : i32
      %and3A_331 = vector.broadcast %and3A_330 : i32 to vector<16xi32>
      %and3A_332 = arith.andi %get3A_329, %and3A_331 : vector<16xi32>
      %shift_right_arithmetic3A_333 = arith.constant 16 : i32
      %shift_right_arithmetic3A_334 = vector.broadcast %shift_right_arithmetic3A_333 : i32 to vector<16xi32>
      %shift_right_arithmetic3A_335 = arith.shrsi %get3A_329, %shift_right_arithmetic3A_334 : vector<16xi32>
      tpu.vector_store_idx %arg4[%and3A_332], %broadcast_in_dim3A_31 {add = true} : memref<16384xf32, #tpu.memory_space<vmem>>[vector<16xi32>], vector<16xf32>,
      tpu.vector_store_idx %arg4[%shift_right_arithmetic3A_335], %broadcast_in_dim3A_31 {add = true} : memref<16384xf32, #tpu.memory_space<vmem>>[vector<16xi32>], vector<16xf32>,
      %get3A_336 = arith.index_cast %scan3A_211 : i32 to index
      %get3A_337 = arith.constant 224 : index
      %get3A_338 = tpu.vector_load %arg6[%get3A_336, %get3A_337] {strides = array<i32>} : memref<32x256xi32, #tpu.memory_space<vmem>>, vector<16xi32>,
      %and3A_339 = arith.constant 65535 : i32
      %and3A_340 = vector.broadcast %and3A_339 : i32 to vector<16xi32>
      %and3A_341 = arith.andi %get3A_338, %and3A_340 : vector<16xi32>
      %shift_right_arithmetic3A_342 = arith.constant 16 : i32
      %shift_right_arithmetic3A_343 = vector.broadcast %shift_right_arithmetic3A_342 : i32 to vector<16xi32>
      %shift_right_arithmetic3A_344 = arith.shrsi %get3A_338, %shift_right_arithmetic3A_343 : vector<16xi32>
      tpu.vector_store_idx %arg4[%and3A_341], %broadcast_in_dim3A_31 {add = true} : memref<16384xf32, #tpu.memory_space<vmem>>[vector<16xi32>], vector<16xf32>,
      tpu.vector_store_idx %arg4[%shift_right_arithmetic3A_344], %broadcast_in_dim3A_31 {add = true} : memref<16384xf32, #tpu.memory_space<vmem>>[vector<16xi32>], vector<16xf32>,
      %get3A_345 = arith.index_cast %scan3A_211 : i32 to index
      %get3A_346 = arith.constant 240 : index
      %get3A_347 = tpu.vector_load %arg6[%get3A_345, %get3A_346] {strides = array<i32>} : memref<32x256xi32, #tpu.memory_space<vmem>>, vector<16xi32>,
      %and3A_348 = arith.constant 65535 : i32
      %and3A_349 = vector.broadcast %and3A_348 : i32 to vector<16xi32>
      %and3A_350 = arith.andi %get3A_347, %and3A_349 : vector<16xi32>
      %shift_right_arithmetic3A_351 = arith.constant 16 : i32
      %shift_right_arithmetic3A_352 = vector.broadcast %shift_right_arithmetic3A_351 : i32 to vector<16xi32>
      %shift_right_arithmetic3A_353 = arith.shrsi %get3A_347, %shift_right_arithmetic3A_352 : vector<16xi32>
      tpu.vector_store_idx %arg4[%and3A_350], %broadcast_in_dim3A_31 {add = true} : memref<16384xf32, #tpu.memory_space<vmem>>[vector<16xi32>], vector<16xf32>,
      tpu.vector_store_idx %arg4[%shift_right_arithmetic3A_353], %broadcast_in_dim3A_31 {add = true} : memref<16384xf32, #tpu.memory_space<vmem>>[vector<16xi32>], vector<16xf32>,
    }
    %scan3A_186 = arith.constant 32 : i32
    %dma_wait3A_187 = arith.constant 0 : i32
    %dma_wait3A_188 = tpu.memref_slice %arg2[%select_n3A, %add3A_140, %dma_wait3A_187] : memref<16x512x256xi32, #tpu.memory_space<hbm>> -> memref<1x32x256xi32, #tpu.memory_space<hbm>>
    %dma_wait3A_189 = tpu.memref_squeeze %dma_wait3A_188 : memref<1x32x256xi32, #tpu.memory_space<hbm>> -> memref<32x256xi32, #tpu.memory_space<hbm>>
    %dma_wait3A_190 = arith.constant 0 : i32
    %dma_wait3A_191 = tpu.memref_slice %arg2[%select_n3A, %add3A_140, %dma_wait3A_190] : memref<16x512x256xi32, #tpu.memory_space<hbm>> -> memref<1x32x256xi32, #tpu.memory_space<hbm>>
    %dma_wait3A_192 = tpu.memref_squeeze %dma_wait3A_191 : memref<1x32x256xi32, #tpu.memory_space<hbm>> -> memref<32x256xi32, #tpu.memory_space<hbm>>
    tpu.wait_dma2 semaphore(%arg11 : memref<!tpu.dma_semaphore, #tpu.memory_space<semaphore_mem>>) src(%dma_wait3A_192 : memref<32x256xi32, #tpu.memory_space<hbm>>) dst(%arg7 : memref<32x256xi32, #tpu.memory_space<vmem>>)
    %scan3A_193 = arith.constant 0 : i32
    %scan3A_194 = arith.constant 0 : i32
    %scan3A_195 = arith.constant 32 : i32
    %scan3A_196 = arith.addi %scan3A_194, %scan3A_195 : i32
    %scan3A_197 = arith.constant 1 : i32
    scf.for %scan3A_211 = %scan3A_194 to %scan3A_196 step %scan3A_197  : i32 {
      %get3A = arith.index_cast %scan3A_211 : i32 to index
      %get3A_212 = arith.constant 0 : index
      %get3A_213 = tpu.vector_load %arg7[%get3A, %get3A_212] {strides = array<i32>} : memref<32x256xi32, #tpu.memory_space<vmem>>, vector<16xi32>,
      %and3A_214 = arith.constant 65535 : i32
      %and3A_215 = vector.broadcast %and3A_214 : i32 to vector<16xi32>
      %and3A_216 = arith.andi %get3A_213, %and3A_215 : vector<16xi32>
      %shift_right_arithmetic3A = arith.constant 16 : i32
      %shift_right_arithmetic3A_217 = vector.broadcast %shift_right_arithmetic3A : i32 to vector<16xi32>
      %shift_right_arithmetic3A_218 = arith.shrsi %get3A_213, %shift_right_arithmetic3A_217 : vector<16xi32>
      tpu.vector_store_idx %arg4[%and3A_216], %broadcast_in_dim3A_31 {add = true} : memref<16384xf32, #tpu.memory_space<vmem>>[vector<16xi32>], vector<16xf32>,
      tpu.vector_store_idx %arg4[%shift_right_arithmetic3A_218], %broadcast_in_dim3A_31 {add = true} : memref<16384xf32, #tpu.memory_space<vmem>>[vector<16xi32>], vector<16xf32>,
      %get3A_219 = arith.index_cast %scan3A_211 : i32 to index
      %get3A_220 = arith.constant 16 : index
      %get3A_221 = tpu.vector_load %arg7[%get3A_219, %get3A_220] {strides = array<i32>} : memref<32x256xi32, #tpu.memory_space<vmem>>, vector<16xi32>,
      %and3A_222 = arith.constant 65535 : i32
      %and3A_223 = vector.broadcast %and3A_222 : i32 to vector<16xi32>
      %and3A_224 = arith.andi %get3A_221, %and3A_223 : vector<16xi32>
      %shift_right_arithmetic3A_225 = arith.constant 16 : i32
      %shift_right_arithmetic3A_226 = vector.broadcast %shift_right_arithmetic3A_225 : i32 to vector<16xi32>
      %shift_right_arithmetic3A_227 = arith.shrsi %get3A_221, %shift_right_arithmetic3A_226 : vector<16xi32>
      tpu.vector_store_idx %arg4[%and3A_224], %broadcast_in_dim3A_31 {add = true} : memref<16384xf32, #tpu.memory_space<vmem>>[vector<16xi32>], vector<16xf32>,
      tpu.vector_store_idx %arg4[%shift_right_arithmetic3A_227], %broadcast_in_dim3A_31 {add = true} : memref<16384xf32, #tpu.memory_space<vmem>>[vector<16xi32>], vector<16xf32>,
      %get3A_228 = arith.index_cast %scan3A_211 : i32 to index
      %get3A_229 = arith.constant 32 : index
      %get3A_230 = tpu.vector_load %arg7[%get3A_228, %get3A_229] {strides = array<i32>} : memref<32x256xi32, #tpu.memory_space<vmem>>, vector<16xi32>,
      %and3A_231 = arith.constant 65535 : i32
      %and3A_232 = vector.broadcast %and3A_231 : i32 to vector<16xi32>
      %and3A_233 = arith.andi %get3A_230, %and3A_232 : vector<16xi32>
      %shift_right_arithmetic3A_234 = arith.constant 16 : i32
      %shift_right_arithmetic3A_235 = vector.broadcast %shift_right_arithmetic3A_234 : i32 to vector<16xi32>
      %shift_right_arithmetic3A_236 = arith.shrsi %get3A_230, %shift_right_arithmetic3A_235 : vector<16xi32>
      tpu.vector_store_idx %arg4[%and3A_233], %broadcast_in_dim3A_31 {add = true} : memref<16384xf32, #tpu.memory_space<vmem>>[vector<16xi32>], vector<16xf32>,
      tpu.vector_store_idx %arg4[%shift_right_arithmetic3A_236], %broadcast_in_dim3A_31 {add = true} : memref<16384xf32, #tpu.memory_space<vmem>>[vector<16xi32>], vector<16xf32>,
      %get3A_237 = arith.index_cast %scan3A_211 : i32 to index
      %get3A_238 = arith.constant 48 : index
      %get3A_239 = tpu.vector_load %arg7[%get3A_237, %get3A_238] {strides = array<i32>} : memref<32x256xi32, #tpu.memory_space<vmem>>, vector<16xi32>,
      %and3A_240 = arith.constant 65535 : i32
      %and3A_241 = vector.broadcast %and3A_240 : i32 to vector<16xi32>
      %and3A_242 = arith.andi %get3A_239, %and3A_241 : vector<16xi32>
      %shift_right_arithmetic3A_243 = arith.constant 16 : i32
      %shift_right_arithmetic3A_244 = vector.broadcast %shift_right_arithmetic3A_243 : i32 to vector<16xi32>
      %shift_right_arithmetic3A_245 = arith.shrsi %get3A_239, %shift_right_arithmetic3A_244 : vector<16xi32>
      tpu.vector_store_idx %arg4[%and3A_242], %broadcast_in_dim3A_31 {add = true} : memref<16384xf32, #tpu.memory_space<vmem>>[vector<16xi32>], vector<16xf32>,
      tpu.vector_store_idx %arg4[%shift_right_arithmetic3A_245], %broadcast_in_dim3A_31 {add = true} : memref<16384xf32, #tpu.memory_space<vmem>>[vector<16xi32>], vector<16xf32>,
      %get3A_246 = arith.index_cast %scan3A_211 : i32 to index
      %get3A_247 = arith.constant 64 : index
      %get3A_248 = tpu.vector_load %arg7[%get3A_246, %get3A_247] {strides = array<i32>} : memref<32x256xi32, #tpu.memory_space<vmem>>, vector<16xi32>,
      %and3A_249 = arith.constant 65535 : i32
      %and3A_250 = vector.broadcast %and3A_249 : i32 to vector<16xi32>
      %and3A_251 = arith.andi %get3A_248, %and3A_250 : vector<16xi32>
      %shift_right_arithmetic3A_252 = arith.constant 16 : i32
      %shift_right_arithmetic3A_253 = vector.broadcast %shift_right_arithmetic3A_252 : i32 to vector<16xi32>
      %shift_right_arithmetic3A_254 = arith.shrsi %get3A_248, %shift_right_arithmetic3A_253 : vector<16xi32>
      tpu.vector_store_idx %arg4[%and3A_251], %broadcast_in_dim3A_31 {add = true} : memref<16384xf32, #tpu.memory_space<vmem>>[vector<16xi32>], vector<16xf32>,
      tpu.vector_store_idx %arg4[%shift_right_arithmetic3A_254], %broadcast_in_dim3A_31 {add = true} : memref<16384xf32, #tpu.memory_space<vmem>>[vector<16xi32>], vector<16xf32>,
      %get3A_255 = arith.index_cast %scan3A_211 : i32 to index
      %get3A_256 = arith.constant 80 : index
      %get3A_257 = tpu.vector_load %arg7[%get3A_255, %get3A_256] {strides = array<i32>} : memref<32x256xi32, #tpu.memory_space<vmem>>, vector<16xi32>,
      %and3A_258 = arith.constant 65535 : i32
      %and3A_259 = vector.broadcast %and3A_258 : i32 to vector<16xi32>
      %and3A_260 = arith.andi %get3A_257, %and3A_259 : vector<16xi32>
      %shift_right_arithmetic3A_261 = arith.constant 16 : i32
      %shift_right_arithmetic3A_262 = vector.broadcast %shift_right_arithmetic3A_261 : i32 to vector<16xi32>
      %shift_right_arithmetic3A_263 = arith.shrsi %get3A_257, %shift_right_arithmetic3A_262 : vector<16xi32>
      tpu.vector_store_idx %arg4[%and3A_260], %broadcast_in_dim3A_31 {add = true} : memref<16384xf32, #tpu.memory_space<vmem>>[vector<16xi32>], vector<16xf32>,
      tpu.vector_store_idx %arg4[%shift_right_arithmetic3A_263], %broadcast_in_dim3A_31 {add = true} : memref<16384xf32, #tpu.memory_space<vmem>>[vector<16xi32>], vector<16xf32>,
      %get3A_264 = arith.index_cast %scan3A_211 : i32 to index
      %get3A_265 = arith.constant 96 : index
      %get3A_266 = tpu.vector_load %arg7[%get3A_264, %get3A_265] {strides = array<i32>} : memref<32x256xi32, #tpu.memory_space<vmem>>, vector<16xi32>,
      %and3A_267 = arith.constant 65535 : i32
      %and3A_268 = vector.broadcast %and3A_267 : i32 to vector<16xi32>
      %and3A_269 = arith.andi %get3A_266, %and3A_268 : vector<16xi32>
      %shift_right_arithmetic3A_270 = arith.constant 16 : i32
      %shift_right_arithmetic3A_271 = vector.broadcast %shift_right_arithmetic3A_270 : i32 to vector<16xi32>
      %shift_right_arithmetic3A_272 = arith.shrsi %get3A_266, %shift_right_arithmetic3A_271 : vector<16xi32>
      tpu.vector_store_idx %arg4[%and3A_269], %broadcast_in_dim3A_31 {add = true} : memref<16384xf32, #tpu.memory_space<vmem>>[vector<16xi32>], vector<16xf32>,
      tpu.vector_store_idx %arg4[%shift_right_arithmetic3A_272], %broadcast_in_dim3A_31 {add = true} : memref<16384xf32, #tpu.memory_space<vmem>>[vector<16xi32>], vector<16xf32>,
      %get3A_273 = arith.index_cast %scan3A_211 : i32 to index
      %get3A_274 = arith.constant 112 : index
      %get3A_275 = tpu.vector_load %arg7[%get3A_273, %get3A_274] {strides = array<i32>} : memref<32x256xi32, #tpu.memory_space<vmem>>, vector<16xi32>,
      %and3A_276 = arith.constant 65535 : i32
      %and3A_277 = vector.broadcast %and3A_276 : i32 to vector<16xi32>
      %and3A_278 = arith.andi %get3A_275, %and3A_277 : vector<16xi32>
      %shift_right_arithmetic3A_279 = arith.constant 16 : i32
      %shift_right_arithmetic3A_280 = vector.broadcast %shift_right_arithmetic3A_279 : i32 to vector<16xi32>
      %shift_right_arithmetic3A_281 = arith.shrsi %get3A_275, %shift_right_arithmetic3A_280 : vector<16xi32>
      tpu.vector_store_idx %arg4[%and3A_278], %broadcast_in_dim3A_31 {add = true} : memref<16384xf32, #tpu.memory_space<vmem>>[vector<16xi32>], vector<16xf32>,
      tpu.vector_store_idx %arg4[%shift_right_arithmetic3A_281], %broadcast_in_dim3A_31 {add = true} : memref<16384xf32, #tpu.memory_space<vmem>>[vector<16xi32>], vector<16xf32>,
      %get3A_282 = arith.index_cast %scan3A_211 : i32 to index
      %get3A_283 = arith.constant 128 : index
      %get3A_284 = tpu.vector_load %arg7[%get3A_282, %get3A_283] {strides = array<i32>} : memref<32x256xi32, #tpu.memory_space<vmem>>, vector<16xi32>,
      %and3A_285 = arith.constant 65535 : i32
      %and3A_286 = vector.broadcast %and3A_285 : i32 to vector<16xi32>
      %and3A_287 = arith.andi %get3A_284, %and3A_286 : vector<16xi32>
      %shift_right_arithmetic3A_288 = arith.constant 16 : i32
      %shift_right_arithmetic3A_289 = vector.broadcast %shift_right_arithmetic3A_288 : i32 to vector<16xi32>
      %shift_right_arithmetic3A_290 = arith.shrsi %get3A_284, %shift_right_arithmetic3A_289 : vector<16xi32>
      tpu.vector_store_idx %arg4[%and3A_287], %broadcast_in_dim3A_31 {add = true} : memref<16384xf32, #tpu.memory_space<vmem>>[vector<16xi32>], vector<16xf32>,
      tpu.vector_store_idx %arg4[%shift_right_arithmetic3A_290], %broadcast_in_dim3A_31 {add = true} : memref<16384xf32, #tpu.memory_space<vmem>>[vector<16xi32>], vector<16xf32>,
      %get3A_291 = arith.index_cast %scan3A_211 : i32 to index
      %get3A_292 = arith.constant 144 : index
      %get3A_293 = tpu.vector_load %arg7[%get3A_291, %get3A_292] {strides = array<i32>} : memref<32x256xi32, #tpu.memory_space<vmem>>, vector<16xi32>,
      %and3A_294 = arith.constant 65535 : i32
      %and3A_295 = vector.broadcast %and3A_294 : i32 to vector<16xi32>
      %and3A_296 = arith.andi %get3A_293, %and3A_295 : vector<16xi32>
      %shift_right_arithmetic3A_297 = arith.constant 16 : i32
      %shift_right_arithmetic3A_298 = vector.broadcast %shift_right_arithmetic3A_297 : i32 to vector<16xi32>
      %shift_right_arithmetic3A_299 = arith.shrsi %get3A_293, %shift_right_arithmetic3A_298 : vector<16xi32>
      tpu.vector_store_idx %arg4[%and3A_296], %broadcast_in_dim3A_31 {add = true} : memref<16384xf32, #tpu.memory_space<vmem>>[vector<16xi32>], vector<16xf32>,
      tpu.vector_store_idx %arg4[%shift_right_arithmetic3A_299], %broadcast_in_dim3A_31 {add = true} : memref<16384xf32, #tpu.memory_space<vmem>>[vector<16xi32>], vector<16xf32>,
      %get3A_300 = arith.index_cast %scan3A_211 : i32 to index
      %get3A_301 = arith.constant 160 : index
      %get3A_302 = tpu.vector_load %arg7[%get3A_300, %get3A_301] {strides = array<i32>} : memref<32x256xi32, #tpu.memory_space<vmem>>, vector<16xi32>,
      %and3A_303 = arith.constant 65535 : i32
      %and3A_304 = vector.broadcast %and3A_303 : i32 to vector<16xi32>
      %and3A_305 = arith.andi %get3A_302, %and3A_304 : vector<16xi32>
      %shift_right_arithmetic3A_306 = arith.constant 16 : i32
      %shift_right_arithmetic3A_307 = vector.broadcast %shift_right_arithmetic3A_306 : i32 to vector<16xi32>
      %shift_right_arithmetic3A_308 = arith.shrsi %get3A_302, %shift_right_arithmetic3A_307 : vector<16xi32>
      tpu.vector_store_idx %arg4[%and3A_305], %broadcast_in_dim3A_31 {add = true} : memref<16384xf32, #tpu.memory_space<vmem>>[vector<16xi32>], vector<16xf32>,
      tpu.vector_store_idx %arg4[%shift_right_arithmetic3A_308], %broadcast_in_dim3A_31 {add = true} : memref<16384xf32, #tpu.memory_space<vmem>>[vector<16xi32>], vector<16xf32>,
      %get3A_309 = arith.index_cast %scan3A_211 : i32 to index
      %get3A_310 = arith.constant 176 : index
      %get3A_311 = tpu.vector_load %arg7[%get3A_309, %get3A_310] {strides = array<i32>} : memref<32x256xi32, #tpu.memory_space<vmem>>, vector<16xi32>,
      %and3A_312 = arith.constant 65535 : i32
      %and3A_313 = vector.broadcast %and3A_312 : i32 to vector<16xi32>
      %and3A_314 = arith.andi %get3A_311, %and3A_313 : vector<16xi32>
      %shift_right_arithmetic3A_315 = arith.constant 16 : i32
      %shift_right_arithmetic3A_316 = vector.broadcast %shift_right_arithmetic3A_315 : i32 to vector<16xi32>
      %shift_right_arithmetic3A_317 = arith.shrsi %get3A_311, %shift_right_arithmetic3A_316 : vector<16xi32>
      tpu.vector_store_idx %arg4[%and3A_314], %broadcast_in_dim3A_31 {add = true} : memref<16384xf32, #tpu.memory_space<vmem>>[vector<16xi32>], vector<16xf32>,
      tpu.vector_store_idx %arg4[%shift_right_arithmetic3A_317], %broadcast_in_dim3A_31 {add = true} : memref<16384xf32, #tpu.memory_space<vmem>>[vector<16xi32>], vector<16xf32>,
      %get3A_318 = arith.index_cast %scan3A_211 : i32 to index
      %get3A_319 = arith.constant 192 : index
      %get3A_320 = tpu.vector_load %arg7[%get3A_318, %get3A_319] {strides = array<i32>} : memref<32x256xi32, #tpu.memory_space<vmem>>, vector<16xi32>,
      %and3A_321 = arith.constant 65535 : i32
      %and3A_322 = vector.broadcast %and3A_321 : i32 to vector<16xi32>
      %and3A_323 = arith.andi %get3A_320, %and3A_322 : vector<16xi32>
      %shift_right_arithmetic3A_324 = arith.constant 16 : i32
      %shift_right_arithmetic3A_325 = vector.broadcast %shift_right_arithmetic3A_324 : i32 to vector<16xi32>
      %shift_right_arithmetic3A_326 = arith.shrsi %get3A_320, %shift_right_arithmetic3A_325 : vector<16xi32>
      tpu.vector_store_idx %arg4[%and3A_323], %broadcast_in_dim3A_31 {add = true} : memref<16384xf32, #tpu.memory_space<vmem>>[vector<16xi32>], vector<16xf32>,
      tpu.vector_store_idx %arg4[%shift_right_arithmetic3A_326], %broadcast_in_dim3A_31 {add = true} : memref<16384xf32, #tpu.memory_space<vmem>>[vector<16xi32>], vector<16xf32>,
      %get3A_327 = arith.index_cast %scan3A_211 : i32 to index
      %get3A_328 = arith.constant 208 : index
      %get3A_329 = tpu.vector_load %arg7[%get3A_327, %get3A_328] {strides = array<i32>} : memref<32x256xi32, #tpu.memory_space<vmem>>, vector<16xi32>,
      %and3A_330 = arith.constant 65535 : i32
      %and3A_331 = vector.broadcast %and3A_330 : i32 to vector<16xi32>
      %and3A_332 = arith.andi %get3A_329, %and3A_331 : vector<16xi32>
      %shift_right_arithmetic3A_333 = arith.constant 16 : i32
      %shift_right_arithmetic3A_334 = vector.broadcast %shift_right_arithmetic3A_333 : i32 to vector<16xi32>
      %shift_right_arithmetic3A_335 = arith.shrsi %get3A_329, %shift_right_arithmetic3A_334 : vector<16xi32>
      tpu.vector_store_idx %arg4[%and3A_332], %broadcast_in_dim3A_31 {add = true} : memref<16384xf32, #tpu.memory_space<vmem>>[vector<16xi32>], vector<16xf32>,
      tpu.vector_store_idx %arg4[%shift_right_arithmetic3A_335], %broadcast_in_dim3A_31 {add = true} : memref<16384xf32, #tpu.memory_space<vmem>>[vector<16xi32>], vector<16xf32>,
      %get3A_336 = arith.index_cast %scan3A_211 : i32 to index
      %get3A_337 = arith.constant 224 : index
      %get3A_338 = tpu.vector_load %arg7[%get3A_336, %get3A_337] {strides = array<i32>} : memref<32x256xi32, #tpu.memory_space<vmem>>, vector<16xi32>,
      %and3A_339 = arith.constant 65535 : i32
      %and3A_340 = vector.broadcast %and3A_339 : i32 to vector<16xi32>
      %and3A_341 = arith.andi %get3A_338, %and3A_340 : vector<16xi32>
      %shift_right_arithmetic3A_342 = arith.constant 16 : i32
      %shift_right_arithmetic3A_343 = vector.broadcast %shift_right_arithmetic3A_342 : i32 to vector<16xi32>
      %shift_right_arithmetic3A_344 = arith.shrsi %get3A_338, %shift_right_arithmetic3A_343 : vector<16xi32>
      tpu.vector_store_idx %arg4[%and3A_341], %broadcast_in_dim3A_31 {add = true} : memref<16384xf32, #tpu.memory_space<vmem>>[vector<16xi32>], vector<16xf32>,
      tpu.vector_store_idx %arg4[%shift_right_arithmetic3A_344], %broadcast_in_dim3A_31 {add = true} : memref<16384xf32, #tpu.memory_space<vmem>>[vector<16xi32>], vector<16xf32>,
      %get3A_345 = arith.index_cast %scan3A_211 : i32 to index
      %get3A_346 = arith.constant 240 : index
      %get3A_347 = tpu.vector_load %arg7[%get3A_345, %get3A_346] {strides = array<i32>} : memref<32x256xi32, #tpu.memory_space<vmem>>, vector<16xi32>,
      %and3A_348 = arith.constant 65535 : i32
      %and3A_349 = vector.broadcast %and3A_348 : i32 to vector<16xi32>
      %and3A_350 = arith.andi %get3A_347, %and3A_349 : vector<16xi32>
      %shift_right_arithmetic3A_351 = arith.constant 16 : i32
      %shift_right_arithmetic3A_352 = vector.broadcast %shift_right_arithmetic3A_351 : i32 to vector<16xi32>
      %shift_right_arithmetic3A_353 = arith.shrsi %get3A_347, %shift_right_arithmetic3A_352 : vector<16xi32>
      tpu.vector_store_idx %arg4[%and3A_350], %broadcast_in_dim3A_31 {add = true} : memref<16384xf32, #tpu.memory_space<vmem>>[vector<16xi32>], vector<16xf32>,
      tpu.vector_store_idx %arg4[%shift_right_arithmetic3A_353], %broadcast_in_dim3A_31 {add = true} : memref<16384xf32, #tpu.memory_space<vmem>>[vector<16xi32>], vector<16xf32>,
    }
    %scan3A_198 = arith.constant 32 : i32
    %dma_wait3A_199 = arith.constant 0 : i32
    %dma_wait3A_200 = tpu.memref_slice %arg2[%select_n3A, %add3A_162, %dma_wait3A_199] : memref<16x512x256xi32, #tpu.memory_space<hbm>> -> memref<1x32x256xi32, #tpu.memory_space<hbm>>
    %dma_wait3A_201 = tpu.memref_squeeze %dma_wait3A_200 : memref<1x32x256xi32, #tpu.memory_space<hbm>> -> memref<32x256xi32, #tpu.memory_space<hbm>>
    %dma_wait3A_202 = arith.constant 0 : i32
    %dma_wait3A_203 = tpu.memref_slice %arg2[%select_n3A, %add3A_162, %dma_wait3A_202] : memref<16x512x256xi32, #tpu.memory_space<hbm>> -> memref<1x32x256xi32, #tpu.memory_space<hbm>>
    %dma_wait3A_204 = tpu.memref_squeeze %dma_wait3A_203 : memref<1x32x256xi32, #tpu.memory_space<hbm>> -> memref<32x256xi32, #tpu.memory_space<hbm>>
    tpu.wait_dma2 semaphore(%arg12 : memref<!tpu.dma_semaphore, #tpu.memory_space<semaphore_mem>>) src(%dma_wait3A_204 : memref<32x256xi32, #tpu.memory_space<hbm>>) dst(%arg8 : memref<32x256xi32, #tpu.memory_space<vmem>>)
    %scan3A_205 = arith.constant 0 : i32
    %scan3A_206 = arith.constant 0 : i32
    %scan3A_207 = arith.constant 32 : i32
    %scan3A_208 = arith.addi %scan3A_206, %scan3A_207 : i32
    %scan3A_209 = arith.constant 1 : i32
    scf.for %scan3A_211 = %scan3A_206 to %scan3A_208 step %scan3A_209  : i32 {
      %get3A = arith.index_cast %scan3A_211 : i32 to index
      %get3A_212 = arith.constant 0 : index
      %get3A_213 = tpu.vector_load %arg8[%get3A, %get3A_212] {strides = array<i32>} : memref<32x256xi32, #tpu.memory_space<vmem>>, vector<16xi32>,
      %and3A_214 = arith.constant 65535 : i32
      %and3A_215 = vector.broadcast %and3A_214 : i32 to vector<16xi32>
      %and3A_216 = arith.andi %get3A_213, %and3A_215 : vector<16xi32>
      %shift_right_arithmetic3A = arith.constant 16 : i32
      %shift_right_arithmetic3A_217 = vector.broadcast %shift_right_arithmetic3A : i32 to vector<16xi32>
      %shift_right_arithmetic3A_218 = arith.shrsi %get3A_213, %shift_right_arithmetic3A_217 : vector<16xi32>
      tpu.vector_store_idx %arg4[%and3A_216], %broadcast_in_dim3A_31 {add = true} : memref<16384xf32, #tpu.memory_space<vmem>>[vector<16xi32>], vector<16xf32>,
      tpu.vector_store_idx %arg4[%shift_right_arithmetic3A_218], %broadcast_in_dim3A_31 {add = true} : memref<16384xf32, #tpu.memory_space<vmem>>[vector<16xi32>], vector<16xf32>,
      %get3A_219 = arith.index_cast %scan3A_211 : i32 to index
      %get3A_220 = arith.constant 16 : index
      %get3A_221 = tpu.vector_load %arg8[%get3A_219, %get3A_220] {strides = array<i32>} : memref<32x256xi32, #tpu.memory_space<vmem>>, vector<16xi32>,
      %and3A_222 = arith.constant 65535 : i32
      %and3A_223 = vector.broadcast %and3A_222 : i32 to vector<16xi32>
      %and3A_224 = arith.andi %get3A_221, %and3A_223 : vector<16xi32>
      %shift_right_arithmetic3A_225 = arith.constant 16 : i32
      %shift_right_arithmetic3A_226 = vector.broadcast %shift_right_arithmetic3A_225 : i32 to vector<16xi32>
      %shift_right_arithmetic3A_227 = arith.shrsi %get3A_221, %shift_right_arithmetic3A_226 : vector<16xi32>
      tpu.vector_store_idx %arg4[%and3A_224], %broadcast_in_dim3A_31 {add = true} : memref<16384xf32, #tpu.memory_space<vmem>>[vector<16xi32>], vector<16xf32>,
      tpu.vector_store_idx %arg4[%shift_right_arithmetic3A_227], %broadcast_in_dim3A_31 {add = true} : memref<16384xf32, #tpu.memory_space<vmem>>[vector<16xi32>], vector<16xf32>,
      %get3A_228 = arith.index_cast %scan3A_211 : i32 to index
      %get3A_229 = arith.constant 32 : index
      %get3A_230 = tpu.vector_load %arg8[%get3A_228, %get3A_229] {strides = array<i32>} : memref<32x256xi32, #tpu.memory_space<vmem>>, vector<16xi32>,
      %and3A_231 = arith.constant 65535 : i32
      %and3A_232 = vector.broadcast %and3A_231 : i32 to vector<16xi32>
      %and3A_233 = arith.andi %get3A_230, %and3A_232 : vector<16xi32>
      %shift_right_arithmetic3A_234 = arith.constant 16 : i32
      %shift_right_arithmetic3A_235 = vector.broadcast %shift_right_arithmetic3A_234 : i32 to vector<16xi32>
      %shift_right_arithmetic3A_236 = arith.shrsi %get3A_230, %shift_right_arithmetic3A_235 : vector<16xi32>
      tpu.vector_store_idx %arg4[%and3A_233], %broadcast_in_dim3A_31 {add = true} : memref<16384xf32, #tpu.memory_space<vmem>>[vector<16xi32>], vector<16xf32>,
      tpu.vector_store_idx %arg4[%shift_right_arithmetic3A_236], %broadcast_in_dim3A_31 {add = true} : memref<16384xf32, #tpu.memory_space<vmem>>[vector<16xi32>], vector<16xf32>,
      %get3A_237 = arith.index_cast %scan3A_211 : i32 to index
      %get3A_238 = arith.constant 48 : index
      %get3A_239 = tpu.vector_load %arg8[%get3A_237, %get3A_238] {strides = array<i32>} : memref<32x256xi32, #tpu.memory_space<vmem>>, vector<16xi32>,
      %and3A_240 = arith.constant 65535 : i32
      %and3A_241 = vector.broadcast %and3A_240 : i32 to vector<16xi32>
      %and3A_242 = arith.andi %get3A_239, %and3A_241 : vector<16xi32>
      %shift_right_arithmetic3A_243 = arith.constant 16 : i32
      %shift_right_arithmetic3A_244 = vector.broadcast %shift_right_arithmetic3A_243 : i32 to vector<16xi32>
      %shift_right_arithmetic3A_245 = arith.shrsi %get3A_239, %shift_right_arithmetic3A_244 : vector<16xi32>
      tpu.vector_store_idx %arg4[%and3A_242], %broadcast_in_dim3A_31 {add = true} : memref<16384xf32, #tpu.memory_space<vmem>>[vector<16xi32>], vector<16xf32>,
      tpu.vector_store_idx %arg4[%shift_right_arithmetic3A_245], %broadcast_in_dim3A_31 {add = true} : memref<16384xf32, #tpu.memory_space<vmem>>[vector<16xi32>], vector<16xf32>,
      %get3A_246 = arith.index_cast %scan3A_211 : i32 to index
      %get3A_247 = arith.constant 64 : index
      %get3A_248 = tpu.vector_load %arg8[%get3A_246, %get3A_247] {strides = array<i32>} : memref<32x256xi32, #tpu.memory_space<vmem>>, vector<16xi32>,
      %and3A_249 = arith.constant 65535 : i32
      %and3A_250 = vector.broadcast %and3A_249 : i32 to vector<16xi32>
      %and3A_251 = arith.andi %get3A_248, %and3A_250 : vector<16xi32>
      %shift_right_arithmetic3A_252 = arith.constant 16 : i32
      %shift_right_arithmetic3A_253 = vector.broadcast %shift_right_arithmetic3A_252 : i32 to vector<16xi32>
      %shift_right_arithmetic3A_254 = arith.shrsi %get3A_248, %shift_right_arithmetic3A_253 : vector<16xi32>
      tpu.vector_store_idx %arg4[%and3A_251], %broadcast_in_dim3A_31 {add = true} : memref<16384xf32, #tpu.memory_space<vmem>>[vector<16xi32>], vector<16xf32>,
      tpu.vector_store_idx %arg4[%shift_right_arithmetic3A_254], %broadcast_in_dim3A_31 {add = true} : memref<16384xf32, #tpu.memory_space<vmem>>[vector<16xi32>], vector<16xf32>,
      %get3A_255 = arith.index_cast %scan3A_211 : i32 to index
      %get3A_256 = arith.constant 80 : index
      %get3A_257 = tpu.vector_load %arg8[%get3A_255, %get3A_256] {strides = array<i32>} : memref<32x256xi32, #tpu.memory_space<vmem>>, vector<16xi32>,
      %and3A_258 = arith.constant 65535 : i32
      %and3A_259 = vector.broadcast %and3A_258 : i32 to vector<16xi32>
      %and3A_260 = arith.andi %get3A_257, %and3A_259 : vector<16xi32>
      %shift_right_arithmetic3A_261 = arith.constant 16 : i32
      %shift_right_arithmetic3A_262 = vector.broadcast %shift_right_arithmetic3A_261 : i32 to vector<16xi32>
      %shift_right_arithmetic3A_263 = arith.shrsi %get3A_257, %shift_right_arithmetic3A_262 : vector<16xi32>
      tpu.vector_store_idx %arg4[%and3A_260], %broadcast_in_dim3A_31 {add = true} : memref<16384xf32, #tpu.memory_space<vmem>>[vector<16xi32>], vector<16xf32>,
      tpu.vector_store_idx %arg4[%shift_right_arithmetic3A_263], %broadcast_in_dim3A_31 {add = true} : memref<16384xf32, #tpu.memory_space<vmem>>[vector<16xi32>], vector<16xf32>,
      %get3A_264 = arith.index_cast %scan3A_211 : i32 to index
      %get3A_265 = arith.constant 96 : index
      %get3A_266 = tpu.vector_load %arg8[%get3A_264, %get3A_265] {strides = array<i32>} : memref<32x256xi32, #tpu.memory_space<vmem>>, vector<16xi32>,
      %and3A_267 = arith.constant 65535 : i32
      %and3A_268 = vector.broadcast %and3A_267 : i32 to vector<16xi32>
      %and3A_269 = arith.andi %get3A_266, %and3A_268 : vector<16xi32>
      %shift_right_arithmetic3A_270 = arith.constant 16 : i32
      %shift_right_arithmetic3A_271 = vector.broadcast %shift_right_arithmetic3A_270 : i32 to vector<16xi32>
      %shift_right_arithmetic3A_272 = arith.shrsi %get3A_266, %shift_right_arithmetic3A_271 : vector<16xi32>
      tpu.vector_store_idx %arg4[%and3A_269], %broadcast_in_dim3A_31 {add = true} : memref<16384xf32, #tpu.memory_space<vmem>>[vector<16xi32>], vector<16xf32>,
      tpu.vector_store_idx %arg4[%shift_right_arithmetic3A_272], %broadcast_in_dim3A_31 {add = true} : memref<16384xf32, #tpu.memory_space<vmem>>[vector<16xi32>], vector<16xf32>,
      %get3A_273 = arith.index_cast %scan3A_211 : i32 to index
      %get3A_274 = arith.constant 112 : index
      %get3A_275 = tpu.vector_load %arg8[%get3A_273, %get3A_274] {strides = array<i32>} : memref<32x256xi32, #tpu.memory_space<vmem>>, vector<16xi32>,
      %and3A_276 = arith.constant 65535 : i32
      %and3A_277 = vector.broadcast %and3A_276 : i32 to vector<16xi32>
      %and3A_278 = arith.andi %get3A_275, %and3A_277 : vector<16xi32>
      %shift_right_arithmetic3A_279 = arith.constant 16 : i32
      %shift_right_arithmetic3A_280 = vector.broadcast %shift_right_arithmetic3A_279 : i32 to vector<16xi32>
      %shift_right_arithmetic3A_281 = arith.shrsi %get3A_275, %shift_right_arithmetic3A_280 : vector<16xi32>
      tpu.vector_store_idx %arg4[%and3A_278], %broadcast_in_dim3A_31 {add = true} : memref<16384xf32, #tpu.memory_space<vmem>>[vector<16xi32>], vector<16xf32>,
      tpu.vector_store_idx %arg4[%shift_right_arithmetic3A_281], %broadcast_in_dim3A_31 {add = true} : memref<16384xf32, #tpu.memory_space<vmem>>[vector<16xi32>], vector<16xf32>,
      %get3A_282 = arith.index_cast %scan3A_211 : i32 to index
      %get3A_283 = arith.constant 128 : index
      %get3A_284 = tpu.vector_load %arg8[%get3A_282, %get3A_283] {strides = array<i32>} : memref<32x256xi32, #tpu.memory_space<vmem>>, vector<16xi32>,
      %and3A_285 = arith.constant 65535 : i32
      %and3A_286 = vector.broadcast %and3A_285 : i32 to vector<16xi32>
      %and3A_287 = arith.andi %get3A_284, %and3A_286 : vector<16xi32>
      %shift_right_arithmetic3A_288 = arith.constant 16 : i32
      %shift_right_arithmetic3A_289 = vector.broadcast %shift_right_arithmetic3A_288 : i32 to vector<16xi32>
      %shift_right_arithmetic3A_290 = arith.shrsi %get3A_284, %shift_right_arithmetic3A_289 : vector<16xi32>
      tpu.vector_store_idx %arg4[%and3A_287], %broadcast_in_dim3A_31 {add = true} : memref<16384xf32, #tpu.memory_space<vmem>>[vector<16xi32>], vector<16xf32>,
      tpu.vector_store_idx %arg4[%shift_right_arithmetic3A_290], %broadcast_in_dim3A_31 {add = true} : memref<16384xf32, #tpu.memory_space<vmem>>[vector<16xi32>], vector<16xf32>,
      %get3A_291 = arith.index_cast %scan3A_211 : i32 to index
      %get3A_292 = arith.constant 144 : index
      %get3A_293 = tpu.vector_load %arg8[%get3A_291, %get3A_292] {strides = array<i32>} : memref<32x256xi32, #tpu.memory_space<vmem>>, vector<16xi32>,
      %and3A_294 = arith.constant 65535 : i32
      %and3A_295 = vector.broadcast %and3A_294 : i32 to vector<16xi32>
      %and3A_296 = arith.andi %get3A_293, %and3A_295 : vector<16xi32>
      %shift_right_arithmetic3A_297 = arith.constant 16 : i32
      %shift_right_arithmetic3A_298 = vector.broadcast %shift_right_arithmetic3A_297 : i32 to vector<16xi32>
      %shift_right_arithmetic3A_299 = arith.shrsi %get3A_293, %shift_right_arithmetic3A_298 : vector<16xi32>
      tpu.vector_store_idx %arg4[%and3A_296], %broadcast_in_dim3A_31 {add = true} : memref<16384xf32, #tpu.memory_space<vmem>>[vector<16xi32>], vector<16xf32>,
      tpu.vector_store_idx %arg4[%shift_right_arithmetic3A_299], %broadcast_in_dim3A_31 {add = true} : memref<16384xf32, #tpu.memory_space<vmem>>[vector<16xi32>], vector<16xf32>,
      %get3A_300 = arith.index_cast %scan3A_211 : i32 to index
      %get3A_301 = arith.constant 160 : index
      %get3A_302 = tpu.vector_load %arg8[%get3A_300, %get3A_301] {strides = array<i32>} : memref<32x256xi32, #tpu.memory_space<vmem>>, vector<16xi32>,
      %and3A_303 = arith.constant 65535 : i32
      %and3A_304 = vector.broadcast %and3A_303 : i32 to vector<16xi32>
      %and3A_305 = arith.andi %get3A_302, %and3A_304 : vector<16xi32>
      %shift_right_arithmetic3A_306 = arith.constant 16 : i32
      %shift_right_arithmetic3A_307 = vector.broadcast %shift_right_arithmetic3A_306 : i32 to vector<16xi32>
      %shift_right_arithmetic3A_308 = arith.shrsi %get3A_302, %shift_right_arithmetic3A_307 : vector<16xi32>
      tpu.vector_store_idx %arg4[%and3A_305], %broadcast_in_dim3A_31 {add = true} : memref<16384xf32, #tpu.memory_space<vmem>>[vector<16xi32>], vector<16xf32>,
      tpu.vector_store_idx %arg4[%shift_right_arithmetic3A_308], %broadcast_in_dim3A_31 {add = true} : memref<16384xf32, #tpu.memory_space<vmem>>[vector<16xi32>], vector<16xf32>,
      %get3A_309 = arith.index_cast %scan3A_211 : i32 to index
      %get3A_310 = arith.constant 176 : index
      %get3A_311 = tpu.vector_load %arg8[%get3A_309, %get3A_310] {strides = array<i32>} : memref<32x256xi32, #tpu.memory_space<vmem>>, vector<16xi32>,
      %and3A_312 = arith.constant 65535 : i32
      %and3A_313 = vector.broadcast %and3A_312 : i32 to vector<16xi32>
      %and3A_314 = arith.andi %get3A_311, %and3A_313 : vector<16xi32>
      %shift_right_arithmetic3A_315 = arith.constant 16 : i32
      %shift_right_arithmetic3A_316 = vector.broadcast %shift_right_arithmetic3A_315 : i32 to vector<16xi32>
      %shift_right_arithmetic3A_317 = arith.shrsi %get3A_311, %shift_right_arithmetic3A_316 : vector<16xi32>
      tpu.vector_store_idx %arg4[%and3A_314], %broadcast_in_dim3A_31 {add = true} : memref<16384xf32, #tpu.memory_space<vmem>>[vector<16xi32>], vector<16xf32>,
      tpu.vector_store_idx %arg4[%shift_right_arithmetic3A_317], %broadcast_in_dim3A_31 {add = true} : memref<16384xf32, #tpu.memory_space<vmem>>[vector<16xi32>], vector<16xf32>,
      %get3A_318 = arith.index_cast %scan3A_211 : i32 to index
      %get3A_319 = arith.constant 192 : index
      %get3A_320 = tpu.vector_load %arg8[%get3A_318, %get3A_319] {strides = array<i32>} : memref<32x256xi32, #tpu.memory_space<vmem>>, vector<16xi32>,
      %and3A_321 = arith.constant 65535 : i32
      %and3A_322 = vector.broadcast %and3A_321 : i32 to vector<16xi32>
      %and3A_323 = arith.andi %get3A_320, %and3A_322 : vector<16xi32>
      %shift_right_arithmetic3A_324 = arith.constant 16 : i32
      %shift_right_arithmetic3A_325 = vector.broadcast %shift_right_arithmetic3A_324 : i32 to vector<16xi32>
      %shift_right_arithmetic3A_326 = arith.shrsi %get3A_320, %shift_right_arithmetic3A_325 : vector<16xi32>
      tpu.vector_store_idx %arg4[%and3A_323], %broadcast_in_dim3A_31 {add = true} : memref<16384xf32, #tpu.memory_space<vmem>>[vector<16xi32>], vector<16xf32>,
      tpu.vector_store_idx %arg4[%shift_right_arithmetic3A_326], %broadcast_in_dim3A_31 {add = true} : memref<16384xf32, #tpu.memory_space<vmem>>[vector<16xi32>], vector<16xf32>,
      %get3A_327 = arith.index_cast %scan3A_211 : i32 to index
      %get3A_328 = arith.constant 208 : index
      %get3A_329 = tpu.vector_load %arg8[%get3A_327, %get3A_328] {strides = array<i32>} : memref<32x256xi32, #tpu.memory_space<vmem>>, vector<16xi32>,
      %and3A_330 = arith.constant 65535 : i32
      %and3A_331 = vector.broadcast %and3A_330 : i32 to vector<16xi32>
      %and3A_332 = arith.andi %get3A_329, %and3A_331 : vector<16xi32>
      %shift_right_arithmetic3A_333 = arith.constant 16 : i32
      %shift_right_arithmetic3A_334 = vector.broadcast %shift_right_arithmetic3A_333 : i32 to vector<16xi32>
      %shift_right_arithmetic3A_335 = arith.shrsi %get3A_329, %shift_right_arithmetic3A_334 : vector<16xi32>
      tpu.vector_store_idx %arg4[%and3A_332], %broadcast_in_dim3A_31 {add = true} : memref<16384xf32, #tpu.memory_space<vmem>>[vector<16xi32>], vector<16xf32>,
      tpu.vector_store_idx %arg4[%shift_right_arithmetic3A_335], %broadcast_in_dim3A_31 {add = true} : memref<16384xf32, #tpu.memory_space<vmem>>[vector<16xi32>], vector<16xf32>,
      %get3A_336 = arith.index_cast %scan3A_211 : i32 to index
      %get3A_337 = arith.constant 224 : index
      %get3A_338 = tpu.vector_load %arg8[%get3A_336, %get3A_337] {strides = array<i32>} : memref<32x256xi32, #tpu.memory_space<vmem>>, vector<16xi32>,
      %and3A_339 = arith.constant 65535 : i32
      %and3A_340 = vector.broadcast %and3A_339 : i32 to vector<16xi32>
      %and3A_341 = arith.andi %get3A_338, %and3A_340 : vector<16xi32>
      %shift_right_arithmetic3A_342 = arith.constant 16 : i32
      %shift_right_arithmetic3A_343 = vector.broadcast %shift_right_arithmetic3A_342 : i32 to vector<16xi32>
      %shift_right_arithmetic3A_344 = arith.shrsi %get3A_338, %shift_right_arithmetic3A_343 : vector<16xi32>
      tpu.vector_store_idx %arg4[%and3A_341], %broadcast_in_dim3A_31 {add = true} : memref<16384xf32, #tpu.memory_space<vmem>>[vector<16xi32>], vector<16xf32>,
      tpu.vector_store_idx %arg4[%shift_right_arithmetic3A_344], %broadcast_in_dim3A_31 {add = true} : memref<16384xf32, #tpu.memory_space<vmem>>[vector<16xi32>], vector<16xf32>,
      %get3A_345 = arith.index_cast %scan3A_211 : i32 to index
      %get3A_346 = arith.constant 240 : index
      %get3A_347 = tpu.vector_load %arg8[%get3A_345, %get3A_346] {strides = array<i32>} : memref<32x256xi32, #tpu.memory_space<vmem>>, vector<16xi32>,
      %and3A_348 = arith.constant 65535 : i32
      %and3A_349 = vector.broadcast %and3A_348 : i32 to vector<16xi32>
      %and3A_350 = arith.andi %get3A_347, %and3A_349 : vector<16xi32>
      %shift_right_arithmetic3A_351 = arith.constant 16 : i32
      %shift_right_arithmetic3A_352 = vector.broadcast %shift_right_arithmetic3A_351 : i32 to vector<16xi32>
      %shift_right_arithmetic3A_353 = arith.shrsi %get3A_347, %shift_right_arithmetic3A_352 : vector<16xi32>
      tpu.vector_store_idx %arg4[%and3A_350], %broadcast_in_dim3A_31 {add = true} : memref<16384xf32, #tpu.memory_space<vmem>>[vector<16xi32>], vector<16xf32>,
      tpu.vector_store_idx %arg4[%shift_right_arithmetic3A_353], %broadcast_in_dim3A_31 {add = true} : memref<16384xf32, #tpu.memory_space<vmem>>[vector<16xi32>], vector<16xf32>,
    }
    %scan3A_210 = arith.constant 32 : i32
    "tpu.region"() ({
      %run_scoped3A = tpu.sem_alloc : memref<!tpu.dma_semaphore, #tpu.memory_space<semaphore_mem>>
      %dma_start3A_211 = arith.constant 0 : i32
      %dma_start3A_212 = tpu.memref_slice %arg3[%add3A, %dma_start3A_211] : memref<32x16384xf32, #tpu.memory_space<hbm>> -> memref<1x16384xf32, #tpu.memory_space<hbm>>
      %dma_start3A_213 = tpu.memref_squeeze %dma_start3A_212 : memref<1x16384xf32, #tpu.memory_space<hbm>> -> memref<16384xf32, #tpu.memory_space<hbm>>
      %dma_start3A_214 = arith.constant 0 : i32
      %dma_start3A_215 = tpu.memref_slice %arg3[%add3A, %dma_start3A_214] : memref<32x16384xf32, #tpu.memory_space<hbm>> -> memref<1x16384xf32, #tpu.memory_space<hbm>>
      %dma_start3A_216 = tpu.memref_squeeze %dma_start3A_215 : memref<1x16384xf32, #tpu.memory_space<hbm>> -> memref<16384xf32, #tpu.memory_space<hbm>>
      tpu.enqueue_dma source(%arg4 : memref<16384xf32, #tpu.memory_space<vmem>>) target(%dma_start3A_216 : memref<16384xf32, #tpu.memory_space<hbm>>) target_semaphore(%run_scoped3A : memref<!tpu.dma_semaphore, #tpu.memory_space<semaphore_mem>>)
      %dma_wait3A_217 = arith.constant 0 : i32
      %dma_wait3A_218 = tpu.memref_slice %arg3[%add3A, %dma_wait3A_217] : memref<32x16384xf32, #tpu.memory_space<hbm>> -> memref<1x16384xf32, #tpu.memory_space<hbm>>
      %dma_wait3A_219 = tpu.memref_squeeze %dma_wait3A_218 : memref<1x16384xf32, #tpu.memory_space<hbm>> -> memref<16384xf32, #tpu.memory_space<hbm>>
      %dma_wait3A_220 = arith.constant 0 : i32
      %dma_wait3A_221 = tpu.memref_slice %arg3[%add3A, %dma_wait3A_220] : memref<32x16384xf32, #tpu.memory_space<hbm>> -> memref<1x16384xf32, #tpu.memory_space<hbm>>
      %dma_wait3A_222 = tpu.memref_squeeze %dma_wait3A_221 : memref<1x16384xf32, #tpu.memory_space<hbm>> -> memref<16384xf32, #tpu.memory_space<hbm>>
      tpu.wait_dma2 semaphore(%run_scoped3A : memref<!tpu.dma_semaphore, #tpu.memory_space<semaphore_mem>>) src(%arg4 : memref<16384xf32, #tpu.memory_space<vmem>>) dst(%dma_wait3A_222 : memref<16384xf32, #tpu.memory_space<hbm>>)
      tpu.yield
    }) : () -> ()
    return
  }
}

module attributes {stable_mosaic.version = 14 : i64} {
  func.func @_tc_finalize_body(%arg0: memref<32x128x128xf32, #tpu.memory_space<vmem>>, %arg1: memref<1x1xf32, #tpu.memory_space<vmem>>) attributes {dimension_semantics = [], scalar_prefetch = 0 : i64, scratch_operands = 0 : i64, tpu.core_type = #tpu.core_type<tc>} {
    %get3A = arith.constant 0 : index
    %get3A_0 = arith.constant 0 : index
    %get3A_1 = arith.constant 0 : index
    %get3A_2 = vector.load %arg0[%get3A, %get3A_0, %get3A_1] : memref<32x128x128xf32, #tpu.memory_space<vmem>>, vector<32x128x128xf32>
    %reduce_sum3A = arith.constant dense<0.000000e+00> : vector<128x128xf32>
    %reduce_sum3A_3 = vector.multi_reduction <add>, %get3A_2, %reduce_sum3A [0] : vector<32x128x128xf32> to vector<128x128xf32>
    %slice3A = vector.extract_strided_slice %reduce_sum3A_3 {offsets = [0, 1], sizes = [128, 127], strides = [1, 1]} : vector<128x128xf32> to vector<128x127xf32>
    %broadcast_in_dim3A = arith.constant 0.000000e+00 : f32
    %broadcast_in_dim3A_4 = vector.broadcast %broadcast_in_dim3A : f32 to vector<128x1xf32>
    %concatenate3A = tpu.concatenate %slice3A, %broadcast_in_dim3A_4 in 1 : vector<128x127xf32>, vector<128x1xf32> -> vector<128x128xf32>
    %add3A = arith.addf %reduce_sum3A_3, %concatenate3A : vector<128x128xf32>
    %slice3A_5 = vector.extract_strided_slice %add3A {offsets = [0, 2], sizes = [128, 126], strides = [1, 1]} : vector<128x128xf32> to vector<128x126xf32>
    %broadcast_in_dim3A_6 = arith.constant 0.000000e+00 : f32
    %broadcast_in_dim3A_7 = vector.broadcast %broadcast_in_dim3A_6 : f32 to vector<128x2xf32>
    %concatenate3A_8 = tpu.concatenate %slice3A_5, %broadcast_in_dim3A_7 in 1 : vector<128x126xf32>, vector<128x2xf32> -> vector<128x128xf32>
    %add3A_9 = arith.addf %add3A, %concatenate3A_8 : vector<128x128xf32>
    %slice3A_10 = vector.extract_strided_slice %add3A_9 {offsets = [0, 4], sizes = [128, 124], strides = [1, 1]} : vector<128x128xf32> to vector<128x124xf32>
    %broadcast_in_dim3A_11 = arith.constant 0.000000e+00 : f32
    %broadcast_in_dim3A_12 = vector.broadcast %broadcast_in_dim3A_11 : f32 to vector<128x4xf32>
    %concatenate3A_13 = tpu.concatenate %slice3A_10, %broadcast_in_dim3A_12 in 1 : vector<128x124xf32>, vector<128x4xf32> -> vector<128x128xf32>
    %add3A_14 = arith.addf %add3A_9, %concatenate3A_13 : vector<128x128xf32>
    %slice3A_15 = vector.extract_strided_slice %add3A_14 {offsets = [0, 8], sizes = [128, 120], strides = [1, 1]} : vector<128x128xf32> to vector<128x120xf32>
    %broadcast_in_dim3A_16 = arith.constant 0.000000e+00 : f32
    %broadcast_in_dim3A_17 = vector.broadcast %broadcast_in_dim3A_16 : f32 to vector<128x8xf32>
    %concatenate3A_18 = tpu.concatenate %slice3A_15, %broadcast_in_dim3A_17 in 1 : vector<128x120xf32>, vector<128x8xf32> -> vector<128x128xf32>
    %add3A_19 = arith.addf %add3A_14, %concatenate3A_18 : vector<128x128xf32>
    %iota3A = tpu.iota {dimensions = array<i32: 0>} : vector<128x128xi32>
    %iota3A_20 = tpu.iota {dimensions = array<i32: 1>} : vector<128x128xi32>
    %jit3A = arith.constant 16 : i32
    %eq3A = arith.constant 0 : i32
    %eq3A_21 = arith.cmpi eq, %jit3A, %eq3A : i32
    %jit3A_22 = arith.constant 1 : i32
    %select_n3A = arith.select %eq3A_21, %jit3A_22, %jit3A : i32
    %rem3A = vector.broadcast %select_n3A : i32 to vector<128x128xi32>
    %rem3A_23 = arith.remsi %iota3A_20, %rem3A : vector<128x128xi32>
    %ne3A = arith.constant 0 : i32
    %ne3A_24 = vector.broadcast %ne3A : i32 to vector<128x128xi32>
    %ne3A_25 = arith.cmpi ne, %rem3A_23, %ne3A_24 : vector<128x128xi32>
    %lt3A = arith.constant 0 : i32
    %lt3A_26 = vector.broadcast %lt3A : i32 to vector<128x128xi32>
    %lt3A_27 = arith.cmpi slt, %rem3A_23, %lt3A_26 : vector<128x128xi32>
    %lt3A_28 = arith.constant 0 : i32
    %lt3A_29 = arith.cmpi slt, %select_n3A, %lt3A_28 : i32
    %ne3A_30 = vector.broadcast %lt3A_29 : i1 to vector<128x128xi1>
    %ne3A_31 = vector.broadcast %ne3A_30 : vector<128x128xi1> to vector<128x128xi1>
    %ne3A_32 = arith.xori %lt3A_27, %ne3A_31 : vector<128x128xi1>
    %and3A = arith.andi %ne3A_32, %ne3A_25 : vector<128x128xi1>
    %add3A_33 = vector.broadcast %select_n3A : i32 to vector<128x128xi32>
    %add3A_34 = arith.addi %rem3A_23, %add3A_33 : vector<128x128xi32>
    %select_n3A_35 = arith.select %and3A, %add3A_34, %rem3A_23 : vector<128x128xi1>, vector<128x128xi32>
    %eq3A_36 = arith.constant 0 : i32
    %eq3A_37 = vector.broadcast %eq3A_36 : i32 to vector<128x128xi32>
    %eq3A_38 = arith.cmpi eq, %select_n3A_35, %eq3A_37 : vector<128x128xi32>
    %jit3A_39 = arith.constant 0.000000e+00 : f32
    %broadcast_in_dim3A_40 = vector.broadcast %jit3A_39 : f32 to vector<128x128xf32>
    %select_n3A_41 = arith.select %eq3A_38, %add3A_19, %broadcast_in_dim3A_40 : vector<128x128xi1>, vector<128x128xf32>
    %lt3A_42 = arith.constant 64 : i32
    %lt3A_43 = vector.broadcast %lt3A_42 : i32 to vector<128x128xi32>
    %lt3A_44 = arith.cmpi slt, %iota3A, %lt3A_43 : vector<128x128xi32>
    %jit3A_45 = arith.constant 0.000000e+00 : f32
    %broadcast_in_dim3A_46 = vector.broadcast %jit3A_45 : f32 to vector<128x128xf32>
    %select_n3A_47 = arith.select %lt3A_44, %select_n3A_41, %broadcast_in_dim3A_46 : vector<128x128xi1>, vector<128x128xf32>
    %jit3A_48 = arith.constant 0.000000e+00 : f32
    %broadcast_in_dim3A_49 = vector.broadcast %jit3A_48 : f32 to vector<128x128xf32>
    %select_n3A_50 = arith.select %lt3A_44, %broadcast_in_dim3A_49, %select_n3A_41 : vector<128x128xi1>, vector<128x128xf32>
    %reduce_sum3A_51 = vector.shape_cast %select_n3A_47 : vector<128x128xf32> to vector<1x128x128xf32>
    %reduce_sum3A_52 = arith.constant dense<0.000000e+00> : vector<1xf32>
    %reduce_sum3A_53 = vector.multi_reduction <add>, %reduce_sum3A_51, %reduce_sum3A_52 [1, 2] : vector<1x128x128xf32> to vector<1xf32>
    %reduce_sum3A_54 = vector.shape_cast %reduce_sum3A_53 : vector<1xf32> to vector<1x1x1xf32>
    %reduce_sum3A_55 = vector.extract %reduce_sum3A_54[0, 0, 0] : f32 from vector<1x1x1xf32>
    %reduce_sum3A_56 = vector.shape_cast %select_n3A_50 : vector<128x128xf32> to vector<1x128x128xf32>
    %reduce_sum3A_57 = arith.constant dense<0.000000e+00> : vector<1xf32>
    %reduce_sum3A_58 = vector.multi_reduction <add>, %reduce_sum3A_56, %reduce_sum3A_57 [1, 2] : vector<1x128x128xf32> to vector<1xf32>
    %reduce_sum3A_59 = vector.shape_cast %reduce_sum3A_58 : vector<1xf32> to vector<1x1x1xf32>
    %reduce_sum3A_60 = vector.extract %reduce_sum3A_59[0, 0, 0] : f32 from vector<1x1x1xf32>
    %add3A_61 = arith.addf %reduce_sum3A_55, %reduce_sum3A_60 : f32
    %broadcast_in_dim3A_62 = arith.constant 0.000000e+00 : f32
    %broadcast_in_dim3A_63 = vector.broadcast %broadcast_in_dim3A_62 : f32 to vector<128x1xf32>
    %slice3A_64 = vector.extract_strided_slice %select_n3A_47 {offsets = [0, 0], sizes = [128, 127], strides = [1, 1]} : vector<128x128xf32> to vector<128x127xf32>
    %concatenate3A_65 = tpu.concatenate %broadcast_in_dim3A_63, %slice3A_64 in 1 : vector<128x1xf32>, vector<128x127xf32> -> vector<128x128xf32>
    %add3A_66 = arith.addf %select_n3A_47, %concatenate3A_65 : vector<128x128xf32>
    %broadcast_in_dim3A_67 = arith.constant 0.000000e+00 : f32
    %broadcast_in_dim3A_68 = vector.broadcast %broadcast_in_dim3A_67 : f32 to vector<128x2xf32>
    %slice3A_69 = vector.extract_strided_slice %add3A_66 {offsets = [0, 0], sizes = [128, 126], strides = [1, 1]} : vector<128x128xf32> to vector<128x126xf32>
    %concatenate3A_70 = tpu.concatenate %broadcast_in_dim3A_68, %slice3A_69 in 1 : vector<128x2xf32>, vector<128x126xf32> -> vector<128x128xf32>
    %add3A_71 = arith.addf %add3A_66, %concatenate3A_70 : vector<128x128xf32>
    %broadcast_in_dim3A_72 = arith.constant 0.000000e+00 : f32
    %broadcast_in_dim3A_73 = vector.broadcast %broadcast_in_dim3A_72 : f32 to vector<128x4xf32>
    %slice3A_74 = vector.extract_strided_slice %add3A_71 {offsets = [0, 0], sizes = [128, 124], strides = [1, 1]} : vector<128x128xf32> to vector<128x124xf32>
    %concatenate3A_75 = tpu.concatenate %broadcast_in_dim3A_73, %slice3A_74 in 1 : vector<128x4xf32>, vector<128x124xf32> -> vector<128x128xf32>
    %add3A_76 = arith.addf %add3A_71, %concatenate3A_75 : vector<128x128xf32>
    %broadcast_in_dim3A_77 = arith.constant 0.000000e+00 : f32
    %broadcast_in_dim3A_78 = vector.broadcast %broadcast_in_dim3A_77 : f32 to vector<128x8xf32>
    %slice3A_79 = vector.extract_strided_slice %add3A_76 {offsets = [0, 0], sizes = [128, 120], strides = [1, 1]} : vector<128x128xf32> to vector<128x120xf32>
    %concatenate3A_80 = tpu.concatenate %broadcast_in_dim3A_78, %slice3A_79 in 1 : vector<128x8xf32>, vector<128x120xf32> -> vector<128x128xf32>
    %add3A_81 = arith.addf %add3A_76, %concatenate3A_80 : vector<128x128xf32>
    %broadcast_in_dim3A_82 = arith.constant 0.000000e+00 : f32
    %broadcast_in_dim3A_83 = vector.broadcast %broadcast_in_dim3A_82 : f32 to vector<128x16xf32>
    %slice3A_84 = vector.extract_strided_slice %add3A_81 {offsets = [0, 0], sizes = [128, 112], strides = [1, 1]} : vector<128x128xf32> to vector<128x112xf32>
    %concatenate3A_85 = tpu.concatenate %broadcast_in_dim3A_83, %slice3A_84 in 1 : vector<128x16xf32>, vector<128x112xf32> -> vector<128x128xf32>
    %add3A_86 = arith.addf %add3A_81, %concatenate3A_85 : vector<128x128xf32>
    %broadcast_in_dim3A_87 = arith.constant 0.000000e+00 : f32
    %broadcast_in_dim3A_88 = vector.broadcast %broadcast_in_dim3A_87 : f32 to vector<128x32xf32>
    %slice3A_89 = vector.extract_strided_slice %add3A_86 {offsets = [0, 0], sizes = [128, 96], strides = [1, 1]} : vector<128x128xf32> to vector<128x96xf32>
    %concatenate3A_90 = tpu.concatenate %broadcast_in_dim3A_88, %slice3A_89 in 1 : vector<128x32xf32>, vector<128x96xf32> -> vector<128x128xf32>
    %add3A_91 = arith.addf %add3A_86, %concatenate3A_90 : vector<128x128xf32>
    %broadcast_in_dim3A_92 = arith.constant 0.000000e+00 : f32
    %broadcast_in_dim3A_93 = vector.broadcast %broadcast_in_dim3A_92 : f32 to vector<128x64xf32>
    %slice3A_94 = vector.extract_strided_slice %add3A_91 {offsets = [0, 0], sizes = [128, 64], strides = [1, 1]} : vector<128x128xf32> to vector<128x64xf32>
    %concatenate3A_95 = tpu.concatenate %broadcast_in_dim3A_93, %slice3A_94 in 1 : vector<128x64xf32>, vector<128x64xf32> -> vector<128x128xf32>
    %add3A_96 = arith.addf %add3A_91, %concatenate3A_95 : vector<128x128xf32>
    %slice3A_97 = vector.extract_strided_slice %add3A_96 {offsets = [0, 127], sizes = [128, 1], strides = [1, 1]} : vector<128x128xf32> to vector<128x1xf32>
    %broadcast_in_dim3A_98 = arith.constant 0.000000e+00 : f32
    %broadcast_in_dim3A_99 = vector.broadcast %broadcast_in_dim3A_98 : f32 to vector<1x1xf32>
    %slice3A_100 = vector.extract_strided_slice %slice3A_97 {offsets = [0, 0], sizes = [127, 1], strides = [1, 1]} : vector<128x1xf32> to vector<127x1xf32>
    %concatenate3A_101 = tpu.concatenate %broadcast_in_dim3A_99, %slice3A_100 in 0 : vector<1x1xf32>, vector<127x1xf32> -> vector<128x1xf32>
    %add3A_102 = arith.addf %slice3A_97, %concatenate3A_101 : vector<128x1xf32>
    %broadcast_in_dim3A_103 = arith.constant 0.000000e+00 : f32
    %broadcast_in_dim3A_104 = vector.broadcast %broadcast_in_dim3A_103 : f32 to vector<2x1xf32>
    %slice3A_105 = vector.extract_strided_slice %add3A_102 {offsets = [0, 0], sizes = [126, 1], strides = [1, 1]} : vector<128x1xf32> to vector<126x1xf32>
    %concatenate3A_106 = tpu.concatenate %broadcast_in_dim3A_104, %slice3A_105 in 0 : vector<2x1xf32>, vector<126x1xf32> -> vector<128x1xf32>
    %add3A_107 = arith.addf %add3A_102, %concatenate3A_106 : vector<128x1xf32>
    %broadcast_in_dim3A_108 = arith.constant 0.000000e+00 : f32
    %broadcast_in_dim3A_109 = vector.broadcast %broadcast_in_dim3A_108 : f32 to vector<4x1xf32>
    %slice3A_110 = vector.extract_strided_slice %add3A_107 {offsets = [0, 0], sizes = [124, 1], strides = [1, 1]} : vector<128x1xf32> to vector<124x1xf32>
    %concatenate3A_111 = tpu.concatenate %broadcast_in_dim3A_109, %slice3A_110 in 0 : vector<4x1xf32>, vector<124x1xf32> -> vector<128x1xf32>
    %add3A_112 = arith.addf %add3A_107, %concatenate3A_111 : vector<128x1xf32>
    %broadcast_in_dim3A_113 = arith.constant 0.000000e+00 : f32
    %broadcast_in_dim3A_114 = vector.broadcast %broadcast_in_dim3A_113 : f32 to vector<8x1xf32>
    %slice3A_115 = vector.extract_strided_slice %add3A_112 {offsets = [0, 0], sizes = [120, 1], strides = [1, 1]} : vector<128x1xf32> to vector<120x1xf32>
    %concatenate3A_116 = tpu.concatenate %broadcast_in_dim3A_114, %slice3A_115 in 0 : vector<8x1xf32>, vector<120x1xf32> -> vector<128x1xf32>
    %add3A_117 = arith.addf %add3A_112, %concatenate3A_116 : vector<128x1xf32>
    %broadcast_in_dim3A_118 = arith.constant 0.000000e+00 : f32
    %broadcast_in_dim3A_119 = vector.broadcast %broadcast_in_dim3A_118 : f32 to vector<16x1xf32>
    %slice3A_120 = vector.extract_strided_slice %add3A_117 {offsets = [0, 0], sizes = [112, 1], strides = [1, 1]} : vector<128x1xf32> to vector<112x1xf32>
    %concatenate3A_121 = tpu.concatenate %broadcast_in_dim3A_119, %slice3A_120 in 0 : vector<16x1xf32>, vector<112x1xf32> -> vector<128x1xf32>
    %add3A_122 = arith.addf %add3A_117, %concatenate3A_121 : vector<128x1xf32>
    %broadcast_in_dim3A_123 = arith.constant 0.000000e+00 : f32
    %broadcast_in_dim3A_124 = vector.broadcast %broadcast_in_dim3A_123 : f32 to vector<32x1xf32>
    %slice3A_125 = vector.extract_strided_slice %add3A_122 {offsets = [0, 0], sizes = [96, 1], strides = [1, 1]} : vector<128x1xf32> to vector<96x1xf32>
    %concatenate3A_126 = tpu.concatenate %broadcast_in_dim3A_124, %slice3A_125 in 0 : vector<32x1xf32>, vector<96x1xf32> -> vector<128x1xf32>
    %add3A_127 = arith.addf %add3A_122, %concatenate3A_126 : vector<128x1xf32>
    %broadcast_in_dim3A_128 = arith.constant 0.000000e+00 : f32
    %broadcast_in_dim3A_129 = vector.broadcast %broadcast_in_dim3A_128 : f32 to vector<64x1xf32>
    %slice3A_130 = vector.extract_strided_slice %add3A_127 {offsets = [0, 0], sizes = [64, 1], strides = [1, 1]} : vector<128x1xf32> to vector<64x1xf32>
    %concatenate3A_131 = tpu.concatenate %broadcast_in_dim3A_129, %slice3A_130 in 0 : vector<64x1xf32>, vector<64x1xf32> -> vector<128x1xf32>
    %add3A_132 = arith.addf %add3A_127, %concatenate3A_131 : vector<128x1xf32>
    %sub3A = arith.subf %add3A_132, %slice3A_97 : vector<128x1xf32>
    %add3A_133 = vector.broadcast %sub3A : vector<128x1xf32> to vector<128x128xf32>
    %add3A_134 = arith.addf %add3A_96, %add3A_133 : vector<128x128xf32>
    %sub3A_135 = vector.broadcast %reduce_sum3A_55 : f32 to vector<128x128xf32>
    %sub3A_136 = arith.subf %sub3A_135, %add3A_134 : vector<128x128xf32>
    %add3A_137 = arith.addf %sub3A_136, %select_n3A_47 : vector<128x128xf32>
    %jit3A_138 = arith.constant 64 : i32
    %eq3A_139 = arith.constant 0 : i32
    %eq3A_140 = arith.cmpi eq, %jit3A_138, %eq3A_139 : i32
    %jit3A_141 = arith.constant 1 : i32
    %select_n3A_142 = arith.select %eq3A_140, %jit3A_141, %jit3A_138 : i32
    %rem3A_143 = vector.broadcast %select_n3A_142 : i32 to vector<128x128xi32>
    %rem3A_144 = arith.remsi %iota3A, %rem3A_143 : vector<128x128xi32>
    %ne3A_145 = arith.constant 0 : i32
    %ne3A_146 = vector.broadcast %ne3A_145 : i32 to vector<128x128xi32>
    %ne3A_147 = arith.cmpi ne, %rem3A_144, %ne3A_146 : vector<128x128xi32>
    %lt3A_148 = arith.constant 0 : i32
    %lt3A_149 = vector.broadcast %lt3A_148 : i32 to vector<128x128xi32>
    %lt3A_150 = arith.cmpi slt, %rem3A_144, %lt3A_149 : vector<128x128xi32>
    %lt3A_151 = arith.constant 0 : i32
    %lt3A_152 = arith.cmpi slt, %select_n3A_142, %lt3A_151 : i32
    %ne3A_153 = vector.broadcast %lt3A_152 : i1 to vector<128x128xi1>
    %ne3A_154 = vector.broadcast %ne3A_153 : vector<128x128xi1> to vector<128x128xi1>
    %ne3A_155 = arith.xori %lt3A_150, %ne3A_154 : vector<128x128xi1>
    %and3A_156 = arith.andi %ne3A_155, %ne3A_147 : vector<128x128xi1>
    %add3A_157 = vector.broadcast %select_n3A_142 : i32 to vector<128x128xi32>
    %add3A_158 = arith.addi %rem3A_144, %add3A_157 : vector<128x128xi32>
    %select_n3A_159 = arith.select %and3A_156, %add3A_158, %rem3A_144 : vector<128x128xi1>, vector<128x128xi32>
    %mul3A = arith.constant 8 : i32
    %mul3A_160 = vector.broadcast %mul3A : i32 to vector<128x128xi32>
    %mul3A_161 = arith.muli %select_n3A_159, %mul3A_160 : vector<128x128xi32>
    %jit3A_162 = arith.constant 16 : i32
    %div3A = vector.broadcast %jit3A_162 : i32 to vector<128x128xi32>
    %div3A_163 = arith.divsi %iota3A_20, %div3A : vector<128x128xi32>
    %sign3A = arith.constant 0 : i32
    %sign3A_164 = vector.broadcast %sign3A : i32 to vector<128x128xi32>
    %sign3A_165 = arith.cmpi sgt, %iota3A_20, %sign3A_164 : vector<128x128xi32>
    %sign3A_166 = arith.extui %sign3A_165 : vector<128x128xi1> to vector<128x128xi32>
    %sign3A_167 = arith.constant 0 : i32
    %sign3A_168 = vector.broadcast %sign3A_167 : i32 to vector<128x128xi32>
    %sign3A_169 = arith.cmpi slt, %iota3A_20, %sign3A_168 : vector<128x128xi32>
    %sign3A_170 = arith.extui %sign3A_169 : vector<128x128xi1> to vector<128x128xi32>
    %sign3A_171 = arith.subi %sign3A_166, %sign3A_170 : vector<128x128xi32>
    %sign3A_172 = arith.constant 0 : i32
    %sign3A_173 = arith.cmpi sgt, %jit3A_162, %sign3A_172 : i32
    %sign3A_174 = arith.extui %sign3A_173 : i1 to i32
    %sign3A_175 = arith.constant 0 : i32
    %sign3A_176 = arith.cmpi slt, %jit3A_162, %sign3A_175 : i32
    %sign3A_177 = arith.extui %sign3A_176 : i1 to i32
    %sign3A_178 = arith.subi %sign3A_174, %sign3A_177 : i32
    %ne3A_179 = vector.broadcast %sign3A_178 : i32 to vector<128x128xi32>
    %ne3A_180 = arith.cmpi ne, %sign3A_171, %ne3A_179 : vector<128x128xi32>
    %rem3A_181 = vector.broadcast %jit3A_162 : i32 to vector<128x128xi32>
    %rem3A_182 = arith.remsi %iota3A_20, %rem3A_181 : vector<128x128xi32>
    %ne3A_183 = arith.constant 0 : i32
    %ne3A_184 = vector.broadcast %ne3A_183 : i32 to vector<128x128xi32>
    %ne3A_185 = arith.cmpi ne, %rem3A_182, %ne3A_184 : vector<128x128xi32>
    %and3A_186 = arith.andi %ne3A_180, %ne3A_185 : vector<128x128xi1>
    %sub3A_187 = arith.constant 1 : i32
    %sub3A_188 = vector.broadcast %sub3A_187 : i32 to vector<128x128xi32>
    %sub3A_189 = arith.subi %div3A_163, %sub3A_188 : vector<128x128xi32>
    %select_n3A_190 = arith.select %and3A_186, %sub3A_189, %div3A_163 : vector<128x128xi1>, vector<128x128xi32>
    %add3A_191 = arith.addi %mul3A_161, %select_n3A_190 : vector<128x128xi32>
    %convert_element_type3A = arith.sitofp %add3A_191 : vector<128x128xi32> to vector<128x128xf32>
    %add3A_192 = arith.constant 5.000000e-01 : f32
    %add3A_193 = vector.broadcast %add3A_192 : f32 to vector<128x128xf32>
    %add3A_194 = arith.addf %convert_element_type3A, %add3A_193 : vector<128x128xf32>
    %div3A_195 = arith.constant 28.4444447 : f32
    %div3A_196 = vector.broadcast %div3A_195 : f32 to vector<128x128xf32>
    %div3A_197 = arith.divf %add3A_194, %div3A_196 : vector<128x128xf32>
    %add3A_198 = arith.constant -9.000000e+00 : f32
    %add3A_199 = vector.broadcast %add3A_198 : f32 to vector<128x128xf32>
    %add3A_200 = arith.addf %add3A_199, %div3A_197 : vector<128x128xf32>
    %neg3A = arith.constant 0.000000e+00 : f32
    %neg3A_201 = vector.broadcast %neg3A : f32 to vector<128x128xf32>
    %neg3A_202 = arith.subf %neg3A_201, %add3A_200 : vector<128x128xf32>
    %exp3A = math.exp %neg3A_202 : vector<128x128xf32>
    %add3A_203 = arith.constant 1.000000e+00 : f32
    %add3A_204 = vector.broadcast %add3A_203 : f32 to vector<128x128xf32>
    %add3A_205 = arith.addf %add3A_204, %exp3A : vector<128x128xf32>
    %div3A_206 = arith.constant 1.000000e+00 : f32
    %div3A_207 = vector.broadcast %div3A_206 : f32 to vector<128x128xf32>
    %div3A_208 = arith.divf %div3A_207, %add3A_205 : vector<128x128xf32>
    %add3A_209 = vector.broadcast %reduce_sum3A_60 : f32 to vector<128x128xf32>
    %add3A_210 = arith.addf %add3A_209, %sub3A_136 : vector<128x128xf32>
    %add3A_211 = vector.broadcast %reduce_sum3A_60 : f32 to vector<128x128xf32>
    %add3A_212 = arith.addf %add3A_211, %add3A_137 : vector<128x128xf32>
    %mul3A_213 = arith.mulf %add3A_210, %add3A_212 : vector<128x128xf32>
    %max3A = arith.constant 1.000000e+00 : f32
    %max3A_214 = vector.broadcast %max3A : f32 to vector<128x128xf32>
    %max3A_215 = arith.maximumf %mul3A_213, %max3A_214 : vector<128x128xf32>
    %mul3A_216 = vector.broadcast %reduce_sum3A_60 : f32 to vector<128x128xf32>
    %mul3A_217 = arith.mulf %select_n3A_47, %mul3A_216 : vector<128x128xf32>
    %div3A_218 = arith.divf %mul3A_217, %max3A_215 : vector<128x128xf32>
    %add3A_219 = arith.constant 1.000000e+00 : f32
    %add3A_220 = vector.broadcast %add3A_219 : f32 to vector<128x128xf32>
    %add3A_221 = arith.addf %add3A_220, %div3A_208 : vector<128x128xf32>
    %mul3A_222 = arith.mulf %div3A_218, %add3A_221 : vector<128x128xf32>
    %reduce_sum3A_223 = vector.shape_cast %mul3A_222 : vector<128x128xf32> to vector<1x128x128xf32>
    %reduce_sum3A_224 = arith.constant dense<0.000000e+00> : vector<1xf32>
    %reduce_sum3A_225 = vector.multi_reduction <add>, %reduce_sum3A_223, %reduce_sum3A_224 [1, 2] : vector<1x128x128xf32> to vector<1xf32>
    %reduce_sum3A_226 = vector.shape_cast %reduce_sum3A_225 : vector<1xf32> to vector<1x1x1xf32>
    %reduce_sum3A_227 = vector.extract %reduce_sum3A_226[0, 0, 0] : f32 from vector<1x1x1xf32>
    %gt3A = arith.constant 0.000000e+00 : f32
    %gt3A_228 = vector.broadcast %gt3A : f32 to vector<128x128xf32>
    %gt3A_229 = arith.cmpf ogt, %select_n3A_47, %gt3A_228 : vector<128x128xf32>
    %jit3A_230 = arith.constant -1.000000e+00 : f32
    %broadcast_in_dim3A_231 = vector.broadcast %jit3A_230 : f32 to vector<128x128xf32>
    %select_n3A_232 = arith.select %gt3A_229, %div3A_208, %broadcast_in_dim3A_231 : vector<128x128xi1>, vector<128x128xf32>
    %reduce_max3A = vector.shape_cast %select_n3A_232 : vector<128x128xf32> to vector<1x128x128xf32>
    %reduce_max3A_233 = arith.constant dense<0xFF800000> : vector<1xf32>
    %reduce_max3A_234 = vector.multi_reduction <maximumf>, %reduce_max3A, %reduce_max3A_233 [1, 2] : vector<1x128x128xf32> to vector<1xf32>
    %reduce_max3A_235 = vector.shape_cast %reduce_max3A_234 : vector<1xf32> to vector<1x1x1xf32>
    %reduce_max3A_236 = vector.extract %reduce_max3A_235[0, 0, 0] : f32 from vector<1x1x1xf32>
    %gt3A_237 = arith.constant 5.000000e-01 : f32
    %gt3A_238 = arith.cmpf ogt, %reduce_sum3A_60, %gt3A_237 : f32
    %gt3A_239 = arith.constant 5.000000e-01 : f32
    %gt3A_240 = arith.cmpf ogt, %reduce_sum3A_55, %gt3A_239 : f32
    %add3A_241 = arith.constant 1.000000e+00 : f32
    %add3A_242 = arith.addf %add3A_241, %reduce_max3A_236 : f32
    %jit3A_243 = arith.constant 0.000000e+00 : f32
    %select_n3A_244 = arith.select %gt3A_240, %add3A_242, %jit3A_243 : f32
    %select_n3A_245 = arith.select %gt3A_238, %reduce_sum3A_227, %select_n3A_244 : f32
    %sub3A_246 = arith.constant 1.000000e+00 : f32
    %sub3A_247 = vector.broadcast %sub3A_246 : f32 to vector<128x128xf32>
    %sub3A_248 = arith.subf %sub3A_247, %div3A_208 : vector<128x128xf32>
    %mul3A_249 = arith.mulf %select_n3A_50, %sub3A_248 : vector<128x128xf32>
    %reduce_sum3A_250 = vector.shape_cast %mul3A_249 : vector<128x128xf32> to vector<1x128x128xf32>
    %reduce_sum3A_251 = arith.constant dense<0.000000e+00> : vector<1xf32>
    %reduce_sum3A_252 = vector.multi_reduction <add>, %reduce_sum3A_250, %reduce_sum3A_251 [1, 2] : vector<1x128x128xf32> to vector<1xf32>
    %reduce_sum3A_253 = vector.shape_cast %reduce_sum3A_252 : vector<1xf32> to vector<1x1x1xf32>
    %reduce_sum3A_254 = vector.extract %reduce_sum3A_253[0, 0, 0] : f32 from vector<1x1x1xf32>
    %max3A_255 = arith.constant 1.000000e+00 : f32
    %max3A_256 = arith.maximumf %add3A_61, %max3A_255 : f32
    %div3A_257 = arith.divf %reduce_sum3A_254, %max3A_256 : f32
    %add3A_258 = arith.addf %select_n3A_245, %div3A_257 : f32
    %reshape3A = vector.broadcast %add3A_258 : f32 to vector<1x1xf32>
    %swap3A = arith.constant 0 : index
    %swap3A_259 = arith.constant 0 : index
    %swap3A_260 = vector.load %arg1[%swap3A, %swap3A_259] : memref<1x1xf32, #tpu.memory_space<vmem>>, vector<1x1xf32>
    tpu.vector_store %arg1[%swap3A, %swap3A_259], %reshape3A {strides = array<i32>} : memref<1x1xf32, #tpu.memory_space<vmem>>, vector<1x1xf32>,
    return
  }
}

module attributes {stable_mosaic.version = 14 : i64} {
  func.func @_tc_prepass_body(%arg0: i32, %arg1: memref<4x512x512xf32, #tpu.memory_space<vmem>>, %arg2: memref<4x512x512xi32, #tpu.memory_space<vmem>>, %arg3: memref<4x512x256xi32, #tpu.memory_space<vmem>>) attributes {dimension_semantics = [#tpu.dimension_semantics<arbitrary>], iteration_bounds = array<i64: 4>, scalar_prefetch = 0 : i64, scratch_operands = 0 : i64, tpu.core_type = #tpu.core_type<tc>, window_params = [{transform_indices = @transform_0, window_bounds = array<i64: 4, 512, 512>}, {transform_indices = @transform_1, window_bounds = array<i64: 4, 512, 512>}, {transform_indices = @transform_2, window_bounds = array<i64: 4, 512, 256>}]} {
    %get3A = arith.constant 0 : index
    %get3A_0 = arith.constant 0 : index
    %get3A_1 = arith.constant 0 : index
    %get3A_2 = vector.load %arg1[%get3A, %get3A_0, %get3A_1] : memref<4x512x512xf32, #tpu.memory_space<vmem>>, vector<4x512x512xf32>
    %get3A_3 = arith.constant 0 : index
    %get3A_4 = arith.constant 0 : index
    %get3A_5 = arith.constant 0 : index
    %get3A_6 = vector.load %arg2[%get3A_3, %get3A_4, %get3A_5] : memref<4x512x512xi32, #tpu.memory_space<vmem>>, vector<4x512x512xi32>
    %mul3A = arith.constant 455.111115 : f32
    %mul3A_7 = vector.broadcast %mul3A : f32 to vector<4x512x512xf32>
    %mul3A_8 = arith.mulf %get3A_2, %mul3A_7 : vector<4x512x512xf32>
    %add3A = arith.constant 4.096000e+03 : f32
    %add3A_9 = vector.broadcast %add3A : f32 to vector<4x512x512xf32>
    %add3A_10 = arith.addf %mul3A_8, %add3A_9 : vector<4x512x512xf32>
    %max3A = arith.constant 0.000000e+00 : f32
    %max3A_11 = vector.broadcast %max3A : f32 to vector<4x512x512xf32>
    %max3A_12 = arith.maximumf %add3A_10, %max3A_11 : vector<4x512x512xf32>
    %min3A = arith.constant 8.191000e+03 : f32
    %min3A_13 = vector.broadcast %min3A : f32 to vector<4x512x512xf32>
    %min3A_14 = arith.minimumf %max3A_12, %min3A_13 : vector<4x512x512xf32>
    %convert_element_type3A = arith.fptosi %min3A_14 : vector<4x512x512xf32> to vector<4x512x512xi32>
    %and3A = arith.constant -16 : i32
    %and3A_15 = vector.broadcast %and3A : i32 to vector<4x512x512xi32>
    %and3A_16 = arith.andi %convert_element_type3A, %and3A_15 : vector<4x512x512xi32>
    %shift_left3A = arith.constant 13 : i32
    %shift_left3A_17 = vector.broadcast %shift_left3A : i32 to vector<4x512x512xi32>
    %shift_left3A_18 = arith.shli %get3A_6, %shift_left3A_17 : vector<4x512x512xi32>
    %iota3A = tpu.iota {dimensions = array<i32: 2>} : vector<4x512x512xi32>
    %and3A_19 = arith.constant 15 : i32
    %and3A_20 = vector.broadcast %and3A_19 : i32 to vector<4x512x512xi32>
    %and3A_21 = arith.andi %iota3A, %and3A_20 : vector<4x512x512xi32>
    %add3A_22 = arith.addi %and3A_16, %shift_left3A_18 : vector<4x512x512xi32>
    %add3A_23 = arith.addi %add3A_22, %and3A_21 : vector<4x512x512xi32>
    %slice3A = vector.extract_strided_slice %add3A_23 {offsets = [0, 0, 0], sizes = [4, 512, 256], strides = [1, 1, 1]} : vector<4x512x512xi32> to vector<4x512x256xi32>
    %slice3A_24 = vector.extract_strided_slice %add3A_23 {offsets = [0, 0, 256], sizes = [4, 512, 256], strides = [1, 1, 1]} : vector<4x512x512xi32> to vector<4x512x256xi32>
    %shift_left3A_25 = arith.constant 16 : i32
    %shift_left3A_26 = vector.broadcast %shift_left3A_25 : i32 to vector<4x512x256xi32>
    %shift_left3A_27 = arith.shli %slice3A_24, %shift_left3A_26 : vector<4x512x256xi32>
    %or3A = arith.ori %slice3A, %shift_left3A_27 : vector<4x512x256xi32>
    %swap3A = arith.constant 0 : index
    %swap3A_28 = arith.constant 0 : index
    %swap3A_29 = arith.constant 0 : index
    %swap3A_30 = vector.load %arg3[%swap3A, %swap3A_28, %swap3A_29] : memref<4x512x256xi32, #tpu.memory_space<vmem>>, vector<4x512x256xi32>
    tpu.vector_store %arg3[%swap3A, %swap3A_28, %swap3A_29], %or3A {strides = array<i32>} : memref<4x512x256xi32, #tpu.memory_space<vmem>>, vector<4x512x256xi32>,
    return
  }
  func.func @transform_0(%arg0: i32) -> (i32, i32, i32) {
    %c0_i32 = arith.constant 0 : i32
    %c0_i32_0 = arith.constant 0 : i32
    %c0_i32_1 = arith.constant 0 : i32
    return %arg0, %c0_i32, %c0_i32_0 : i32, i32, i32
  }
  func.func @transform_1(%arg0: i32) -> (i32, i32, i32) {
    %c0_i32 = arith.constant 0 : i32
    %c0_i32_0 = arith.constant 0 : i32
    %c0_i32_1 = arith.constant 0 : i32
    return %arg0, %c0_i32, %c0_i32_0 : i32, i32, i32
  }
  func.func @transform_2(%arg0: i32) -> (i32, i32, i32) {
    %c0_i32 = arith.constant 0 : i32
    %c0_i32_0 = arith.constant 0 : i32
    %c0_i32_1 = arith.constant 0 : i32
    return %arg0, %c0_i32, %c0_i32_0 : i32, i32, i32
  }
}

</mosaic_0001>

<sc_bundles>
// kernel: kernel.5.cloned.1.call-start
scs
__scs_entry_jumppad:
0x0: {  	(pc) =	sbr.rel $0x88, $3  }
0x1: {  	(tag) =	ssettag $0x0;
	lr =	simm.s32 $0x1  }
0x2: {  	[smem:$0x3F9F] =	sst lr;
	_ =	strace $0xD0000000  }
0x3: {  	_ = 	snop  }
0x4: {  	_ = 	snop  }
0x5: {  	_ = 	snop  }
0x6: {  	_ = 	snop  }
0x7: {  	_ = 	snop  }
__scs_overlays_trampoline_lowered:
0x8: {  	[smem:$0x3FAE] =	sst s0  }
0x9: {  	[smem:$0x3FAF] =	sst s1  }
0xa: {  	[smem:$0x3FB0] =	sst s2  }
0xb: {  	[smem:$0x3FB1] =	sst s3  }
0xc: {  	[smem:$0x3FB2] =	sst s4  }
0xd: {  	[smem:$0x3FB3] =	sst s5  }
0xe: {  	[smem:$0x3FB4] =	sst s6  }
0xf: {  	[smem:$0x3FB5] =	sst s7  }
0x10: {  	[smem:$0x3FB6] =	sst s8  }
0x11: {  	[smem:$0x3FB7] =	sst s9;
	s0 =	simm.s32 @!p0 $0x0  }
0x12: {  	s1 =	sld [smem:$0x3F9D];
	s0 =	simm.s32 @p0 $0x1  }
0x13: {  	[smem:$0x3FB8] =	sst s0;
	s0 =	simm.s32 @!p1 $0x0  }
0x14: {  	s2 =	sld [smem:$0x3F9C];
	s0 =	simm.s32 @p1 $0x1  }
0x15: {  	[smem:$0x3FB9] =	sst s0;
	s0 =	simm.s32 @!p2 $0x0  }
0x16: {  	s3 =	sld [smem:$0x3FDB];
	s0 =	simm.s32 @p2 $0x1  }
0x17: {  	s4 =	simm.s32 $0x1BF5;
	[smem:$0x3FBB] =	sst s0  }
0x18: {  	s0 =	sld [smem:$0x3F9E];
	_ =	swait.ge [sflag:s4], $0x0  }
0x19: {  	s7 =	sld [smem:$0x3F9F]  }
0x1a: {  	s8 =	sadd.s32 $0xFFFFE003, lr  }
0x1b: {  	s9 =	sadd.s32 $0xFFFFFEF7, lr;
	s5 =	simm.s32 $0xFFFFFFFF;
	p2 =	slt.u32 s8, $0xFFFFF086  }
0x1c: {  	p1 =	slt.u32 s9, $0xF7A;
	s5 =	simm.s32 @!p2 $0x0  }
0x1d: {  	s5 =	simm.s32 @p1 $0x1;
	p0 =	seq.s32 s7, s2  }
0x1e: {  	s7 =	smul.u32 @!p0 $0xF7A, s2;
	p2 =	seq.s32 @!p0 s5, $0x0  }
0x1f: {  	s9 =	smul.u32 $0xF7A, s1;
	s8 =	simm.s32 @!p0 $0x1BF5;
	p2 =	por !p2, p0  }
0x20: {  	[sflag:s8] =	ssyncset.s32 @!p0 $0xFFFFF086;
	s6 =	sadd.s32 @!p0 s3, s7;
	s7 =	simm.s32 @!p0 $0x108  }
0x21: {  	s3 =	sadd.s32 s3, s9;
	s6 =	sadd.s32 @!p0 $0x88, s6;
	s7 =	simm.s32 @p2 $0x1082  }
0x22: {  	[simem:s7], [sflag:s8] =	dma.local @!p0 [hbm:s6], $0xF7A  }
0x23: {  	s9 =	sor.u32 $0xD0000000, s2;
	s6 =	simm.s32 $0x108;
	_ =	swait.ge @!p0 [sflag:s8], $0x0  }
0x24: {  	s3 =	sadd.s32 $0x88, s3;
	s6 =	simm.s32 @!p1 $0x1082;
	[sflag:s4] =	ssyncset.s32 $0xFFFFF086  }
0x25: {  	[simem:s6], [sflag:s4] =	dma.local [hbm:s3], $0xF7A  }
0x26: {  	[smem:$0x3F9F] =	sst s1;
	(tag) =	ssettag s2;
	_ =	strace s9  }
0x27: {  	s1 =	sld [smem:$0x3FAF]  }
0x28: {  	s2 =	sld [smem:$0x3FB0]  }
0x29: {  	s4 =	sld [smem:$0x3FB2]  }
0x2a: {  	p0 =	seq.s32 s5, $0x0;
	s5 =	sld [smem:$0x3FB3]  }
0x2b: {  	s6 =	sld [smem:$0x3FB4]  }
0x2c: {  	s7 =	sld [smem:$0x3FB5]  }
0x2d: {  	s3 =	simm.s32 $0x108;
	s8 =	sld [smem:$0x3FB6]  }
0x2e: {  	s3 =	simm.s32 @!p0 $0x1082;
	s9 =	sld [smem:$0x3FB7]  }
0x2f: {  	lr =	sadd.s32 s0, s3;
	s0 =	sld [smem:$0x3FAE]  }
0x30: {  	s3 =	sld [smem:$0x3FB1]  }
0x31: {  	[smem:$0x3FBA] =	sst s10  }
0x32: {  	s10 =	sld [smem:$0x3FB8];
	_ =	sdelay $0x3  }
0x33: {  	p0 =	seq.s32 s10, $0x1;
	s10 =	sld [smem:$0x3FBA];
	_ =	sdelay $0x3  }
0x34: {  	[smem:$0x3FBA] =	sst s10  }
0x35: {  	s10 =	sld [smem:$0x3FB9];
	_ =	sdelay $0x3  }
0x36: {  	p1 =	seq.s32 s10, $0x1;
	s10 =	sld [smem:$0x3FBA];
	_ =	sdelay $0x3  }
0x37: {  	[smem:$0x3FBA] =	sst s10  }
0x38: {  	s10 =	sld [smem:$0x3FBB]  }
0x39: {  	_ = 	snop;
	(pc) =	sbr.ind lr, $3  }
0x3a: {  	_ = 	snop  }
0x3b: {  	_ = 	snop  }
0x3c: {  	p2 =	seq.s32 s10, $0x1;
	s10 =	sld [smem:$0x3FBA]  }
0x3d: {  	_ =	shalt  }
0x3e: {  	_ =	shalt  }
0x3f: {  	_ =	shalt  }
0x40: {  	_ =	shalt  }
0x41: {  	_ =	shalt  }
0x42: {  	_ =	shalt  }
0x43: {  	_ =	shalt  }
0x44: {  	_ =	shalt  }
0x45: {  	_ =	shalt  }
0x46: {  	_ =	shalt  }
0x47: {  	_ =	shalt  }
0x48: {  	_ =	shalt  }
0x49: {  	_ =	shalt  }
0x4a: {  	_ =	shalt  }
0x4b: {  	_ =	shalt  }
0x4c: {  	_ =	shalt  }
0x4d: {  	_ =	shalt  }
0x4e: {  	_ =	shalt  }
0x4f: {  	_ =	shalt  }
0x50: {  	_ =	shalt  }
0x51: {  	_ =	shalt  }
0x52: {  	_ =	shalt  }
0x53: {  	_ =	shalt  }
0x54: {  	_ =	shalt  }
0x55: {  	_ =	shalt  }
0x56: {  	_ =	shalt  }
0x57: {  	_ =	shalt  }
0x58: {  	_ =	shalt  }
0x59: {  	_ =	shalt  }
0x5a: {  	_ =	shalt  }
0x5b: {  	_ =	shalt  }
0x5c: {  	_ =	shalt  }
0x5d: {  	_ =	shalt  }
0x5e: {  	_ =	shalt  }
0x5f: {  	_ =	shalt  }
0x60: {  	_ =	shalt  }
0x61: {  	_ =	shalt  }
0x62: {  	_ =	shalt  }
0x63: {  	_ =	shalt  }
0x64: {  	_ =	shalt  }
0x65: {  	_ =	shalt  }
0x66: {  	_ =	shalt  }
0x67: {  	_ =	shalt  }
0x68: {  	_ =	shalt  }
0x69: {  	_ =	shalt  }
0x6a: {  	_ =	shalt  }
0x6b: {  	_ =	shalt  }
0x6c: {  	_ =	shalt  }
0x6d: {  	_ =	shalt  }
0x6e: {  	_ =	shalt  }
0x6f: {  	_ =	shalt  }
0x70: {  	_ =	shalt  }
0x71: {  	_ =	shalt  }
0x72: {  	_ =	shalt  }
0x73: {  	_ =	shalt  }
0x74: {  	_ =	shalt  }
0x75: {  	_ =	shalt  }
0x76: {  	_ =	shalt  }
0x77: {  	_ =	shalt  }
0x78: {  	_ =	shalt  }
0x79: {  	_ =	shalt  }
0x7a: {  	_ =	shalt  }
0x7b: {  	_ =	shalt  }
0x7c: {  	_ =	shalt  }
0x7d: {  	_ =	shalt  }
0x7e: {  	_ =	shalt  }
0x7f: {  	_ =	shalt  }
0x80: {  	_ =	shalt  }
0x81: {  	_ =	shalt  }
0x82: {  	_ =	shalt  }
0x83: {  	_ =	shalt  }
0x84: {  	_ =	shalt  }
0x85: {  	_ =	shalt  }
0x86: {  	_ =	shalt  }
0x87: {  	_ =	shalt  }
.Lfunc_end0:
.L_simem_size_0:
called_computation_lowered:
.L_overlay_start_0:
0x88: {  	s2 =	sld [smem:$0x3FD9]  }
0x89: {  	s3 =	sld [smem:$0x3FFE];
	_ =	sdelay $0x1  }
0x8a: {  	s1 =	srdreg.scid  }
0x8b: {  	s0 =	sand.u32 $0x1, s1  }
0x8c: {  	s16 =	sshll.u32 s0, $0xA;
	s2 =	sadd.s32 s3, s2  }
0x8d: {  	s2 =	sadd.s32 s2, s16  }
0x8e: {  	[smem:$0x3FC6] =	sst s2  }
0x8f: {  	_ = 	snop  }
0x90: {  	(tm) =	ssettm $0x1  }
0x91: {  	s17 =	sld [smem:$0x3FFB];
	_ =	sdelay $0x3  }
0x92: {  	_ =	strace s17  }
0x93: {  	s2 =	sld [smem:$0x3FFC];
	_ =	sdelay $0x3  }
0x94: {  	_ =	strace s2  }
0x95: {  	s2 =	sld [smem:$0x3FFD];
	_ =	sdelay $0x3  }
0x96: {  	_ =	strace s2  }
0x97: {  	_ =	strace $0x8FFFFFFF  }
0x98: {  	s18 =	sld [smem:$0x3FDB];
	_ =	sdelay $0x1  }
0x99: {  	s19 =	simm.s32 $_scs_section_size  }
0x9a: {  	s4 =	simm.s32 $_size__tile_overlayer_lowered;
	s5 =	simm.s32 $_tile_overlayer_lowered  }
0x9b: {  	s22 =	simm.s32 $0x1BFF;
	s21 =	sshll.u32 s5, $0x1;
	s2 =	sadd.s32 s19, s18  }
0x9c: {  	s6 =	simm.s32 $0x0;
	s20 =	sshll.u32 s4, $0x1;
	s4 =	sadd.s32 s21, s2  }
0x9d: {  	[timem:s6], [sflag:s22] =	dma.local [hbm:s4], s20  }
0x9e: {  	_ =	swait.ge [sflag:s22], s20  }
0x9f: {  	s3 =	ssub.s32 $0x0, s20;
	[sflag:s22] =	ssyncset.done $0x0  }
0xa0: {  	[sflag:s22] =	ssyncadd.s32 s3;
	_ =	sdelay $0x1  }
0xa1: {  	s23 =	simm.s32 $0x1B8B  }
0xa2: {  	_ =	swait.ge [sflag:s23], $0x1  }
0xa3: {  	[sflag:s23] =	ssyncset.done $0x0  }
0xa4: {  	s25 =	simm.s32 $0x1B8E;
	s24 =	sld [smem:$0x3FFE];
	[sflag:s23] =	ssyncadd.s32 $0xFFFFFFFF  }
0xa5: {  	s26 =	simm.s32 $execute0_lowered;
	[smem:$0x3FD2] =	sst s25  }
0xa6: {  	s4 =	sshll.u32 s26, $0x1;
	_ =	strace $0x80000046;
	[dreg:$0x1] =	wrdreg $0xFFFFFFFF  }
0xa7: {  	s28 =	simm.s32 $_size_execute0_lowered;
	s2 =	sadd.s32 s2, s4;
	[dreg:$0x0] =	wrdreg $0x0  }
0xa8: {  	s4 =	sshll.u32 s28, $0x1;
	[dreg:$0x2] =	wrdreg s2  }
0xa9: {  	[dreg:$0x3] =	wrdreg s4  }
0xaa: {  	[dreg:$0x4] =	wrdreg $0xC0  }
0xab: {  	_ =	task [dreg:s6], $0x5FFFF  }
0xac: {  	[dreg:$0x1] =	wrdreg $0xFFFFFFFF  }
0xad: {  	[dreg:$0x0] =	wrdreg $0x60  }
0xae: {  	[dreg:$0x2] =	wrdreg s24  }
0xaf: {  	[dreg:$0x3] =	wrdreg $0x9  }
0xb0: {  	_ =	task.clear_ibuf [dreg:s6], $0x4FFFF;
	_ =	strace $0x90000046  }
0xb1: {  	s29 =	simm.s32 $0x9;
	_ =	strace $0x80000048  }
0xb2: {  	_ =	swait.ge [sflag:s29], $0x1  }
0xb3: {  	[sflag:s29] =	ssyncadd.s32 $0xFFFFFFFF  }
0xb4: {  	_ =	strace $0x90000048  }
0xb5: {  	_ =	sfence  }
0xb6: {  	s30 =	sld [smem:$0x0];
	_ =	sdelay $0x2  }
0xb7: {  	s31 =	sshll.u32 s1, $0xD;
	s1 =	sshrl.u32 s1, $0x2  }
0xb8: {  	s3 =	sand.u32 $0x4000, s31;
	s1 =	sadd.s32 s1, s30  }
0xb9: {  	s0 =	sor.u32 s3, s0;
	s1 =	sshll.u32 s1, $0x11  }
0xba: {  	s0 =	sor.u32 s1, s0  }
0xbb: {  	s0 =	sadd.s32 $0x8F2B, s0  }
0xbc: {  	[sflag:s0] =	ssyncadd.remote.s32 $0x1  }
0xbd: {  	_ =	sfence.sel $0xFFFF  }
0xbe: {  	[dreg:$0x0] =	wrdreg $0xFFFFFFFF;
	(pc) =	sbr.abs _section_cstart, $3  }
0xbf: {  	[dreg:$0x1] =	wrdreg $0xFFFFFFFF  }
0xc0: {  	_ =	task.clear_ibuf [dreg:s6], $0x2FFFF;
	_ =	strace $0x9FFFFFFF  }
0xc1: {  	(tm) =	ssettm $0x7FFFFFFF  }
tec
execute0_lowered:
.L_overlay_start_1:
0x0: {  	(tag) =	ssettag $0x1  }
0x1: {  	s1 =	srdreg.scid;
	s0 =	stileid.u32  }
0x2: {  	s5 =	rddreg [dreg:$0x0];
	s2 =	simm.s32 $0x0;
	s3 =	simm.s32 $0x1  }
0x3: {  	s14 =	simm.s32 $0x4000;
	s15 =	simm.s32 $0x6000;
	s16 =	simm.s32 $0x8000  }
0x4: {  	s17 =	simm.s32 $0xA000;
	s18 =	simm.s32 $0x2;
	s19 =	simm.s32 $0x3  }
0x5: {  	s20 =	simm.s32 $0x4;
	s4 =	sand.u32 $0x1, s1;
	s29 =	sshll.u32 s0, $0x1  }
0x6: {  	s21 =	simm.s32 $0x80;
	s22 =	simm.s32 $0x400;
	s6 =	sor.u32 s4, s29  }
0x7: {  	s23 =	simm.s32 $0x5;
	p1 =	seq.s32 s4, $0x1;
	p0 =	seq.s32 s6, $0x0  }
0x8: {  	s24 =	simm.s32 $0x0;
	s1 =	rddreg [dreg:$0x1];
	p0 =	por !p0, !p1  }
0x9: {  	[smem:$0x7FF] =	sst s2;
	s30 =	sshll.u32 s0, $0xC;
	p0 =	por !p0, !p0  }
0xa: {  	s8 =	sshll.u32 s4, $0x10;
	s4 =	ssub.s32 $0x2, s4;
	s3 =	simm.s32 @!p0 $0x0  }
0xb: {  	_ =	strace $0x80000047;
	s9 =	sshrl.u32 s4, $0x1;
	s7 =	ssub.s32 s0, s3  }
0xc: {  	s31 =	sshll.u32 s6, $0x4;
	s13 =	ssub.s32 s4, s9;
	s7 =	sshll.u32 s7, $0x11  }
0xd: {  	s12 =	sand.u32 $0x70, s31;
	s7 =	sor.u32 s8, s7;
	s8 =	sand.u32 $0xC000, s30  }
0xe: {  	s13 =	smax.u32 s13, $0x1;
	s7 =	sshrl.u32 s7, $0x3;
	s10 =	sadd.s32 s8, s5  }
0xf: {  	s3 =	simm.s32 $0x1;
	s11 =	sadd.s32 s7, s5;
	s12 =	sadd.s32 s12, s10  }
0x10: {  	s4 =	sadd.s32 $0x600, s11;
	s5 =	sadd.s32 $0xA00, s11;
	s6 =	sadd.s32 $0xE00, s11  }
0x11: {  	s7 =	sadd.s32 $0x1200, s11;
	s8 =	sadd.s32 $0x1600, s11;
	s9 =	sadd.s32 $0x1A00, s11  }
0x12: {  	v0 =	vimm.f32 $0.0e+00;
	v1 =	vimm.f32 $1.000000000e+00;
	s10 =	sadd.s32 $0x1E00, s11;
	s11 =	sadd.s32 $0x2200, s11;
	s12 =	sadd.s32 $0x40600, s12  }
.LBB2_1:
0x13: {  	s25 =	simm.s32 $0x0;
	s26 =	simm.s32 $0x800  }
.LBB2_2:
0x14: {  	p0 =	sne.s32 s26, $0xF800;
	[tilespmem:s25+$0x1F0] =	vst v0  }
0x15: {  	[tilespmem:s25+$0x0] =	vst v0  }
0x16: {  	[tilespmem:s25+$0x10] =	vst v0  }
0x17: {  	[tilespmem:s25+$0x20] =	vst v0  }
0x18: {  	[tilespmem:s25+$0x30] =	vst v0  }
0x19: {  	[tilespmem:s25+$0x40] =	vst v0  }
0x1a: {  	[tilespmem:s25+$0x50] =	vst v0  }
0x1b: {  	[tilespmem:s25+$0x60] =	vst v0  }
0x1c: {  	[tilespmem:s25+$0x70] =	vst v0  }
0x1d: {  	[tilespmem:s25+$0x80] =	vst v0  }
0x1e: {  	[tilespmem:s25+$0x90] =	vst v0  }
0x1f: {  	[tilespmem:s25+$0xA0] =	vst v0  }
0x20: {  	[tilespmem:s25+$0xB0] =	vst v0  }
0x21: {  	[tilespmem:s25+$0xC0] =	vst v0  }
0x22: {  	[tilespmem:s25+$0xD0] =	vst v0  }
0x23: {  	[tilespmem:s25+$0xE0] =	vst v0  }
0x24: {  	[tilespmem:s25+$0xF0] =	vst v0  }
0x25: {  	[tilespmem:s25+$0x100] =	vst v0  }
0x26: {  	[tilespmem:s25+$0x110] =	vst v0  }
0x27: {  	[tilespmem:s25+$0x120] =	vst v0  }
0x28: {  	[tilespmem:s25+$0x130] =	vst v0  }
0x29: {  	[tilespmem:s25+$0x140] =	vst v0  }
0x2a: {  	[tilespmem:s25+$0x150] =	vst v0  }
0x2b: {  	[tilespmem:s25+$0x160] =	vst v0  }
0x2c: {  	[tilespmem:s25+$0x170] =	vst v0  }
0x2d: {  	[tilespmem:s25+$0x180] =	vst v0  }
0x2e: {  	[tilespmem:s25+$0x190] =	vst v0  }
.Ltmp0:
0x2f: {  	[tilespmem:s25+$0x1A0] =	vst v0;
	(pc) =	sbr.rel @p0 .LBB2_2-.Ltmp0, $4  }
0x30: {  	[tilespmem:s25+$0x1B0] =	vst v0  }
0x31: {  	[tilespmem:s25+$0x1C0] =	vst v0  }
0x32: {  	[tilespmem:s25+$0x1D0] =	vst v0  }
0x33: {  	[tilespmem:s25+$0x1E0] =	vst v0;
	s25 =	sshra.s32 s26, $0x2;
	s26 =	sadd.s32 $0x800, s26  }
0x34: {  	[tilespmem:s25+$0x1F0] =	vst v0  }
0x35: {  	[tilespmem:s25+$0x0] =	vst v0  }
0x36: {  	[tilespmem:s25+$0x10] =	vst v0  }
0x37: {  	[tilespmem:s25+$0x20] =	vst v0  }
0x38: {  	[tilespmem:s25+$0x30] =	vst v0  }
0x39: {  	[tilespmem:s25+$0x40] =	vst v0  }
0x3a: {  	[tilespmem:s25+$0x50] =	vst v0  }
0x3b: {  	[tilespmem:s25+$0x60] =	vst v0  }
0x3c: {  	[tilespmem:s25+$0x70] =	vst v0  }
0x3d: {  	[tilespmem:s25+$0x80] =	vst v0  }
0x3e: {  	[tilespmem:s25+$0x90] =	vst v0  }
0x3f: {  	[tilespmem:s25+$0xA0] =	vst v0  }
0x40: {  	[tilespmem:s25+$0xB0] =	vst v0  }
0x41: {  	[tilespmem:s25+$0xC0] =	vst v0  }
0x42: {  	[tilespmem:s25+$0xD0] =	vst v0  }
0x43: {  	[tilespmem:s25+$0xE0] =	vst v0  }
0x44: {  	[tilespmem:s25+$0xF0] =	vst v0  }
0x45: {  	[tilespmem:s25+$0x100] =	vst v0  }
0x46: {  	[tilespmem:s25+$0x110] =	vst v0  }
0x47: {  	[tilespmem:s25+$0x120] =	vst v0  }
0x48: {  	[tilespmem:s25+$0x130] =	vst v0  }
0x49: {  	[tilespmem:s25+$0x140] =	vst v0  }
0x4a: {  	[tilespmem:s25+$0x150] =	vst v0  }
0x4b: {  	[tilespmem:s25+$0x160] =	vst v0  }
0x4c: {  	[tilespmem:s25+$0x170] =	vst v0  }
0x4d: {  	[tilespmem:s25+$0x180] =	vst v0  }
0x4e: {  	[tilespmem:s25+$0x190] =	vst v0  }
0x4f: {  	[tilespmem:s25+$0x1A0] =	vst v0  }
0x50: {  	[tilespmem:s25+$0x1B0] =	vst v0  }
0x51: {  	[tilespmem:s25+$0x1C0] =	vst v0  }
0x52: {  	[tilespmem:s25+$0x1D0] =	vst v0  }
0x53: {  	[tilespmem:s25+$0x1E0] =	vst v0;
	s25 =	simm.s32 $0x0  }
0x54: {  	[tilespmem:s14], [sflag:$0x1] =	stream.linear.gather [hbm4b:s4+s25], $0x2000, $0x38;
	[tilespmem:$0xC000] =	vst v63  }
0x55: {  	_ = 	snop  }
0x56: {  	[tilespmem:s15], [sflag:$0x2] =	stream.linear.gather [hbm4b:s5+s25], $0x2000, $0x38;
	[tilespmem:$0xC000] =	vst v63  }
0x57: {  	_ = 	snop  }
0x58: {  	[tilespmem:s16], [sflag:$0x3] =	stream.linear.gather [hbm4b:s6+s25], $0x2000, $0x38;
	[tilespmem:$0xC000] =	vst v63  }
0x59: {  	_ =	swait.ge [sflag:s3], $0x2000  }
0x5a: {  	[sflag:s3] =	ssyncset.done $0x0  }
0x5b: {  	s26 =	simm.s32 $0x0;
	[sflag:s3] =	ssyncadd.s32 $0xFFFFE000  }
0x5c: {  	[tilespmem:s17], [sflag:$0x4] =	stream.linear.gather [hbm4b:s7+s25], $0x2000, $0x38;
	[tilespmem:$0xC000] =	vst v63  }
.LBB2_4:
0x5d: {  	s28 =	sand.u32 $0x1800, s26;
	s29 =	sand.u32 $0x380, s25  }
0x5e: {  	s28 =	sor.u32 s29, s28  }
0x5f: {  	v2 =	vld [tilespmem:s28+$0x4000];
	_ =	sdelay $0x4  }
0x60: {  	v3 =	vand.u32 $0xFFFF, v2  }
0x61: {  	v2 =	vshra.s32 v2, $0x10;
	_ =	sdelay $0x3  }
0x62: {  	[tilespmem:v3+s2+$0x0] =	vst.idx.add.f32.msk $0xffff, v1  }
0x63: {  	[tilespmem:v2+s2+$0x0] =	vst.idx.add.f32.msk $0xffff, v1  }
0x64: {  	v2 =	vld [tilespmem:s28+$0x4010];
	_ =	sdelay $0x4  }
0x65: {  	v3 =	vand.u32 $0xFFFF, v2  }
0x66: {  	v2 =	vshra.s32 v2, $0x10;
	_ =	sdelay $0x3  }
0x67: {  	[tilespmem:v3+s2+$0x0] =	vst.idx.add.f32.msk $0xffff, v1  }
0x68: {  	[tilespmem:v2+s2+$0x0] =	vst.idx.add.f32.msk $0xffff, v1  }
0x69: {  	v2 =	vld [tilespmem:s28+$0x4020];
	_ =	sdelay $0x4  }
0x6a: {  	v3 =	vand.u32 $0xFFFF, v2  }
0x6b: {  	v2 =	vshra.s32 v2, $0x10;
	_ =	sdelay $0x3  }
0x6c: {  	[tilespmem:v3+s2+$0x0] =	vst.idx.add.f32.msk $0xffff, v1  }
0x6d: {  	[tilespmem:v2+s2+$0x0] =	vst.idx.add.f32.msk $0xffff, v1  }
0x6e: {  	v2 =	vld [tilespmem:s28+$0x4030];
	_ =	sdelay $0x4  }
0x6f: {  	v3 =	vand.u32 $0xFFFF, v2  }
0x70: {  	v2 =	vshra.s32 v2, $0x10;
	_ =	sdelay $0x3  }
0x71: {  	[tilespmem:v3+s2+$0x0] =	vst.idx.add.f32.msk $0xffff, v1  }
0x72: {  	[tilespmem:v2+s2+$0x0] =	vst.idx.add.f32.msk $0xffff, v1  }
0x73: {  	v2 =	vld [tilespmem:s28+$0x4040];
	_ =	sdelay $0x4  }
0x74: {  	v3 =	vand.u32 $0xFFFF, v2  }
0x75: {  	v2 =	vshra.s32 v2, $0x10;
	_ =	sdelay $0x3  }
0x76: {  	[tilespmem:v3+s2+$0x0] =	vst.idx.add.f32.msk $0xffff, v1  }
0x77: {  	[tilespmem:v2+s2+$0x0] =	vst.idx.add.f32.msk $0xffff, v1  }
0x78: {  	v2 =	vld [tilespmem:s28+$0x4050];
	_ =	sdelay $0x4  }
0x79: {  	v3 =	vand.u32 $0xFFFF, v2  }
0x7a: {  	v2 =	vshra.s32 v2, $0x10;
	_ =	sdelay $0x3  }
0x7b: {  	[tilespmem:v3+s2+$0x0] =	vst.idx.add.f32.msk $0xffff, v1  }
0x7c: {  	[tilespmem:v2+s2+$0x0] =	vst.idx.add.f32.msk $0xffff, v1  }
0x7d: {  	v2 =	vld [tilespmem:s28+$0x4060];
	_ =	sdelay $0x4  }
0x7e: {  	v3 =	vand.u32 $0xFFFF, v2  }
0x7f: {  	v2 =	vshra.s32 v2, $0x10;
	_ =	sdelay $0x3  }
0x80: {  	[tilespmem:v3+s2+$0x0] =	vst.idx.add.f32.msk $0xffff, v1  }
0x81: {  	[tilespmem:v2+s2+$0x0] =	vst.idx.add.f32.msk $0xffff, v1  }
0x82: {  	v2 =	vld [tilespmem:s28+$0x4070];
	_ =	sdelay $0x4  }
0x83: {  	v3 =	vand.u32 $0xFFFF, v2  }
0x84: {  	v2 =	vshra.s32 v2, $0x10;
	_ =	sdelay $0x3  }
0x85: {  	[tilespmem:v3+s2+$0x0] =	vst.idx.add.f32.msk $0xffff, v1  }
0x86: {  	[tilespmem:v2+s2+$0x0] =	vst.idx.add.f32.msk $0xffff, v1  }
0x87: {  	v2 =	vld [tilespmem:s28+$0x4400];
	_ =	sdelay $0x4  }
0x88: {  	v3 =	vand.u32 $0xFFFF, v2  }
0x89: {  	v2 =	vshra.s32 v2, $0x10;
	_ =	sdelay $0x3  }
0x8a: {  	[tilespmem:v3+s2+$0x0] =	vst.idx.add.f32.msk $0xffff, v1  }
0x8b: {  	[tilespmem:v2+s2+$0x0] =	vst.idx.add.f32.msk $0xffff, v1  }
0x8c: {  	v2 =	vld [tilespmem:s28+$0x4410];
	_ =	sdelay $0x4  }
0x8d: {  	v3 =	vand.u32 $0xFFFF, v2  }
0x8e: {  	v2 =	vshra.s32 v2, $0x10;
	_ =	sdelay $0x3  }
0x8f: {  	[tilespmem:v3+s2+$0x0] =	vst.idx.add.f32.msk $0xffff, v1  }
0x90: {  	[tilespmem:v2+s2+$0x0] =	vst.idx.add.f32.msk $0xffff, v1  }
0x91: {  	v2 =	vld [tilespmem:s28+$0x4420];
	_ =	sdelay $0x4  }
0x92: {  	v3 =	vand.u32 $0xFFFF, v2  }
0x93: {  	v2 =	vshra.s32 v2, $0x10;
	_ =	sdelay $0x3  }
0x94: {  	[tilespmem:v3+s2+$0x0] =	vst.idx.add.f32.msk $0xffff, v1  }
0x95: {  	[tilespmem:v2+s2+$0x0] =	vst.idx.add.f32.msk $0xffff, v1  }
0x96: {  	v2 =	vld [tilespmem:s28+$0x4430];
	_ =	sdelay $0x4  }
0x97: {  	v3 =	vand.u32 $0xFFFF, v2  }
0x98: {  	v2 =	vshra.s32 v2, $0x10;
	_ =	sdelay $0x3  }
0x99: {  	[tilespmem:v3+s2+$0x0] =	vst.idx.add.f32.msk $0xffff, v1  }
0x9a: {  	[tilespmem:v2+s2+$0x0] =	vst.idx.add.f32.msk $0xffff, v1  }
0x9b: {  	v2 =	vld [tilespmem:s28+$0x4440];
	_ =	sdelay $0x4  }
0x9c: {  	v3 =	vand.u32 $0xFFFF, v2  }
0x9d: {  	v2 =	vshra.s32 v2, $0x10;
	_ =	sdelay $0x3  }
0x9e: {  	[tilespmem:v3+s2+$0x0] =	vst.idx.add.f32.msk $0xffff, v1  }
0x9f: {  	[tilespmem:v2+s2+$0x0] =	vst.idx.add.f32.msk $0xffff, v1  }
0xa0: {  	v2 =	vld [tilespmem:s28+$0x4450];
	_ =	sdelay $0x4  }
0xa1: {  	v3 =	vand.u32 $0xFFFF, v2  }
0xa2: {  	v2 =	vshra.s32 v2, $0x10;
	_ =	sdelay $0x3  }
0xa3: {  	[tilespmem:v3+s2+$0x0] =	vst.idx.add.f32.msk $0xffff, v1  }
0xa4: {  	[tilespmem:v2+s2+$0x0] =	vst.idx.add.f32.msk $0xffff, v1  }
0xa5: {  	v2 =	vld [tilespmem:s28+$0x4460];
	_ =	sdelay $0x4  }
0xa6: {  	v3 =	vand.u32 $0xFFFF, v2  }
0xa7: {  	v2 =	vshra.s32 v2, $0x10;
	_ =	sdelay $0x3  }
0xa8: {  	[tilespmem:v3+s2+$0x0] =	vst.idx.add.f32.msk $0xffff, v1  }
0xa9: {  	[tilespmem:v2+s2+$0x0] =	vst.idx.add.f32.msk $0xffff, v1  }
0xaa: {  	v2 =	vld [tilespmem:s28+$0x4470];
	_ =	sdelay $0x4  }
0xab: {  	v3 =	vand.u32 $0xFFFF, v2  }
0xac: {  	p0 =	sne.s32 s26, $0x1F00;
	v2 =	vshra.s32 v2, $0x10  }
.Ltmp1:
0xad: {  	_ = 	snop;
	(pc) =	sbr.rel @p0 .LBB2_4-.Ltmp1, $3  }
0xae: {  	_ =	sdelay $0x1  }
0xaf: {  	[tilespmem:v3+s2+$0x0] =	vst.idx.add.f32.msk $0xffff, v1  }
0xb0: {  	s25 =	sadd.s32 $0x80, s25;
	s26 =	sadd.s32 $0x100, s26;
	[tilespmem:v2+s2+$0x0] =	vst.idx.add.f32.msk $0xffff, v1  }
0xb1: {  	_ =	swait.ge [sflag:s18], $0x2000  }
0xb2: {  	[sflag:s18] =	ssyncset.done $0x0  }
0xb3: {  	s25 =	simm.s32 $0x0;
	s26 =	simm.s32 $0x0;
	[sflag:s18] =	ssyncadd.s32 $0xFFFFE000  }
0xb4: {  	[tilespmem:s14], [sflag:$0x1] =	stream.linear.gather [hbm4b:s8+s25], $0x2000, $0x38;
	[tilespmem:$0xC000] =	vst v63  }
.LBB2_6:
0xb5: {  	s28 =	sand.u32 $0x1800, s26;
	s29 =	sand.u32 $0x380, s25  }
0xb6: {  	s28 =	sor.u32 s29, s28  }
0xb7: {  	v2 =	vld [tilespmem:s28+$0x6000];
	_ =	sdelay $0x4  }
0xb8: {  	v3 =	vand.u32 $0xFFFF, v2  }
0xb9: {  	v2 =	vshra.s32 v2, $0x10;
	_ =	sdelay $0x3  }
0xba: {  	[tilespmem:v3+s2+$0x0] =	vst.idx.add.f32.msk $0xffff, v1  }
0xbb: {  	[tilespmem:v2+s2+$0x0] =	vst.idx.add.f32.msk $0xffff, v1  }
0xbc: {  	v2 =	vld [tilespmem:s28+$0x6010];
	_ =	sdelay $0x4  }
0xbd: {  	v3 =	vand.u32 $0xFFFF, v2  }
0xbe: {  	v2 =	vshra.s32 v2, $0x10;
	_ =	sdelay $0x3  }
0xbf: {  	[tilespmem:v3+s2+$0x0] =	vst.idx.add.f32.msk $0xffff, v1  }
0xc0: {  	[tilespmem:v2+s2+$0x0] =	vst.idx.add.f32.msk $0xffff, v1  }
0xc1: {  	v2 =	vld [tilespmem:s28+$0x6020];
	_ =	sdelay $0x4  }
0xc2: {  	v3 =	vand.u32 $0xFFFF, v2  }
0xc3: {  	v2 =	vshra.s32 v2, $0x10;
	_ =	sdelay $0x3  }
0xc4: {  	[tilespmem:v3+s2+$0x0] =	vst.idx.add.f32.msk $0xffff, v1  }
0xc5: {  	[tilespmem:v2+s2+$0x0] =	vst.idx.add.f32.msk $0xffff, v1  }
0xc6: {  	v2 =	vld [tilespmem:s28+$0x6030];
	_ =	sdelay $0x4  }
0xc7: {  	v3 =	vand.u32 $0xFFFF, v2  }
0xc8: {  	v2 =	vshra.s32 v2, $0x10;
	_ =	sdelay $0x3  }
0xc9: {  	[tilespmem:v3+s2+$0x0] =	vst.idx.add.f32.msk $0xffff, v1  }
0xca: {  	[tilespmem:v2+s2+$0x0] =	vst.idx.add.f32.msk $0xffff, v1  }
0xcb: {  	v2 =	vld [tilespmem:s28+$0x6040];
	_ =	sdelay $0x4  }
0xcc: {  	v3 =	vand.u32 $0xFFFF, v2  }
0xcd: {  	v2 =	vshra.s32 v2, $0x10;
	_ =	sdelay $0x3  }
0xce: {  	[tilespmem:v3+s2+$0x0] =	vst.idx.add.f32.msk $0xffff, v1  }
0xcf: {  	[tilespmem:v2+s2+$0x0] =	vst.idx.add.f32.msk $0xffff, v1  }
0xd0: {  	v2 =	vld [tilespmem:s28+$0x6050];
	_ =	sdelay $0x4  }
0xd1: {  	v3 =	vand.u32 $0xFFFF, v2  }
0xd2: {  	v2 =	vshra.s32 v2, $0x10;
	_ =	sdelay $0x3  }
0xd3: {  	[tilespmem:v3+s2+$0x0] =	vst.idx.add.f32.msk $0xffff, v1  }
0xd4: {  	[tilespmem:v2+s2+$0x0] =	vst.idx.add.f32.msk $0xffff, v1  }
0xd5: {  	v2 =	vld [tilespmem:s28+$0x6060];
	_ =	sdelay $0x4  }
0xd6: {  	v3 =	vand.u32 $0xFFFF, v2  }
0xd7: {  	v2 =	vshra.s32 v2, $0x10;
	_ =	sdelay $0x3  }
0xd8: {  	[tilespmem:v3+s2+$0x0] =	vst.idx.add.f32.msk $0xffff, v1  }
0xd9: {  	[tilespmem:v2+s2+$0x0] =	vst.idx.add.f32.msk $0xffff, v1  }
0xda: {  	v2 =	vld [tilespmem:s28+$0x6070];
	_ =	sdelay $0x4  }
0xdb: {  	v3 =	vand.u32 $0xFFFF, v2  }
0xdc: {  	v2 =	vshra.s32 v2, $0x10;
	_ =	sdelay $0x3  }
0xdd: {  	[tilespmem:v3+s2+$0x0] =	vst.idx.add.f32.msk $0xffff, v1  }
0xde: {  	[tilespmem:v2+s2+$0x0] =	vst.idx.add.f32.msk $0xffff, v1  }
0xdf: {  	v2 =	vld [tilespmem:s28+$0x6400];
	_ =	sdelay $0x4  }
0xe0: {  	v3 =	vand.u32 $0xFFFF, v2  }
0xe1: {  	v2 =	vshra.s32 v2, $0x10;
	_ =	sdelay $0x3  }
0xe2: {  	[tilespmem:v3+s2+$0x0] =	vst.idx.add.f32.msk $0xffff, v1  }
0xe3: {  	[tilespmem:v2+s2+$0x0] =	vst.idx.add.f32.msk $0xffff, v1  }
0xe4: {  	v2 =	vld [tilespmem:s28+$0x6410];
	_ =	sdelay $0x4  }
0xe5: {  	v3 =	vand.u32 $0xFFFF, v2  }
0xe6: {  	v2 =	vshra.s32 v2, $0x10;
	_ =	sdelay $0x3  }
0xe7: {  	[tilespmem:v3+s2+$0x0] =	vst.idx.add.f32.msk $0xffff, v1  }
0xe8: {  	[tilespmem:v2+s2+$0x0] =	vst.idx.add.f32.msk $0xffff, v1  }
0xe9: {  	v2 =	vld [tilespmem:s28+$0x6420];
	_ =	sdelay $0x4  }
0xea: {  	v3 =	vand.u32 $0xFFFF, v2  }
0xeb: {  	v2 =	vshra.s32 v2, $0x10;
	_ =	sdelay $0x3  }
0xec: {  	[tilespmem:v3+s2+$0x0] =	vst.idx.add.f32.msk $0xffff, v1  }
0xed: {  	[tilespmem:v2+s2+$0x0] =	vst.idx.add.f32.msk $0xffff, v1  }
0xee: {  	v2 =	vld [tilespmem:s28+$0x6430];
	_ =	sdelay $0x4  }
0xef: {  	v3 =	vand.u32 $0xFFFF, v2  }
0xf0: {  	v2 =	vshra.s32 v2, $0x10;
	_ =	sdelay $0x3  }
0xf1: {  	[tilespmem:v3+s2+$0x0] =	vst.idx.add.f32.msk $0xffff, v1  }
0xf2: {  	[tilespmem:v2+s2+$0x0] =	vst.idx.add.f32.msk $0xffff, v1  }
0xf3: {  	v2 =	vld [tilespmem:s28+$0x6440];
	_ =	sdelay $0x4  }
0xf4: {  	v3 =	vand.u32 $0xFFFF, v2  }
0xf5: {  	v2 =	vshra.s32 v2, $0x10;
	_ =	sdelay $0x3  }
0xf6: {  	[tilespmem:v3+s2+$0x0] =	vst.idx.add.f32.msk $0xffff, v1  }
0xf7: {  	[tilespmem:v2+s2+$0x0] =	vst.idx.add.f32.msk $0xffff, v1  }
0xf8: {  	v2 =	vld [tilespmem:s28+$0x6450];
	_ =	sdelay $0x4  }
0xf9: {  	v3 =	vand.u32 $0xFFFF, v2  }
0xfa: {  	v2 =	vshra.s32 v2, $0x10;
	_ =	sdelay $0x3  }
0xfb: {  	[tilespmem:v3+s2+$0x0] =	vst.idx.add.f32.msk $0xffff, v1  }
0xfc: {  	[tilespmem:v2+s2+$0x0] =	vst.idx.add.f32.msk $0xffff, v1  }
0xfd: {  	v2 =	vld [tilespmem:s28+$0x6460];
	_ =	sdelay $0x4  }
0xfe: {  	v3 =	vand.u32 $0xFFFF, v2  }
0xff: {  	v2 =	vshra.s32 v2, $0x10;
	_ =	sdelay $0x3  }
0x100: {  	[tilespmem:v3+s2+$0x0] =	vst.idx.add.f32.msk $0xffff, v1  }
0x101: {  	[tilespmem:v2+s2+$0x0] =	vst.idx.add.f32.msk $0xffff, v1  }
0x102: {  	v2 =	vld [tilespmem:s28+$0x6470];
	_ =	sdelay $0x4  }
0x103: {  	v3 =	vand.u32 $0xFFFF, v2  }
0x104: {  	p0 =	sne.s32 s26, $0x1F00;
	v2 =	vshra.s32 v2, $0x10  }
.Ltmp2:
0x105: {  	_ = 	snop;
	(pc) =	sbr.rel @p0 .LBB2_6-.Ltmp2, $3  }
0x106: {  	_ =	sdelay $0x1  }
0x107: {  	[tilespmem:v3+s2+$0x0] =	vst.idx.add.f32.msk $0xffff, v1  }
0x108: {  	s25 =	sadd.s32 $0x80, s25;
	s26 =	sadd.s32 $0x100, s26;
	[tilespmem:v2+s2+$0x0] =	vst.idx.add.f32.msk $0xffff, v1  }
0x109: {  	_ =	swait.ge [sflag:s19], $0x2000  }
0x10a: {  	[sflag:s19] =	ssyncset.done $0x0  }
0x10b: {  	s25 =	simm.s32 $0x0;
	s26 =	simm.s32 $0x0;
	[sflag:s19] =	ssyncadd.s32 $0xFFFFE000  }
0x10c: {  	[tilespmem:s15], [sflag:$0x2] =	stream.linear.gather [hbm4b:s9+s25], $0x2000, $0x38;
	[tilespmem:$0xC000] =	vst v63  }
.LBB2_8:
0x10d: {  	s28 =	sand.u32 $0x1800, s26;
	s29 =	sand.u32 $0x380, s25  }
0x10e: {  	s28 =	sor.u32 s29, s28  }
0x10f: {  	v2 =	vld [tilespmem:s28+$0x8000];
	_ =	sdelay $0x4  }
0x110: {  	v3 =	vand.u32 $0xFFFF, v2  }
0x111: {  	v2 =	vshra.s32 v2, $0x10;
	_ =	sdelay $0x3  }
0x112: {  	[tilespmem:v3+s2+$0x0] =	vst.idx.add.f32.msk $0xffff, v1  }
0x113: {  	[tilespmem:v2+s2+$0x0] =	vst.idx.add.f32.msk $0xffff, v1  }
0x114: {  	v2 =	vld [tilespmem:s28+$0x8010];
	_ =	sdelay $0x4  }
0x115: {  	v3 =	vand.u32 $0xFFFF, v2  }
0x116: {  	v2 =	vshra.s32 v2, $0x10;
	_ =	sdelay $0x3  }
0x117: {  	[tilespmem:v3+s2+$0x0] =	vst.idx.add.f32.msk $0xffff, v1  }
0x118: {  	[tilespmem:v2+s2+$0x0] =	vst.idx.add.f32.msk $0xffff, v1  }
0x119: {  	v2 =	vld [tilespmem:s28+$0x8020];
	_ =	sdelay $0x4  }
0x11a: {  	v3 =	vand.u32 $0xFFFF, v2  }
0x11b: {  	v2 =	vshra.s32 v2, $0x10;
	_ =	sdelay $0x3  }
0x11c: {  	[tilespmem:v3+s2+$0x0] =	vst.idx.add.f32.msk $0xffff, v1  }
0x11d: {  	[tilespmem:v2+s2+$0x0] =	vst.idx.add.f32.msk $0xffff, v1  }
0x11e: {  	v2 =	vld [tilespmem:s28+$0x8030];
	_ =	sdelay $0x4  }
0x11f: {  	v3 =	vand.u32 $0xFFFF, v2  }
0x120: {  	v2 =	vshra.s32 v2, $0x10;
	_ =	sdelay $0x3  }
0x121: {  	[tilespmem:v3+s2+$0x0] =	vst.idx.add.f32.msk $0xffff, v1  }
0x122: {  	[tilespmem:v2+s2+$0x0] =	vst.idx.add.f32.msk $0xffff, v1  }
0x123: {  	v2 =	vld [tilespmem:s28+$0x8040];
	_ =	sdelay $0x4  }
0x124: {  	v3 =	vand.u32 $0xFFFF, v2  }
0x125: {  	v2 =	vshra.s32 v2, $0x10;
	_ =	sdelay $0x3  }
0x126: {  	[tilespmem:v3+s2+$0x0] =	vst.idx.add.f32.msk $0xffff, v1  }
0x127: {  	[tilespmem:v2+s2+$0x0] =	vst.idx.add.f32.msk $0xffff, v1  }
0x128: {  	v2 =	vld [tilespmem:s28+$0x8050];
	_ =	sdelay $0x4  }
0x129: {  	v3 =	vand.u32 $0xFFFF, v2  }
0x12a: {  	v2 =	vshra.s32 v2, $0x10;
	_ =	sdelay $0x3  }
0x12b: {  	[tilespmem:v3+s2+$0x0] =	vst.idx.add.f32.msk $0xffff, v1  }
0x12c: {  	[tilespmem:v2+s2+$0x0] =	vst.idx.add.f32.msk $0xffff, v1  }
0x12d: {  	v2 =	vld [tilespmem:s28+$0x8060];
	_ =	sdelay $0x4  }
0x12e: {  	v3 =	vand.u32 $0xFFFF, v2  }
0x12f: {  	v2 =	vshra.s32 v2, $0x10;
	_ =	sdelay $0x3  }
0x130: {  	[tilespmem:v3+s2+$0x0] =	vst.idx.add.f32.msk $0xffff, v1  }
0x131: {  	[tilespmem:v2+s2+$0x0] =	vst.idx.add.f32.msk $0xffff, v1  }
0x132: {  	v2 =	vld [tilespmem:s28+$0x8070];
	_ =	sdelay $0x4  }
0x133: {  	v3 =	vand.u32 $0xFFFF, v2  }
0x134: {  	v2 =	vshra.s32 v2, $0x10;
	_ =	sdelay $0x3  }
0x135: {  	[tilespmem:v3+s2+$0x0] =	vst.idx.add.f32.msk $0xffff, v1  }
0x136: {  	[tilespmem:v2+s2+$0x0] =	vst.idx.add.f32.msk $0xffff, v1  }
0x137: {  	v2 =	vld [tilespmem:s28+$0x8400];
	_ =	sdelay $0x4  }
0x138: {  	v3 =	vand.u32 $0xFFFF, v2  }
0x139: {  	v2 =	vshra.s32 v2, $0x10;
	_ =	sdelay $0x3  }
0x13a: {  	[tilespmem:v3+s2+$0x0] =	vst.idx.add.f32.msk $0xffff, v1  }
0x13b: {  	[tilespmem:v2+s2+$0x0] =	vst.idx.add.f32.msk $0xffff, v1  }
0x13c: {  	v2 =	vld [tilespmem:s28+$0x8410];
	_ =	sdelay $0x4  }
0x13d: {  	v3 =	vand.u32 $0xFFFF, v2  }
0x13e: {  	v2 =	vshra.s32 v2, $0x10;
	_ =	sdelay $0x3  }
0x13f: {  	[tilespmem:v3+s2+$0x0] =	vst.idx.add.f32.msk $0xffff, v1  }
0x140: {  	[tilespmem:v2+s2+$0x0] =	vst.idx.add.f32.msk $0xffff, v1  }
0x141: {  	v2 =	vld [tilespmem:s28+$0x8420];
	_ =	sdelay $0x4  }
0x142: {  	v3 =	vand.u32 $0xFFFF, v2  }
0x143: {  	v2 =	vshra.s32 v2, $0x10;
	_ =	sdelay $0x3  }
0x144: {  	[tilespmem:v3+s2+$0x0] =	vst.idx.add.f32.msk $0xffff, v1  }
0x145: {  	[tilespmem:v2+s2+$0x0] =	vst.idx.add.f32.msk $0xffff, v1  }
0x146: {  	v2 =	vld [tilespmem:s28+$0x8430];
	_ =	sdelay $0x4  }
0x147: {  	v3 =	vand.u32 $0xFFFF, v2  }
0x148: {  	v2 =	vshra.s32 v2, $0x10;
	_ =	sdelay $0x3  }
0x149: {  	[tilespmem:v3+s2+$0x0] =	vst.idx.add.f32.msk $0xffff, v1  }
0x14a: {  	[tilespmem:v2+s2+$0x0] =	vst.idx.add.f32.msk $0xffff, v1  }
0x14b: {  	v2 =	vld [tilespmem:s28+$0x8440];
	_ =	sdelay $0x4  }
0x14c: {  	v3 =	vand.u32 $0xFFFF, v2  }
0x14d: {  	v2 =	vshra.s32 v2, $0x10;
	_ =	sdelay $0x3  }
0x14e: {  	[tilespmem:v3+s2+$0x0] =	vst.idx.add.f32.msk $0xffff, v1  }
0x14f: {  	[tilespmem:v2+s2+$0x0] =	vst.idx.add.f32.msk $0xffff, v1  }
0x150: {  	v2 =	vld [tilespmem:s28+$0x8450];
	_ =	sdelay $0x4  }
0x151: {  	v3 =	vand.u32 $0xFFFF, v2  }
0x152: {  	v2 =	vshra.s32 v2, $0x10;
	_ =	sdelay $0x3  }
0x153: {  	[tilespmem:v3+s2+$0x0] =	vst.idx.add.f32.msk $0xffff, v1  }
0x154: {  	[tilespmem:v2+s2+$0x0] =	vst.idx.add.f32.msk $0xffff, v1  }
0x155: {  	v2 =	vld [tilespmem:s28+$0x8460];
	_ =	sdelay $0x4  }
0x156: {  	v3 =	vand.u32 $0xFFFF, v2  }
0x157: {  	v2 =	vshra.s32 v2, $0x10;
	_ =	sdelay $0x3  }
0x158: {  	[tilespmem:v3+s2+$0x0] =	vst.idx.add.f32.msk $0xffff, v1  }
0x159: {  	[tilespmem:v2+s2+$0x0] =	vst.idx.add.f32.msk $0xffff, v1  }
0x15a: {  	v2 =	vld [tilespmem:s28+$0x8470];
	_ =	sdelay $0x4  }
0x15b: {  	v3 =	vand.u32 $0xFFFF, v2  }
0x15c: {  	p0 =	sne.s32 s26, $0x1F00;
	v2 =	vshra.s32 v2, $0x10  }
.Ltmp3:
0x15d: {  	_ = 	snop;
	(pc) =	sbr.rel @p0 .LBB2_8-.Ltmp3, $3  }
0x15e: {  	_ =	sdelay $0x1  }
0x15f: {  	[tilespmem:v3+s2+$0x0] =	vst.idx.add.f32.msk $0xffff, v1  }
0x160: {  	s25 =	sadd.s32 $0x80, s25;
	s26 =	sadd.s32 $0x100, s26;
	[tilespmem:v2+s2+$0x0] =	vst.idx.add.f32.msk $0xffff, v1  }
0x161: {  	_ =	swait.ge [sflag:s20], $0x2000  }
0x162: {  	[sflag:s20] =	ssyncset.done $0x0  }
0x163: {  	s25 =	simm.s32 $0x0;
	s26 =	simm.s32 $0x0;
	[sflag:s20] =	ssyncadd.s32 $0xFFFFE000  }
0x164: {  	[tilespmem:s16], [sflag:$0x3] =	stream.linear.gather [hbm4b:s10+s25], $0x2000, $0x38;
	[tilespmem:$0xC000] =	vst v63  }
.LBB2_10:
0x165: {  	s28 =	sand.u32 $0x1800, s26;
	s29 =	sand.u32 $0x380, s25  }
0x166: {  	s28 =	sor.u32 s29, s28  }
0x167: {  	v2 =	vld [tilespmem:s28+$0xA000];
	_ =	sdelay $0x4  }
0x168: {  	v3 =	vand.u32 $0xFFFF, v2  }
0x169: {  	v2 =	vshra.s32 v2, $0x10;
	_ =	sdelay $0x3  }
0x16a: {  	[tilespmem:v3+s2+$0x0] =	vst.idx.add.f32.msk $0xffff, v1  }
0x16b: {  	[tilespmem:v2+s2+$0x0] =	vst.idx.add.f32.msk $0xffff, v1  }
0x16c: {  	v2 =	vld [tilespmem:s28+$0xA010];
	_ =	sdelay $0x4  }
0x16d: {  	v3 =	vand.u32 $0xFFFF, v2  }
0x16e: {  	v2 =	vshra.s32 v2, $0x10;
	_ =	sdelay $0x3  }
0x16f: {  	[tilespmem:v3+s2+$0x0] =	vst.idx.add.f32.msk $0xffff, v1  }
0x170: {  	[tilespmem:v2+s2+$0x0] =	vst.idx.add.f32.msk $0xffff, v1  }
0x171: {  	v2 =	vld [tilespmem:s28+$0xA020];
	_ =	sdelay $0x4  }
0x172: {  	v3 =	vand.u32 $0xFFFF, v2  }
0x173: {  	v2 =	vshra.s32 v2, $0x10;
	_ =	sdelay $0x3  }
0x174: {  	[tilespmem:v3+s2+$0x0] =	vst.idx.add.f32.msk $0xffff, v1  }
0x175: {  	[tilespmem:v2+s2+$0x0] =	vst.idx.add.f32.msk $0xffff, v1  }
0x176: {  	v2 =	vld [tilespmem:s28+$0xA030];
	_ =	sdelay $0x4  }
0x177: {  	v3 =	vand.u32 $0xFFFF, v2  }
0x178: {  	v2 =	vshra.s32 v2, $0x10;
	_ =	sdelay $0x3  }
0x179: {  	[tilespmem:v3+s2+$0x0] =	vst.idx.add.f32.msk $0xffff, v1  }
0x17a: {  	[tilespmem:v2+s2+$0x0] =	vst.idx.add.f32.msk $0xffff, v1  }
0x17b: {  	v2 =	vld [tilespmem:s28+$0xA040];
	_ =	sdelay $0x4  }
0x17c: {  	v3 =	vand.u32 $0xFFFF, v2  }
0x17d: {  	v2 =	vshra.s32 v2, $0x10;
	_ =	sdelay $0x3  }
0x17e: {  	[tilespmem:v3+s2+$0x0] =	vst.idx.add.f32.msk $0xffff, v1  }
0x17f: {  	[tilespmem:v2+s2+$0x0] =	vst.idx.add.f32.msk $0xffff, v1  }
0x180: {  	v2 =	vld [tilespmem:s28+$0xA050];
	_ =	sdelay $0x4  }
0x181: {  	v3 =	vand.u32 $0xFFFF, v2  }
0x182: {  	v2 =	vshra.s32 v2, $0x10;
	_ =	sdelay $0x3  }
0x183: {  	[tilespmem:v3+s2+$0x0] =	vst.idx.add.f32.msk $0xffff, v1  }
0x184: {  	[tilespmem:v2+s2+$0x0] =	vst.idx.add.f32.msk $0xffff, v1  }
0x185: {  	v2 =	vld [tilespmem:s28+$0xA060];
	_ =	sdelay $0x4  }
0x186: {  	v3 =	vand.u32 $0xFFFF, v2  }
0x187: {  	v2 =	vshra.s32 v2, $0x10;
	_ =	sdelay $0x3  }
0x188: {  	[tilespmem:v3+s2+$0x0] =	vst.idx.add.f32.msk $0xffff, v1  }
0x189: {  	[tilespmem:v2+s2+$0x0] =	vst.idx.add.f32.msk $0xffff, v1  }
0x18a: {  	v2 =	vld [tilespmem:s28+$0xA070];
	_ =	sdelay $0x4  }
0x18b: {  	v3 =	vand.u32 $0xFFFF, v2  }
0x18c: {  	v2 =	vshra.s32 v2, $0x10;
	_ =	sdelay $0x3  }
0x18d: {  	[tilespmem:v3+s2+$0x0] =	vst.idx.add.f32.msk $0xffff, v1  }
0x18e: {  	[tilespmem:v2+s2+$0x0] =	vst.idx.add.f32.msk $0xffff, v1  }
0x18f: {  	v2 =	vld [tilespmem:s28+$0xA400];
	_ =	sdelay $0x4  }
0x190: {  	v3 =	vand.u32 $0xFFFF, v2  }
0x191: {  	v2 =	vshra.s32 v2, $0x10;
	_ =	sdelay $0x3  }
0x192: {  	[tilespmem:v3+s2+$0x0] =	vst.idx.add.f32.msk $0xffff, v1  }
0x193: {  	[tilespmem:v2+s2+$0x0] =	vst.idx.add.f32.msk $0xffff, v1  }
0x194: {  	v2 =	vld [tilespmem:s28+$0xA410];
	_ =	sdelay $0x4  }
0x195: {  	v3 =	vand.u32 $0xFFFF, v2  }
0x196: {  	v2 =	vshra.s32 v2, $0x10;
	_ =	sdelay $0x3  }
0x197: {  	[tilespmem:v3+s2+$0x0] =	vst.idx.add.f32.msk $0xffff, v1  }
0x198: {  	[tilespmem:v2+s2+$0x0] =	vst.idx.add.f32.msk $0xffff, v1  }
0x199: {  	v2 =	vld [tilespmem:s28+$0xA420];
	_ =	sdelay $0x4  }
0x19a: {  	v3 =	vand.u32 $0xFFFF, v2  }
0x19b: {  	v2 =	vshra.s32 v2, $0x10;
	_ =	sdelay $0x3  }
0x19c: {  	[tilespmem:v3+s2+$0x0] =	vst.idx.add.f32.msk $0xffff, v1  }
0x19d: {  	[tilespmem:v2+s2+$0x0] =	vst.idx.add.f32.msk $0xffff, v1  }
0x19e: {  	v2 =	vld [tilespmem:s28+$0xA430];
	_ =	sdelay $0x4  }
0x19f: {  	v3 =	vand.u32 $0xFFFF, v2  }
0x1a0: {  	v2 =	vshra.s32 v2, $0x10;
	_ =	sdelay $0x3  }
0x1a1: {  	[tilespmem:v3+s2+$0x0] =	vst.idx.add.f32.msk $0xffff, v1  }
0x1a2: {  	[tilespmem:v2+s2+$0x0] =	vst.idx.add.f32.msk $0xffff, v1  }
0x1a3: {  	v2 =	vld [tilespmem:s28+$0xA440];
	_ =	sdelay $0x4  }
0x1a4: {  	v3 =	vand.u32 $0xFFFF, v2  }
0x1a5: {  	v2 =	vshra.s32 v2, $0x10;
	_ =	sdelay $0x3  }
0x1a6: {  	[tilespmem:v3+s2+$0x0] =	vst.idx.add.f32.msk $0xffff, v1  }
0x1a7: {  	[tilespmem:v2+s2+$0x0] =	vst.idx.add.f32.msk $0xffff, v1  }
0x1a8: {  	v2 =	vld [tilespmem:s28+$0xA450];
	_ =	sdelay $0x4  }
0x1a9: {  	v3 =	vand.u32 $0xFFFF, v2  }
0x1aa: {  	v2 =	vshra.s32 v2, $0x10;
	_ =	sdelay $0x3  }
0x1ab: {  	[tilespmem:v3+s2+$0x0] =	vst.idx.add.f32.msk $0xffff, v1  }
0x1ac: {  	[tilespmem:v2+s2+$0x0] =	vst.idx.add.f32.msk $0xffff, v1  }
0x1ad: {  	v2 =	vld [tilespmem:s28+$0xA460];
	_ =	sdelay $0x4  }
0x1ae: {  	v3 =	vand.u32 $0xFFFF, v2  }
0x1af: {  	v2 =	vshra.s32 v2, $0x10;
	_ =	sdelay $0x3  }
0x1b0: {  	[tilespmem:v3+s2+$0x0] =	vst.idx.add.f32.msk $0xffff, v1  }
0x1b1: {  	[tilespmem:v2+s2+$0x0] =	vst.idx.add.f32.msk $0xffff, v1  }
0x1b2: {  	v2 =	vld [tilespmem:s28+$0xA470];
	_ =	sdelay $0x4  }
0x1b3: {  	v3 =	vand.u32 $0xFFFF, v2  }
0x1b4: {  	p0 =	sne.s32 s26, $0x1F00;
	v2 =	vshra.s32 v2, $0x10  }
.Ltmp4:
0x1b5: {  	_ = 	snop;
	(pc) =	sbr.rel @p0 .LBB2_10-.Ltmp4, $3  }
0x1b6: {  	_ =	sdelay $0x1  }
0x1b7: {  	[tilespmem:v3+s2+$0x0] =	vst.idx.add.f32.msk $0xffff, v1  }
0x1b8: {  	s25 =	sadd.s32 $0x80, s25;
	s26 =	sadd.s32 $0x100, s26;
	[tilespmem:v2+s2+$0x0] =	vst.idx.add.f32.msk $0xffff, v1  }
0x1b9: {  	_ =	swait.ge [sflag:s3], $0x2000  }
0x1ba: {  	[sflag:s3] =	ssyncset.done $0x0  }
0x1bb: {  	s25 =	simm.s32 $0x0;
	s26 =	simm.s32 $0x0;
	[sflag:s3] =	ssyncadd.s32 $0xFFFFE000  }
0x1bc: {  	[tilespmem:s17], [sflag:$0x4] =	stream.linear.gather [hbm4b:s11+s25], $0x2000, $0x38;
	[tilespmem:$0xC000] =	vst v63  }
.LBB2_12:
0x1bd: {  	s28 =	sand.u32 $0x1800, s26;
	s29 =	sand.u32 $0x380, s25  }
0x1be: {  	s28 =	sor.u32 s29, s28  }
0x1bf: {  	v2 =	vld [tilespmem:s28+$0x4000];
	_ =	sdelay $0x4  }
0x1c0: {  	v3 =	vand.u32 $0xFFFF, v2  }
0x1c1: {  	v2 =	vshra.s32 v2, $0x10;
	_ =	sdelay $0x3  }
0x1c2: {  	[tilespmem:v3+s2+$0x0] =	vst.idx.add.f32.msk $0xffff, v1  }
0x1c3: {  	[tilespmem:v2+s2+$0x0] =	vst.idx.add.f32.msk $0xffff, v1  }
0x1c4: {  	v2 =	vld [tilespmem:s28+$0x4010];
	_ =	sdelay $0x4  }
0x1c5: {  	v3 =	vand.u32 $0xFFFF, v2  }
0x1c6: {  	v2 =	vshra.s32 v2, $0x10;
	_ =	sdelay $0x3  }
0x1c7: {  	[tilespmem:v3+s2+$0x0] =	vst.idx.add.f32.msk $0xffff, v1  }
0x1c8: {  	[tilespmem:v2+s2+$0x0] =	vst.idx.add.f32.msk $0xffff, v1  }
0x1c9: {  	v2 =	vld [tilespmem:s28+$0x4020];
	_ =	sdelay $0x4  }
0x1ca: {  	v3 =	vand.u32 $0xFFFF, v2  }
0x1cb: {  	v2 =	vshra.s32 v2, $0x10;
	_ =	sdelay $0x3  }
0x1cc: {  	[tilespmem:v3+s2+$0x0] =	vst.idx.add.f32.msk $0xffff, v1  }
0x1cd: {  	[tilespmem:v2+s2+$0x0] =	vst.idx.add.f32.msk $0xffff, v1  }
0x1ce: {  	v2 =	vld [tilespmem:s28+$0x4030];
	_ =	sdelay $0x4  }
0x1cf: {  	v3 =	vand.u32 $0xFFFF, v2  }
0x1d0: {  	v2 =	vshra.s32 v2, $0x10;
	_ =	sdelay $0x3  }
0x1d1: {  	[tilespmem:v3+s2+$0x0] =	vst.idx.add.f32.msk $0xffff, v1  }
0x1d2: {  	[tilespmem:v2+s2+$0x0] =	vst.idx.add.f32.msk $0xffff, v1  }
0x1d3: {  	v2 =	vld [tilespmem:s28+$0x4040];
	_ =	sdelay $0x4  }
0x1d4: {  	v3 =	vand.u32 $0xFFFF, v2  }
0x1d5: {  	v2 =	vshra.s32 v2, $0x10;
	_ =	sdelay $0x3  }
0x1d6: {  	[tilespmem:v3+s2+$0x0] =	vst.idx.add.f32.msk $0xffff, v1  }
0x1d7: {  	[tilespmem:v2+s2+$0x0] =	vst.idx.add.f32.msk $0xffff, v1  }
0x1d8: {  	v2 =	vld [tilespmem:s28+$0x4050];
	_ =	sdelay $0x4  }
0x1d9: {  	v3 =	vand.u32 $0xFFFF, v2  }
0x1da: {  	v2 =	vshra.s32 v2, $0x10;
	_ =	sdelay $0x3  }
0x1db: {  	[tilespmem:v3+s2+$0x0] =	vst.idx.add.f32.msk $0xffff, v1  }
0x1dc: {  	[tilespmem:v2+s2+$0x0] =	vst.idx.add.f32.msk $0xffff, v1  }
0x1dd: {  	v2 =	vld [tilespmem:s28+$0x4060];
	_ =	sdelay $0x4  }
0x1de: {  	v3 =	vand.u32 $0xFFFF, v2  }
0x1df: {  	v2 =	vshra.s32 v2, $0x10;
	_ =	sdelay $0x3  }
0x1e0: {  	[tilespmem:v3+s2+$0x0] =	vst.idx.add.f32.msk $0xffff, v1  }
0x1e1: {  	[tilespmem:v2+s2+$0x0] =	vst.idx.add.f32.msk $0xffff, v1  }
0x1e2: {  	v2 =	vld [tilespmem:s28+$0x4070];
	_ =	sdelay $0x4  }
0x1e3: {  	v3 =	vand.u32 $0xFFFF, v2  }
0x1e4: {  	v2 =	vshra.s32 v2, $0x10;
	_ =	sdelay $0x3  }
0x1e5: {  	[tilespmem:v3+s2+$0x0] =	vst.idx.add.f32.msk $0xffff, v1  }
0x1e6: {  	[tilespmem:v2+s2+$0x0] =	vst.idx.add.f32.msk $0xffff, v1  }
0x1e7: {  	v2 =	vld [tilespmem:s28+$0x4400];
	_ =	sdelay $0x4  }
0x1e8: {  	v3 =	vand.u32 $0xFFFF, v2  }
0x1e9: {  	v2 =	vshra.s32 v2, $0x10;
	_ =	sdelay $0x3  }
0x1ea: {  	[tilespmem:v3+s2+$0x0] =	vst.idx.add.f32.msk $0xffff, v1  }
0x1eb: {  	[tilespmem:v2+s2+$0x0] =	vst.idx.add.f32.msk $0xffff, v1  }
0x1ec: {  	v2 =	vld [tilespmem:s28+$0x4410];
	_ =	sdelay $0x4  }
0x1ed: {  	v3 =	vand.u32 $0xFFFF, v2  }
0x1ee: {  	v2 =	vshra.s32 v2, $0x10;
	_ =	sdelay $0x3  }
0x1ef: {  	[tilespmem:v3+s2+$0x0] =	vst.idx.add.f32.msk $0xffff, v1  }
0x1f0: {  	[tilespmem:v2+s2+$0x0] =	vst.idx.add.f32.msk $0xffff, v1  }
0x1f1: {  	v2 =	vld [tilespmem:s28+$0x4420];
	_ =	sdelay $0x4  }
0x1f2: {  	v3 =	vand.u32 $0xFFFF, v2  }
0x1f3: {  	v2 =	vshra.s32 v2, $0x10;
	_ =	sdelay $0x3  }
0x1f4: {  	[tilespmem:v3+s2+$0x0] =	vst.idx.add.f32.msk $0xffff, v1  }
0x1f5: {  	[tilespmem:v2+s2+$0x0] =	vst.idx.add.f32.msk $0xffff, v1  }
0x1f6: {  	v2 =	vld [tilespmem:s28+$0x4430];
	_ =	sdelay $0x4  }
0x1f7: {  	v3 =	vand.u32 $0xFFFF, v2  }
0x1f8: {  	v2 =	vshra.s32 v2, $0x10;
	_ =	sdelay $0x3  }
0x1f9: {  	[tilespmem:v3+s2+$0x0] =	vst.idx.add.f32.msk $0xffff, v1  }
0x1fa: {  	[tilespmem:v2+s2+$0x0] =	vst.idx.add.f32.msk $0xffff, v1  }
0x1fb: {  	v2 =	vld [tilespmem:s28+$0x4440];
	_ =	sdelay $0x4  }
0x1fc: {  	v3 =	vand.u32 $0xFFFF, v2  }
0x1fd: {  	v2 =	vshra.s32 v2, $0x10;
	_ =	sdelay $0x3  }
0x1fe: {  	[tilespmem:v3+s2+$0x0] =	vst.idx.add.f32.msk $0xffff, v1  }
0x1ff: {  	[tilespmem:v2+s2+$0x0] =	vst.idx.add.f32.msk $0xffff, v1  }
0x200: {  	v2 =	vld [tilespmem:s28+$0x4450];
	_ =	sdelay $0x4  }
0x201: {  	v3 =	vand.u32 $0xFFFF, v2  }
0x202: {  	v2 =	vshra.s32 v2, $0x10;
	_ =	sdelay $0x3  }
0x203: {  	[tilespmem:v3+s2+$0x0] =	vst.idx.add.f32.msk $0xffff, v1  }
0x204: {  	[tilespmem:v2+s2+$0x0] =	vst.idx.add.f32.msk $0xffff, v1  }
0x205: {  	v2 =	vld [tilespmem:s28+$0x4460];
	_ =	sdelay $0x4  }
0x206: {  	v3 =	vand.u32 $0xFFFF, v2  }
0x207: {  	v2 =	vshra.s32 v2, $0x10;
	_ =	sdelay $0x3  }
0x208: {  	[tilespmem:v3+s2+$0x0] =	vst.idx.add.f32.msk $0xffff, v1  }
0x209: {  	[tilespmem:v2+s2+$0x0] =	vst.idx.add.f32.msk $0xffff, v1  }
0x20a: {  	v2 =	vld [tilespmem:s28+$0x4470];
	_ =	sdelay $0x4  }
0x20b: {  	v3 =	vand.u32 $0xFFFF, v2  }
0x20c: {  	p0 =	sne.s32 s26, $0x1F00;
	v2 =	vshra.s32 v2, $0x10  }
.Ltmp5:
0x20d: {  	_ = 	snop;
	(pc) =	sbr.rel @p0 .LBB2_12-.Ltmp5, $3  }
0x20e: {  	_ =	sdelay $0x1  }
0x20f: {  	[tilespmem:v3+s2+$0x0] =	vst.idx.add.f32.msk $0xffff, v1  }
0x210: {  	s25 =	sadd.s32 $0x80, s25;
	s26 =	sadd.s32 $0x100, s26;
	[tilespmem:v2+s2+$0x0] =	vst.idx.add.f32.msk $0xffff, v1  }
0x211: {  	_ =	swait.ge [sflag:s18], $0x2000  }
0x212: {  	[sflag:s18] =	ssyncset.done $0x0  }
0x213: {  	s25 =	simm.s32 $0x0;
	s26 =	simm.s32 $0x0;
	[sflag:s18] =	ssyncadd.s32 $0xFFFFE000  }
.LBB2_14:
0x214: {  	s28 =	sand.u32 $0x1800, s26;
	s29 =	sand.u32 $0x380, s25  }
0x215: {  	s28 =	sor.u32 s29, s28  }
0x216: {  	v2 =	vld [tilespmem:s28+$0x6000];
	_ =	sdelay $0x4  }
0x217: {  	v3 =	vand.u32 $0xFFFF, v2  }
0x218: {  	v2 =	vshra.s32 v2, $0x10;
	_ =	sdelay $0x3  }
0x219: {  	[tilespmem:v3+s2+$0x0] =	vst.idx.add.f32.msk $0xffff, v1  }
0x21a: {  	[tilespmem:v2+s2+$0x0] =	vst.idx.add.f32.msk $0xffff, v1  }
0x21b: {  	v2 =	vld [tilespmem:s28+$0x6010];
	_ =	sdelay $0x4  }
0x21c: {  	v3 =	vand.u32 $0xFFFF, v2  }
0x21d: {  	v2 =	vshra.s32 v2, $0x10;
	_ =	sdelay $0x3  }
0x21e: {  	[tilespmem:v3+s2+$0x0] =	vst.idx.add.f32.msk $0xffff, v1  }
0x21f: {  	[tilespmem:v2+s2+$0x0] =	vst.idx.add.f32.msk $0xffff, v1  }
0x220: {  	v2 =	vld [tilespmem:s28+$0x6020];
	_ =	sdelay $0x4  }
0x221: {  	v3 =	vand.u32 $0xFFFF, v2  }
0x222: {  	v2 =	vshra.s32 v2, $0x10;
	_ =	sdelay $0x3  }
0x223: {  	[tilespmem:v3+s2+$0x0] =	vst.idx.add.f32.msk $0xffff, v1  }
0x224: {  	[tilespmem:v2+s2+$0x0] =	vst.idx.add.f32.msk $0xffff, v1  }
0x225: {  	v2 =	vld [tilespmem:s28+$0x6030];
	_ =	sdelay $0x4  }
0x226: {  	v3 =	vand.u32 $0xFFFF, v2  }
0x227: {  	v2 =	vshra.s32 v2, $0x10;
	_ =	sdelay $0x3  }
0x228: {  	[tilespmem:v3+s2+$0x0] =	vst.idx.add.f32.msk $0xffff, v1  }
0x229: {  	[tilespmem:v2+s2+$0x0] =	vst.idx.add.f32.msk $0xffff, v1  }
0x22a: {  	v2 =	vld [tilespmem:s28+$0x6040];
	_ =	sdelay $0x4  }
0x22b: {  	v3 =	vand.u32 $0xFFFF, v2  }
0x22c: {  	v2 =	vshra.s32 v2, $0x10;
	_ =	sdelay $0x3  }
0x22d: {  	[tilespmem:v3+s2+$0x0] =	vst.idx.add.f32.msk $0xffff, v1  }
0x22e: {  	[tilespmem:v2+s2+$0x0] =	vst.idx.add.f32.msk $0xffff, v1  }
0x22f: {  	v2 =	vld [tilespmem:s28+$0x6050];
	_ =	sdelay $0x4  }
0x230: {  	v3 =	vand.u32 $0xFFFF, v2  }
0x231: {  	v2 =	vshra.s32 v2, $0x10;
	_ =	sdelay $0x3  }
0x232: {  	[tilespmem:v3+s2+$0x0] =	vst.idx.add.f32.msk $0xffff, v1  }
0x233: {  	[tilespmem:v2+s2+$0x0] =	vst.idx.add.f32.msk $0xffff, v1  }
0x234: {  	v2 =	vld [tilespmem:s28+$0x6060];
	_ =	sdelay $0x4  }
0x235: {  	v3 =	vand.u32 $0xFFFF, v2  }
0x236: {  	v2 =	vshra.s32 v2, $0x10;
	_ =	sdelay $0x3  }
0x237: {  	[tilespmem:v3+s2+$0x0] =	vst.idx.add.f32.msk $0xffff, v1  }
0x238: {  	[tilespmem:v2+s2+$0x0] =	vst.idx.add.f32.msk $0xffff, v1  }
0x239: {  	v2 =	vld [tilespmem:s28+$0x6070];
	_ =	sdelay $0x4  }
0x23a: {  	v3 =	vand.u32 $0xFFFF, v2  }
0x23b: {  	v2 =	vshra.s32 v2, $0x10;
	_ =	sdelay $0x3  }
0x23c: {  	[tilespmem:v3+s2+$0x0] =	vst.idx.add.f32.msk $0xffff, v1  }
0x23d: {  	[tilespmem:v2+s2+$0x0] =	vst.idx.add.f32.msk $0xffff, v1  }
0x23e: {  	v2 =	vld [tilespmem:s28+$0x6400];
	_ =	sdelay $0x4  }
0x23f: {  	v3 =	vand.u32 $0xFFFF, v2  }
0x240: {  	v2 =	vshra.s32 v2, $0x10;
	_ =	sdelay $0x3  }
0x241: {  	[tilespmem:v3+s2+$0x0] =	vst.idx.add.f32.msk $0xffff, v1  }
0x242: {  	[tilespmem:v2+s2+$0x0] =	vst.idx.add.f32.msk $0xffff, v1  }
0x243: {  	v2 =	vld [tilespmem:s28+$0x6410];
	_ =	sdelay $0x4  }
0x244: {  	v3 =	vand.u32 $0xFFFF, v2  }
0x245: {  	v2 =	vshra.s32 v2, $0x10;
	_ =	sdelay $0x3  }
0x246: {  	[tilespmem:v3+s2+$0x0] =	vst.idx.add.f32.msk $0xffff, v1  }
0x247: {  	[tilespmem:v2+s2+$0x0] =	vst.idx.add.f32.msk $0xffff, v1  }
0x248: {  	v2 =	vld [tilespmem:s28+$0x6420];
	_ =	sdelay $0x4  }
0x249: {  	v3 =	vand.u32 $0xFFFF, v2  }
0x24a: {  	v2 =	vshra.s32 v2, $0x10;
	_ =	sdelay $0x3  }
0x24b: {  	[tilespmem:v3+s2+$0x0] =	vst.idx.add.f32.msk $0xffff, v1  }
0x24c: {  	[tilespmem:v2+s2+$0x0] =	vst.idx.add.f32.msk $0xffff, v1  }
0x24d: {  	v2 =	vld [tilespmem:s28+$0x6430];
	_ =	sdelay $0x4  }
0x24e: {  	v3 =	vand.u32 $0xFFFF, v2  }
0x24f: {  	v2 =	vshra.s32 v2, $0x10;
	_ =	sdelay $0x3  }
0x250: {  	[tilespmem:v3+s2+$0x0] =	vst.idx.add.f32.msk $0xffff, v1  }
0x251: {  	[tilespmem:v2+s2+$0x0] =	vst.idx.add.f32.msk $0xffff, v1  }
0x252: {  	v2 =	vld [tilespmem:s28+$0x6440];
	_ =	sdelay $0x4  }
0x253: {  	v3 =	vand.u32 $0xFFFF, v2  }
0x254: {  	v2 =	vshra.s32 v2, $0x10;
	_ =	sdelay $0x3  }
0x255: {  	[tilespmem:v3+s2+$0x0] =	vst.idx.add.f32.msk $0xffff, v1  }
0x256: {  	[tilespmem:v2+s2+$0x0] =	vst.idx.add.f32.msk $0xffff, v1  }
0x257: {  	v2 =	vld [tilespmem:s28+$0x6450];
	_ =	sdelay $0x4  }
0x258: {  	v3 =	vand.u32 $0xFFFF, v2  }
0x259: {  	v2 =	vshra.s32 v2, $0x10;
	_ =	sdelay $0x3  }
0x25a: {  	[tilespmem:v3+s2+$0x0] =	vst.idx.add.f32.msk $0xffff, v1  }
0x25b: {  	[tilespmem:v2+s2+$0x0] =	vst.idx.add.f32.msk $0xffff, v1  }
0x25c: {  	v2 =	vld [tilespmem:s28+$0x6460];
	_ =	sdelay $0x4  }
0x25d: {  	v3 =	vand.u32 $0xFFFF, v2  }
0x25e: {  	v2 =	vshra.s32 v2, $0x10;
	_ =	sdelay $0x3  }
0x25f: {  	[tilespmem:v3+s2+$0x0] =	vst.idx.add.f32.msk $0xffff, v1  }
0x260: {  	[tilespmem:v2+s2+$0x0] =	vst.idx.add.f32.msk $0xffff, v1  }
0x261: {  	v2 =	vld [tilespmem:s28+$0x6470];
	_ =	sdelay $0x4  }
0x262: {  	v3 =	vand.u32 $0xFFFF, v2  }
0x263: {  	p0 =	sne.s32 s26, $0x1F00;
	v2 =	vshra.s32 v2, $0x10  }
.Ltmp6:
0x264: {  	_ = 	snop;
	(pc) =	sbr.rel @p0 .LBB2_14-.Ltmp6, $3  }
0x265: {  	_ =	sdelay $0x1  }
0x266: {  	[tilespmem:v3+s2+$0x0] =	vst.idx.add.f32.msk $0xffff, v1  }
0x267: {  	s25 =	sadd.s32 $0x80, s25;
	s26 =	sadd.s32 $0x100, s26;
	[tilespmem:v2+s2+$0x0] =	vst.idx.add.f32.msk $0xffff, v1  }
0x268: {  	_ =	swait.ge [sflag:s19], $0x2000  }
0x269: {  	[sflag:s19] =	ssyncset.done $0x0  }
0x26a: {  	s25 =	simm.s32 $0x0;
	s26 =	simm.s32 $0x0;
	[sflag:s19] =	ssyncadd.s32 $0xFFFFE000  }
.LBB2_16:
0x26b: {  	s28 =	sand.u32 $0x1800, s26;
	s29 =	sand.u32 $0x380, s25  }
0x26c: {  	s28 =	sor.u32 s29, s28  }
0x26d: {  	v2 =	vld [tilespmem:s28+$0x8000];
	_ =	sdelay $0x4  }
0x26e: {  	v3 =	vand.u32 $0xFFFF, v2  }
0x26f: {  	v2 =	vshra.s32 v2, $0x10;
	_ =	sdelay $0x3  }
0x270: {  	[tilespmem:v3+s2+$0x0] =	vst.idx.add.f32.msk $0xffff, v1  }
0x271: {  	[tilespmem:v2+s2+$0x0] =	vst.idx.add.f32.msk $0xffff, v1  }
0x272: {  	v2 =	vld [tilespmem:s28+$0x8010];
	_ =	sdelay $0x4  }
0x273: {  	v3 =	vand.u32 $0xFFFF, v2  }
0x274: {  	v2 =	vshra.s32 v2, $0x10;
	_ =	sdelay $0x3  }
0x275: {  	[tilespmem:v3+s2+$0x0] =	vst.idx.add.f32.msk $0xffff, v1  }
0x276: {  	[tilespmem:v2+s2+$0x0] =	vst.idx.add.f32.msk $0xffff, v1  }
0x277: {  	v2 =	vld [tilespmem:s28+$0x8020];
	_ =	sdelay $0x4  }
0x278: {  	v3 =	vand.u32 $0xFFFF, v2  }
0x279: {  	v2 =	vshra.s32 v2, $0x10;
	_ =	sdelay $0x3  }
0x27a: {  	[tilespmem:v3+s2+$0x0] =	vst.idx.add.f32.msk $0xffff, v1  }
0x27b: {  	[tilespmem:v2+s2+$0x0] =	vst.idx.add.f32.msk $0xffff, v1  }
0x27c: {  	v2 =	vld [tilespmem:s28+$0x8030];
	_ =	sdelay $0x4  }
0x27d: {  	v3 =	vand.u32 $0xFFFF, v2  }
0x27e: {  	v2 =	vshra.s32 v2, $0x10;
	_ =	sdelay $0x3  }
0x27f: {  	[tilespmem:v3+s2+$0x0] =	vst.idx.add.f32.msk $0xffff, v1  }
0x280: {  	[tilespmem:v2+s2+$0x0] =	vst.idx.add.f32.msk $0xffff, v1  }
0x281: {  	v2 =	vld [tilespmem:s28+$0x8040];
	_ =	sdelay $0x4  }
0x282: {  	v3 =	vand.u32 $0xFFFF, v2  }
0x283: {  	v2 =	vshra.s32 v2, $0x10;
	_ =	sdelay $0x3  }
0x284: {  	[tilespmem:v3+s2+$0x0] =	vst.idx.add.f32.msk $0xffff, v1  }
0x285: {  	[tilespmem:v2+s2+$0x0] =	vst.idx.add.f32.msk $0xffff, v1  }
0x286: {  	v2 =	vld [tilespmem:s28+$0x8050];
	_ =	sdelay $0x4  }
0x287: {  	v3 =	vand.u32 $0xFFFF, v2  }
0x288: {  	v2 =	vshra.s32 v2, $0x10;
	_ =	sdelay $0x3  }
0x289: {  	[tilespmem:v3+s2+$0x0] =	vst.idx.add.f32.msk $0xffff, v1  }
0x28a: {  	[tilespmem:v2+s2+$0x0] =	vst.idx.add.f32.msk $0xffff, v1  }
0x28b: {  	v2 =	vld [tilespmem:s28+$0x8060];
	_ =	sdelay $0x4  }
0x28c: {  	v3 =	vand.u32 $0xFFFF, v2  }
0x28d: {  	v2 =	vshra.s32 v2, $0x10;
	_ =	sdelay $0x3  }
0x28e: {  	[tilespmem:v3+s2+$0x0] =	vst.idx.add.f32.msk $0xffff, v1  }
0x28f: {  	[tilespmem:v2+s2+$0x0] =	vst.idx.add.f32.msk $0xffff, v1  }
0x290: {  	v2 =	vld [tilespmem:s28+$0x8070];
	_ =	sdelay $0x4  }
0x291: {  	v3 =	vand.u32 $0xFFFF, v2  }
0x292: {  	v2 =	vshra.s32 v2, $0x10;
	_ =	sdelay $0x3  }
0x293: {  	[tilespmem:v3+s2+$0x0] =	vst.idx.add.f32.msk $0xffff, v1  }
0x294: {  	[tilespmem:v2+s2+$0x0] =	vst.idx.add.f32.msk $0xffff, v1  }
0x295: {  	v2 =	vld [tilespmem:s28+$0x8400];
	_ =	sdelay $0x4  }
0x296: {  	v3 =	vand.u32 $0xFFFF, v2  }
0x297: {  	v2 =	vshra.s32 v2, $0x10;
	_ =	sdelay $0x3  }
0x298: {  	[tilespmem:v3+s2+$0x0] =	vst.idx.add.f32.msk $0xffff, v1  }
0x299: {  	[tilespmem:v2+s2+$0x0] =	vst.idx.add.f32.msk $0xffff, v1  }
0x29a: {  	v2 =	vld [tilespmem:s28+$0x8410];
	_ =	sdelay $0x4  }
0x29b: {  	v3 =	vand.u32 $0xFFFF, v2  }
0x29c: {  	v2 =	vshra.s32 v2, $0x10;
	_ =	sdelay $0x3  }
0x29d: {  	[tilespmem:v3+s2+$0x0] =	vst.idx.add.f32.msk $0xffff, v1  }
0x29e: {  	[tilespmem:v2+s2+$0x0] =	vst.idx.add.f32.msk $0xffff, v1  }
0x29f: {  	v2 =	vld [tilespmem:s28+$0x8420];
	_ =	sdelay $0x4  }
0x2a0: {  	v3 =	vand.u32 $0xFFFF, v2  }
0x2a1: {  	v2 =	vshra.s32 v2, $0x10;
	_ =	sdelay $0x3  }
0x2a2: {  	[tilespmem:v3+s2+$0x0] =	vst.idx.add.f32.msk $0xffff, v1  }
0x2a3: {  	[tilespmem:v2+s2+$0x0] =	vst.idx.add.f32.msk $0xffff, v1  }
0x2a4: {  	v2 =	vld [tilespmem:s28+$0x8430];
	_ =	sdelay $0x4  }
0x2a5: {  	v3 =	vand.u32 $0xFFFF, v2  }
0x2a6: {  	v2 =	vshra.s32 v2, $0x10;
	_ =	sdelay $0x3  }
0x2a7: {  	[tilespmem:v3+s2+$0x0] =	vst.idx.add.f32.msk $0xffff, v1  }
0x2a8: {  	[tilespmem:v2+s2+$0x0] =	vst.idx.add.f32.msk $0xffff, v1  }
0x2a9: {  	v2 =	vld [tilespmem:s28+$0x8440];
	_ =	sdelay $0x4  }
0x2aa: {  	v3 =	vand.u32 $0xFFFF, v2  }
0x2ab: {  	v2 =	vshra.s32 v2, $0x10;
	_ =	sdelay $0x3  }
0x2ac: {  	[tilespmem:v3+s2+$0x0] =	vst.idx.add.f32.msk $0xffff, v1  }
0x2ad: {  	[tilespmem:v2+s2+$0x0] =	vst.idx.add.f32.msk $0xffff, v1  }
0x2ae: {  	v2 =	vld [tilespmem:s28+$0x8450];
	_ =	sdelay $0x4  }
0x2af: {  	v3 =	vand.u32 $0xFFFF, v2  }
0x2b0: {  	v2 =	vshra.s32 v2, $0x10;
	_ =	sdelay $0x3  }
0x2b1: {  	[tilespmem:v3+s2+$0x0] =	vst.idx.add.f32.msk $0xffff, v1  }
0x2b2: {  	[tilespmem:v2+s2+$0x0] =	vst.idx.add.f32.msk $0xffff, v1  }
0x2b3: {  	v2 =	vld [tilespmem:s28+$0x8460];
	_ =	sdelay $0x4  }
0x2b4: {  	v3 =	vand.u32 $0xFFFF, v2  }
0x2b5: {  	v2 =	vshra.s32 v2, $0x10;
	_ =	sdelay $0x3  }
0x2b6: {  	[tilespmem:v3+s2+$0x0] =	vst.idx.add.f32.msk $0xffff, v1  }
0x2b7: {  	[tilespmem:v2+s2+$0x0] =	vst.idx.add.f32.msk $0xffff, v1  }
0x2b8: {  	v2 =	vld [tilespmem:s28+$0x8470];
	_ =	sdelay $0x4  }
0x2b9: {  	v3 =	vand.u32 $0xFFFF, v2  }
0x2ba: {  	p0 =	sne.s32 s26, $0x1F00;
	v2 =	vshra.s32 v2, $0x10  }
.Ltmp7:
0x2bb: {  	_ = 	snop;
	(pc) =	sbr.rel @p0 .LBB2_16-.Ltmp7, $3  }
0x2bc: {  	_ =	sdelay $0x1  }
0x2bd: {  	[tilespmem:v3+s2+$0x0] =	vst.idx.add.f32.msk $0xffff, v1  }
0x2be: {  	s25 =	sadd.s32 $0x80, s25;
	s26 =	sadd.s32 $0x100, s26;
	[tilespmem:v2+s2+$0x0] =	vst.idx.add.f32.msk $0xffff, v1  }
0x2bf: {  	_ =	swait.ge [sflag:s20], $0x2000  }
0x2c0: {  	[sflag:s20] =	ssyncset.done $0x0  }
0x2c1: {  	s25 =	simm.s32 $0x0;
	s26 =	simm.s32 $0x0;
	[sflag:s20] =	ssyncadd.s32 $0xFFFFE000  }
.LBB2_18:
0x2c2: {  	s28 =	sand.u32 $0x1800, s26;
	s29 =	sand.u32 $0x380, s25  }
0x2c3: {  	s28 =	sor.u32 s29, s28  }
0x2c4: {  	v2 =	vld [tilespmem:s28+$0xA000];
	_ =	sdelay $0x4  }
0x2c5: {  	v3 =	vand.u32 $0xFFFF, v2  }
0x2c6: {  	v2 =	vshra.s32 v2, $0x10;
	_ =	sdelay $0x3  }
0x2c7: {  	[tilespmem:v3+s2+$0x0] =	vst.idx.add.f32.msk $0xffff, v1  }
0x2c8: {  	[tilespmem:v2+s2+$0x0] =	vst.idx.add.f32.msk $0xffff, v1  }
0x2c9: {  	v2 =	vld [tilespmem:s28+$0xA010];
	_ =	sdelay $0x4  }
0x2ca: {  	v3 =	vand.u32 $0xFFFF, v2  }
0x2cb: {  	v2 =	vshra.s32 v2, $0x10;
	_ =	sdelay $0x3  }
0x2cc: {  	[tilespmem:v3+s2+$0x0] =	vst.idx.add.f32.msk $0xffff, v1  }
0x2cd: {  	[tilespmem:v2+s2+$0x0] =	vst.idx.add.f32.msk $0xffff, v1  }
0x2ce: {  	v2 =	vld [tilespmem:s28+$0xA020];
	_ =	sdelay $0x4  }
0x2cf: {  	v3 =	vand.u32 $0xFFFF, v2  }
0x2d0: {  	v2 =	vshra.s32 v2, $0x10;
	_ =	sdelay $0x3  }
0x2d1: {  	[tilespmem:v3+s2+$0x0] =	vst.idx.add.f32.msk $0xffff, v1  }
0x2d2: {  	[tilespmem:v2+s2+$0x0] =	vst.idx.add.f32.msk $0xffff, v1  }
0x2d3: {  	v2 =	vld [tilespmem:s28+$0xA030];
	_ =	sdelay $0x4  }
0x2d4: {  	v3 =	vand.u32 $0xFFFF, v2  }
0x2d5: {  	v2 =	vshra.s32 v2, $0x10;
	_ =	sdelay $0x3  }
0x2d6: {  	[tilespmem:v3+s2+$0x0] =	vst.idx.add.f32.msk $0xffff, v1  }
0x2d7: {  	[tilespmem:v2+s2+$0x0] =	vst.idx.add.f32.msk $0xffff, v1  }
0x2d8: {  	v2 =	vld [tilespmem:s28+$0xA040];
	_ =	sdelay $0x4  }
0x2d9: {  	v3 =	vand.u32 $0xFFFF, v2  }
0x2da: {  	v2 =	vshra.s32 v2, $0x10;
	_ =	sdelay $0x3  }
0x2db: {  	[tilespmem:v3+s2+$0x0] =	vst.idx.add.f32.msk $0xffff, v1  }
0x2dc: {  	[tilespmem:v2+s2+$0x0] =	vst.idx.add.f32.msk $0xffff, v1  }
0x2dd: {  	v2 =	vld [tilespmem:s28+$0xA050];
	_ =	sdelay $0x4  }
0x2de: {  	v3 =	vand.u32 $0xFFFF, v2  }
0x2df: {  	v2 =	vshra.s32 v2, $0x10;
	_ =	sdelay $0x3  }
0x2e0: {  	[tilespmem:v3+s2+$0x0] =	vst.idx.add.f32.msk $0xffff, v1  }
0x2e1: {  	[tilespmem:v2+s2+$0x0] =	vst.idx.add.f32.msk $0xffff, v1  }
0x2e2: {  	v2 =	vld [tilespmem:s28+$0xA060];
	_ =	sdelay $0x4  }
0x2e3: {  	v3 =	vand.u32 $0xFFFF, v2  }
0x2e4: {  	v2 =	vshra.s32 v2, $0x10;
	_ =	sdelay $0x3  }
0x2e5: {  	[tilespmem:v3+s2+$0x0] =	vst.idx.add.f32.msk $0xffff, v1  }
0x2e6: {  	[tilespmem:v2+s2+$0x0] =	vst.idx.add.f32.msk $0xffff, v1  }
0x2e7: {  	v2 =	vld [tilespmem:s28+$0xA070];
	_ =	sdelay $0x4  }
0x2e8: {  	v3 =	vand.u32 $0xFFFF, v2  }
0x2e9: {  	v2 =	vshra.s32 v2, $0x10;
	_ =	sdelay $0x3  }
0x2ea: {  	[tilespmem:v3+s2+$0x0] =	vst.idx.add.f32.msk $0xffff, v1  }
0x2eb: {  	[tilespmem:v2+s2+$0x0] =	vst.idx.add.f32.msk $0xffff, v1  }
0x2ec: {  	v2 =	vld [tilespmem:s28+$0xA400];
	_ =	sdelay $0x4  }
0x2ed: {  	v3 =	vand.u32 $0xFFFF, v2  }
0x2ee: {  	v2 =	vshra.s32 v2, $0x10;
	_ =	sdelay $0x3  }
0x2ef: {  	[tilespmem:v3+s2+$0x0] =	vst.idx.add.f32.msk $0xffff, v1  }
0x2f0: {  	[tilespmem:v2+s2+$0x0] =	vst.idx.add.f32.msk $0xffff, v1  }
0x2f1: {  	v2 =	vld [tilespmem:s28+$0xA410];
	_ =	sdelay $0x4  }
0x2f2: {  	v3 =	vand.u32 $0xFFFF, v2  }
0x2f3: {  	v2 =	vshra.s32 v2, $0x10;
	_ =	sdelay $0x3  }
0x2f4: {  	[tilespmem:v3+s2+$0x0] =	vst.idx.add.f32.msk $0xffff, v1  }
0x2f5: {  	[tilespmem:v2+s2+$0x0] =	vst.idx.add.f32.msk $0xffff, v1  }
0x2f6: {  	v2 =	vld [tilespmem:s28+$0xA420];
	_ =	sdelay $0x4  }
0x2f7: {  	v3 =	vand.u32 $0xFFFF, v2  }
0x2f8: {  	v2 =	vshra.s32 v2, $0x10;
	_ =	sdelay $0x3  }
0x2f9: {  	[tilespmem:v3+s2+$0x0] =	vst.idx.add.f32.msk $0xffff, v1  }
0x2fa: {  	[tilespmem:v2+s2+$0x0] =	vst.idx.add.f32.msk $0xffff, v1  }
0x2fb: {  	v2 =	vld [tilespmem:s28+$0xA430];
	_ =	sdelay $0x4  }
0x2fc: {  	v3 =	vand.u32 $0xFFFF, v2  }
0x2fd: {  	v2 =	vshra.s32 v2, $0x10;
	_ =	sdelay $0x3  }
0x2fe: {  	[tilespmem:v3+s2+$0x0] =	vst.idx.add.f32.msk $0xffff, v1  }
0x2ff: {  	[tilespmem:v2+s2+$0x0] =	vst.idx.add.f32.msk $0xffff, v1  }
0x300: {  	v2 =	vld [tilespmem:s28+$0xA440];
	_ =	sdelay $0x4  }
0x301: {  	v3 =	vand.u32 $0xFFFF, v2  }
0x302: {  	v2 =	vshra.s32 v2, $0x10;
	_ =	sdelay $0x3  }
0x303: {  	[tilespmem:v3+s2+$0x0] =	vst.idx.add.f32.msk $0xffff, v1  }
0x304: {  	[tilespmem:v2+s2+$0x0] =	vst.idx.add.f32.msk $0xffff, v1  }
0x305: {  	v2 =	vld [tilespmem:s28+$0xA450];
	_ =	sdelay $0x4  }
0x306: {  	v3 =	vand.u32 $0xFFFF, v2  }
0x307: {  	v2 =	vshra.s32 v2, $0x10;
	_ =	sdelay $0x3  }
0x308: {  	[tilespmem:v3+s2+$0x0] =	vst.idx.add.f32.msk $0xffff, v1  }
0x309: {  	[tilespmem:v2+s2+$0x0] =	vst.idx.add.f32.msk $0xffff, v1  }
0x30a: {  	v2 =	vld [tilespmem:s28+$0xA460];
	_ =	sdelay $0x4  }
0x30b: {  	v3 =	vand.u32 $0xFFFF, v2  }
0x30c: {  	v2 =	vshra.s32 v2, $0x10;
	_ =	sdelay $0x3  }
0x30d: {  	[tilespmem:v3+s2+$0x0] =	vst.idx.add.f32.msk $0xffff, v1  }
0x30e: {  	[tilespmem:v2+s2+$0x0] =	vst.idx.add.f32.msk $0xffff, v1  }
0x30f: {  	v2 =	vld [tilespmem:s28+$0xA470];
	_ =	sdelay $0x4  }
0x310: {  	v3 =	vand.u32 $0xFFFF, v2  }
0x311: {  	p0 =	sne.s32 s26, $0x1F00;
	v2 =	vshra.s32 v2, $0x10  }
.Ltmp8:
0x312: {  	_ = 	snop;
	(pc) =	sbr.rel @p0 .LBB2_18-.Ltmp8, $3  }
0x313: {  	_ =	sdelay $0x1  }
0x314: {  	[tilespmem:v3+s2+$0x0] =	vst.idx.add.f32.msk $0xffff, v1  }
0x315: {  	s25 =	sadd.s32 $0x80, s25;
	s26 =	sadd.s32 $0x100, s26;
	[tilespmem:v2+s2+$0x0] =	vst.idx.add.f32.msk $0xffff, v1  }
0x316: {  	s24 =	sadd.s32 $0x1, s24  }
0x317: {  	p0 =	sne.s32 s24, s13  }
.Ltmp9:
0x318: {  	_ = 	snop;
	(pc) =	sbr.rel @p0 .LBB2_1-.Ltmp9, $4  }
0x319: {  	[hbm4b:s12+s21] =	stream.strided.scatter [tilespmem:s2], [sflag:$0x5], $0x4000, s22, s21, $0x38;
	[tilespmem:$0xC000] =	vst v63  }
0x31a: {  	_ =	swait.ge [sflag:s23], $0x4000  }
0x31b: {  	[sflag:s23] =	ssyncset.done $0x0  }
0x31c: {  	[sflag:s23] =	ssyncadd.s32 $0xFFFFC000  }
0x31d: {  	_ =	sfence.sel $0x180000  }
0x31e: {  	[bflag:$0x0] =	sbarrier.arrive $0xFFFF  }
0x31f: {  	p0 =	sne.s32 s0, $0x0;
	_ =	strace $0x90000047  }
0x320: {  	s0 =	sadd.s32 @!p0 $0x100000, s1;
	[bflag:$0x2] =	sbarrier.arrive $0xFFFF  }
0x321: {  	[sflag:s0] =	ssyncadd.tile.s32 @!p0 $0x1;
	_ =	shalt  }
.Lfunc_end2:
_tile_overlayer_lowered:
.L_overlay_start_2:
0x322: {  	(tag) =	ssettag $0x2  }
0x323: {  	s0 =	rddreg [dreg:$0x0];
	s2 =	stileid.u32  }
0x324: {  	s1 =	rddreg [dreg:$0x1];
	p0 =	sne.s32 s2, $0x0  }
0x325: {  	s3 =	rddreg [dreg:$0x2];
	[bflag:$0x3] =	sbarrier.arrive $0xFFFF;
	s2 =	simm.s32 @!p0 $0x1C05  }
0x326: {  	[timem:s3], [sflag:s2] =	dma.local @!p0 [hbm:s0], s1  }
0x327: {  	s0 =	simm.s32 @!p0 $0x5  }
0x328: {  	_ =	swait.ge @!p0 [sflag:s0], s1  }
0x329: {  	s1 =	ssub.s32 @!p0 $0x0, s1;
	[sflag:s0] =	ssyncset.done @!p0 $0x0  }
0x32a: {  	[sflag:s0] =	ssyncadd.s32 @!p0 s1  }
0x32b: {  	[bflag:$0x3] =	sbarrier.arrive $0xFFFF  }
0x32c: {  	_ =	shalt  }

</sc_bundles>
